<compile_context>
chip_gen: v7x
topology: tpu7x:2x2x1
jax: 0.10.2.dev20260603
libtpu: 0.0.44.dev20260713+nightly
codegen_flags: <defaults>
</compile_context>

<pallas_src>
import jax
import jax.numpy as jnp
from jax import lax
from jax.experimental import pallas as pl
from jax.experimental.pallas import tpu as pltpu
from jax.experimental.pallas import tpu_sc as plsc

VOCAB = 100000
DIM = 64
MAX_POS = 512
B = 1024
L = 200

NC, NS, LANES = 2, 16, 16
NW = NC * NS
SEQ_PER_W = B // NW
SEQ_PER_CHUNK = 2
CHUNK = SEQ_PER_CHUNK * L
NCHUNK = SEQ_PER_W // SEQ_PER_CHUNK
SUB = 40
NSUB = L // SUB


def _rsqrt16(v):
    i = lax.bitcast_convert_type(v, jnp.int32)
    i = jnp.int32(0x5F3759DF) - (i >> 1)
    y = lax.bitcast_convert_type(i, jnp.float32)
    for _ in range(2):
        y = y * (1.5 - 0.5 * v * y * y)
    return y


def _body(ids_hbm, weight_hbm, pos_hbm, gamma_hbm, beta_hbm, out_hbm,
          idx_v, in_v, stage_v, pos_v, gamma_v, beta_v, gsem, wsem):
    wid = lax.axis_index("s") * NC + lax.axis_index("c")

    pltpu.sync_copy(ids_hbm.at[pl.ds(wid * SEQ_PER_W, SEQ_PER_W)], idx_v)
    pltpu.sync_copy(pos_hbm.at[pl.ds(0, L)], pos_v)
    pltpu.sync_copy(gamma_hbm, gamma_v)
    pltpu.sync_copy(beta_hbm, beta_v)

    gvec = [gamma_v[pl.ds(k * LANES, LANES)] for k in range(DIM // LANES)]
    bvec = [beta_v[pl.ds(k * LANES, LANES)] for k in range(DIM // LANES)]

    iota = lax.iota(jnp.int32, LANES)
    perm = [(iota ^ (1 << k)).reshape(LANES, 1) for k in range(4)]
    dnums = lax.GatherDimensionNumbers(offset_dims=(),
                                       collapsed_slice_dims=(0,),
                                       start_index_map=(0,))

    def _allsum(v):
        for pidx in perm:
            v = v + lax.gather(v, pidx, dnums, (1,),
                               mode=lax.GatherScatterMode.PROMISE_IN_BOUNDS)
        return v

    def issue_gather(c, bi):
        for sl in range(SEQ_PER_CHUNK):
            for k in range(NSUB):
                pltpu.async_copy(
                    weight_hbm.at[idx_v.at[c * SEQ_PER_CHUNK + sl,
                                           pl.ds(k * SUB, SUB)]],
                    in_v.at[bi].at[pl.ds(sl * L + k * SUB, SUB)],
                    gsem.at[bi])

    def compute_chunk(bi):
        in_ref = in_v.at[bi]
        out_ref = stage_v.at[bi]

        @plsc.parallel_loop(0, L, unroll=4)
        def lbody(l):
            p = [pos_v[l, pl.ds(k * LANES, LANES)] for k in range(DIM // LANES)]
            for s_local in range(SEQ_PER_CHUNK):
                t = l + s_local * L
                x = [in_ref[t, pl.ds(k * LANES, LANES)] + p[k]
                     for k in range(DIM // LANES)]
                s4 = (x[0] + x[1]) + (x[2] + x[3])
                q4 = ((x[0] * x[0] + x[1] * x[1])
                      + (x[2] * x[2] + x[3] * x[3]))
                mean_v = _allsum(s4) * (1.0 / DIM)
                var_v = jnp.maximum(_allsum(q4) * (1.0 / DIM)
                                    - mean_v * mean_v, 0.0) + 1e-12
                r = _rsqrt16(var_v)
                for k in range(DIM // LANES):
                    y = (x[k] - mean_v) * (r * gvec[k]) + bvec[k]
                    out_ref[s_local, l, pl.ds(k * LANES, LANES)] = y

    def wait_gather(bi):
        pltpu.make_async_copy(weight_hbm.at[pl.ds(0, CHUNK)], in_v.at[bi],
                              gsem.at[bi]).wait()

    def wait_wb(bi):
        pltpu.make_async_copy(stage_v.at[bi],
                              out_hbm.at[pl.ds(0, SEQ_PER_CHUNK)],
                              wsem.at[bi]).wait()

    issue_gather(0, 0)
    issue_gather(1, 1)

    def chunk_body(c, _):
        bi = c % 2
        wait_gather(bi)

        @pl.when(c >= 2)
        def _():
            wait_wb(bi)

        compute_chunk(bi)
        off = pl.multiple_of(wid * SEQ_PER_W + c * SEQ_PER_CHUNK,
                             SEQ_PER_CHUNK)
        pltpu.async_copy(stage_v.at[bi],
                         out_hbm.at[pl.ds(off, SEQ_PER_CHUNK)],
                         wsem.at[bi])

        @pl.when(c + 2 < NCHUNK)
        def _():
            issue_gather(c + 2, bi)

        return 0

    lax.fori_loop(0, NCHUNK, chunk_body, 0)
    wait_wb(0)
    wait_wb(1)


@jax.jit
def kernel(input_ids, weight, position_embeddings, gamma, beta):
    run = pl.kernel(
        _body,
        out_type=jax.ShapeDtypeStruct((B, L, DIM), jnp.float32),
        mesh=plsc.VectorSubcoreMesh(core_axis_name="c", subcore_axis_name="s"),
        compiler_params=pltpu.CompilerParams(needs_layout_passes=False,
                                             use_tc_tiling_on_sc=False),
        scratch_types=[
            pltpu.VMEM((SEQ_PER_W, L), jnp.int32),
            pltpu.VMEM((2, CHUNK, DIM), jnp.float32),
            pltpu.VMEM((2, SEQ_PER_CHUNK, L, DIM), jnp.float32),
            pltpu.VMEM((L, DIM), jnp.float32),
            pltpu.VMEM((DIM,), jnp.float32),
            pltpu.VMEM((DIM,), jnp.float32),
            pltpu.SemaphoreType.DMA((2,)),
            pltpu.SemaphoreType.DMA((2,)),
        ],
    )
    return run(input_ids, weight, position_embeddings, gamma, beta)

# --- scband reference (transcript-rebuilt; emitter-appended) ---
"""Pipeline reference for scband-embedding-33371895890178 (READ-ONLY COPY).

The authoritative reference and input builder live on the scoring server;
editing this copy changes nothing except your own understanding.
"""

import jax, jax.numpy as jnp
import numpy as np

VOCAB = 100000
DIM = 64
MAX_POS = 512
B = 1024
L = 200

def setup_inputs(seed: int = 0) -> dict:
    key = jax.random.key(seed)
    k1, k2, k3 = jax.random.split(key, 3)
    input_ids = jax.random.randint(k1, (B, L), 0, VOCAB, dtype=jnp.int64 if jax.config.jax_enable_x64 else jnp.int32)
    weight = jax.random.normal(k2, (VOCAB, DIM), dtype=jnp.float32) * 0.02
    position_embeddings = jax.random.normal(k3, (MAX_POS, DIM), dtype=jnp.float32) * 0.02
    gamma = jnp.ones((DIM,), dtype=jnp.float32)
    beta = jnp.zeros((DIM,), dtype=jnp.float32)
    return {"input_ids": input_ids, "weight": weight, "position_embeddings": position_embeddings, "gamma": gamma, "beta": beta}

def _layer_norm(x, gamma, beta, eps=1e-12):
    mean = jnp.mean(x, axis=-1, keepdims=True)
    var = jnp.mean(jnp.square(x - mean), axis=-1, keepdims=True)
    normed = (x - mean) / jnp.sqrt(var + eps)
    return normed * gamma + beta

def reference(input_ids, weight, position_embeddings, gamma, beta):
    # word embedding gather
    inputs_embeds = jnp.take(weight, input_ids, axis=0)
    # position embeddings: arange over seq dim, broadcast over batch
    seq_len = input_ids.shape[-1]
    position_ids = jnp.arange(seq_len)[None, :]
    position_embeds = jnp.take(position_embeddings, position_ids, axis=0)
    final_embeddings = inputs_embeds + position_embeds
    final_embeddings = _layer_norm(final_embeddings, gamma, beta, eps=1e-12)
    # dropout is identity at inference
    return final_embeddings

if __name__ == "__main__":
    import jax
    _d = setup_inputs()
    print(jax.jit(kernel)(*tuple(_d.values())))

</pallas_src>

<mosaic_0001>
#map = affine_map<(d0, d1) -> (0, 0)>
#map1 = affine_map<(d0, d1) -> (0)>
#map2 = affine_map<(d0, d1) -> (0, 0, 0)>
module attributes {stable_mosaic.version = 14 : i64} {
  func.func @_body(%arg0: i32, %arg1: i32, %arg2: memref<1024x200xi32, #tpu.memory_space<hbm>>, %arg3: memref<100000x64xf32, #tpu.memory_space<hbm>>, %arg4: memref<512x64xf32, #tpu.memory_space<hbm>>, %arg5: memref<64xf32, #tpu.memory_space<hbm>>, %arg6: memref<64xf32, #tpu.memory_space<hbm>>, %arg7: memref<1024x200x64xf32, #tpu.memory_space<hbm>>, %arg8: memref<32x200xi32, #tpu.memory_space<vmem>>, %arg9: memref<2x400x64xf32, #tpu.memory_space<vmem>>, %arg10: memref<2x2x200x64xf32, #tpu.memory_space<vmem>>, %arg11: memref<200x64xf32, #tpu.memory_space<vmem>>, %arg12: memref<64xf32, #tpu.memory_space<vmem>>, %arg13: memref<64xf32, #tpu.memory_space<vmem>>, %arg14: memref<2x!tpu.dma_semaphore, #tpu.memory_space<semaphore_mem>>, %arg15: memref<2x!tpu.dma_semaphore, #tpu.memory_space<semaphore_mem>>) attributes {dimension_semantics = [#tpu.dimension_semantics<core_parallel>, #tpu.dimension_semantics<subcore_parallel>], iteration_bounds = array<i64: 2, 16>, scalar_prefetch = 0 : i64, scratch_operands = 8 : i64, tpu.core_type = #tpu.core_type<sc_vector_subcore>, window_params = [{transform_indices = #map}, {transform_indices = #map}, {transform_indices = #map}, {transform_indices = #map1}, {transform_indices = #map1}, {transform_indices = #map2}]} {
    %mul3A = arith.constant 2 : i32
    %mul3A_0 = arith.muli %arg1, %mul3A : i32
    %add3A = arith.addi %mul3A_0, %arg0 : i32
    %mul3A_1 = arith.constant 32 : i32
    %mul3A_2 = arith.muli %add3A, %mul3A_1 : i32
    "tpu.region"() ({
      %run_scoped3A = tpu.sem_alloc : memref<!tpu.dma_semaphore, #tpu.memory_space<semaphore_mem>>
      %dma_start3A_440 = arith.constant 0 : i32
      %dma_start3A_441 = tpu.memref_slice %arg2[%mul3A_2, %dma_start3A_440] : memref<1024x200xi32, #tpu.memory_space<hbm>> -> memref<32x200xi32, #tpu.memory_space<hbm>>
      %dma_start3A_442 = arith.constant 0 : i32
      %dma_start3A_443 = tpu.memref_slice %arg2[%mul3A_2, %dma_start3A_442] : memref<1024x200xi32, #tpu.memory_space<hbm>> -> memref<32x200xi32, #tpu.memory_space<hbm>>
      tpu.enqueue_dma source(%dma_start3A_443 : memref<32x200xi32, #tpu.memory_space<hbm>>) target(%arg8 : memref<32x200xi32, #tpu.memory_space<vmem>>) target_semaphore(%run_scoped3A : memref<!tpu.dma_semaphore, #tpu.memory_space<semaphore_mem>>)
      %dma_wait3A_444 = arith.constant 0 : i32
      %dma_wait3A_445 = tpu.memref_slice %arg2[%mul3A_2, %dma_wait3A_444] : memref<1024x200xi32, #tpu.memory_space<hbm>> -> memref<32x200xi32, #tpu.memory_space<hbm>>
      %dma_wait3A_446 = arith.constant 0 : i32
      %dma_wait3A_447 = tpu.memref_slice %arg2[%mul3A_2, %dma_wait3A_446] : memref<1024x200xi32, #tpu.memory_space<hbm>> -> memref<32x200xi32, #tpu.memory_space<hbm>>
      tpu.wait_dma2 semaphore(%run_scoped3A : memref<!tpu.dma_semaphore, #tpu.memory_space<semaphore_mem>>) src(%dma_wait3A_447 : memref<32x200xi32, #tpu.memory_space<hbm>>) dst(%arg8 : memref<32x200xi32, #tpu.memory_space<vmem>>)
      tpu.yield
    }) : () -> ()
    "tpu.region"() ({
      %run_scoped3A = tpu.sem_alloc : memref<!tpu.dma_semaphore, #tpu.memory_space<semaphore_mem>>
      %dma_start3A_440 = arith.constant 0 : i32
      %dma_start3A_441 = arith.constant 0 : i32
      %dma_start3A_442 = tpu.memref_slice %arg4[%dma_start3A_440, %dma_start3A_441] : memref<512x64xf32, #tpu.memory_space<hbm>> -> memref<200x64xf32, #tpu.memory_space<hbm>>
      %dma_start3A_443 = arith.constant 0 : i32
      %dma_start3A_444 = arith.constant 0 : i32
      %dma_start3A_445 = tpu.memref_slice %arg4[%dma_start3A_443, %dma_start3A_444] : memref<512x64xf32, #tpu.memory_space<hbm>> -> memref<200x64xf32, #tpu.memory_space<hbm>>
      tpu.enqueue_dma source(%dma_start3A_445 : memref<200x64xf32, #tpu.memory_space<hbm>>) target(%arg11 : memref<200x64xf32, #tpu.memory_space<vmem>>) target_semaphore(%run_scoped3A : memref<!tpu.dma_semaphore, #tpu.memory_space<semaphore_mem>>)
      %dma_wait3A_446 = arith.constant 0 : i32
      %dma_wait3A_447 = arith.constant 0 : i32
      %dma_wait3A_448 = tpu.memref_slice %arg4[%dma_wait3A_446, %dma_wait3A_447] : memref<512x64xf32, #tpu.memory_space<hbm>> -> memref<200x64xf32, #tpu.memory_space<hbm>>
      %dma_wait3A_449 = arith.constant 0 : i32
      %dma_wait3A_450 = arith.constant 0 : i32
      %dma_wait3A_451 = tpu.memref_slice %arg4[%dma_wait3A_449, %dma_wait3A_450] : memref<512x64xf32, #tpu.memory_space<hbm>> -> memref<200x64xf32, #tpu.memory_space<hbm>>
      tpu.wait_dma2 semaphore(%run_scoped3A : memref<!tpu.dma_semaphore, #tpu.memory_space<semaphore_mem>>) src(%dma_wait3A_451 : memref<200x64xf32, #tpu.memory_space<hbm>>) dst(%arg11 : memref<200x64xf32, #tpu.memory_space<vmem>>)
      tpu.yield
    }) : () -> ()
    "tpu.region"() ({
      %run_scoped3A = tpu.sem_alloc : memref<!tpu.dma_semaphore, #tpu.memory_space<semaphore_mem>>
      tpu.enqueue_dma source(%arg5 : memref<64xf32, #tpu.memory_space<hbm>>) target(%arg12 : memref<64xf32, #tpu.memory_space<vmem>>) target_semaphore(%run_scoped3A : memref<!tpu.dma_semaphore, #tpu.memory_space<semaphore_mem>>)
      tpu.wait_dma2 semaphore(%run_scoped3A : memref<!tpu.dma_semaphore, #tpu.memory_space<semaphore_mem>>) src(%arg5 : memref<64xf32, #tpu.memory_space<hbm>>) dst(%arg12 : memref<64xf32, #tpu.memory_space<vmem>>)
      tpu.yield
    }) : () -> ()
    "tpu.region"() ({
      %run_scoped3A = tpu.sem_alloc : memref<!tpu.dma_semaphore, #tpu.memory_space<semaphore_mem>>
      tpu.enqueue_dma source(%arg6 : memref<64xf32, #tpu.memory_space<hbm>>) target(%arg13 : memref<64xf32, #tpu.memory_space<vmem>>) target_semaphore(%run_scoped3A : memref<!tpu.dma_semaphore, #tpu.memory_space<semaphore_mem>>)
      tpu.wait_dma2 semaphore(%run_scoped3A : memref<!tpu.dma_semaphore, #tpu.memory_space<semaphore_mem>>) src(%arg6 : memref<64xf32, #tpu.memory_space<hbm>>) dst(%arg13 : memref<64xf32, #tpu.memory_space<vmem>>)
      tpu.yield
    }) : () -> ()
    %get3A = arith.constant 0 : index
    %get3A_3 = tpu.vector_load %arg12[%get3A] {strides = array<i32>} : memref<64xf32, #tpu.memory_space<vmem>>, vector<16xf32>,
    %get3A_4 = arith.constant 16 : index
    %get3A_5 = tpu.vector_load %arg12[%get3A_4] {strides = array<i32>} : memref<64xf32, #tpu.memory_space<vmem>>, vector<16xf32>,
    %get3A_6 = arith.constant 32 : index
    %get3A_7 = tpu.vector_load %arg12[%get3A_6] {strides = array<i32>} : memref<64xf32, #tpu.memory_space<vmem>>, vector<16xf32>,
    %get3A_8 = arith.constant 48 : index
    %get3A_9 = tpu.vector_load %arg12[%get3A_8] {strides = array<i32>} : memref<64xf32, #tpu.memory_space<vmem>>, vector<16xf32>,
    %get3A_10 = arith.constant 0 : index
    %get3A_11 = tpu.vector_load %arg13[%get3A_10] {strides = array<i32>} : memref<64xf32, #tpu.memory_space<vmem>>, vector<16xf32>,
    %get3A_12 = arith.constant 16 : index
    %get3A_13 = tpu.vector_load %arg13[%get3A_12] {strides = array<i32>} : memref<64xf32, #tpu.memory_space<vmem>>, vector<16xf32>,
    %get3A_14 = arith.constant 32 : index
    %get3A_15 = tpu.vector_load %arg13[%get3A_14] {strides = array<i32>} : memref<64xf32, #tpu.memory_space<vmem>>, vector<16xf32>,
    %get3A_16 = arith.constant 48 : index
    %get3A_17 = tpu.vector_load %arg13[%get3A_16] {strides = array<i32>} : memref<64xf32, #tpu.memory_space<vmem>>, vector<16xf32>,
    %iota3A = tpu.iota {dimensions = array<i32: 0>} : vector<16xi32>
    %xor3A = arith.constant 1 : i32
    %xor3A_18 = vector.broadcast %xor3A : i32 to vector<16xi32>
    %xor3A_19 = arith.xori %iota3A, %xor3A_18 : vector<16xi32>
    %reshape3A = vector.shape_cast %xor3A_19 : vector<16xi32> to vector<16x1xi32>
    %xor3A_20 = arith.constant 2 : i32
    %xor3A_21 = vector.broadcast %xor3A_20 : i32 to vector<16xi32>
    %xor3A_22 = arith.xori %iota3A, %xor3A_21 : vector<16xi32>
    %reshape3A_23 = vector.shape_cast %xor3A_22 : vector<16xi32> to vector<16x1xi32>
    %xor3A_24 = arith.constant 4 : i32
    %xor3A_25 = vector.broadcast %xor3A_24 : i32 to vector<16xi32>
    %xor3A_26 = arith.xori %iota3A, %xor3A_25 : vector<16xi32>
    %reshape3A_27 = vector.shape_cast %xor3A_26 : vector<16xi32> to vector<16x1xi32>
    %xor3A_28 = arith.constant 8 : i32
    %xor3A_29 = vector.broadcast %xor3A_28 : i32 to vector<16xi32>
    %xor3A_30 = arith.xori %iota3A, %xor3A_29 : vector<16xi32>
    %reshape3A_31 = vector.shape_cast %xor3A_30 : vector<16xi32> to vector<16x1xi32>
    %dma_start3A = arith.constant 0 : i32
    %dma_start3A_32 = arith.constant 0 : i32
    %dma_start3A_33 = arith.constant 0 : i32
    %dma_start3A_34 = arith.constant 0 : i32
    %dma_start3A_35 = arith.constant 0 : i32
    %dma_start3A_36 = tpu.memref_slice %arg9[%dma_start3A_32, %dma_start3A_34, %dma_start3A_35] : memref<2x400x64xf32, #tpu.memory_space<vmem>> -> memref<1x400x64xf32, #tpu.memory_space<vmem>>
    %dma_start3A_37 = tpu.memref_squeeze %dma_start3A_36 : memref<1x400x64xf32, #tpu.memory_space<vmem>> -> memref<400x64xf32, #tpu.memory_space<vmem>>
    %dma_start3A_38 = arith.constant 0 : i32
    %dma_start3A_39 = arith.constant 0 : i32
    %dma_start3A_40 = tpu.memref_slice %dma_start3A_37[%dma_start3A_38, %dma_start3A_39] : memref<400x64xf32, #tpu.memory_space<vmem>> -> memref<40x64xf32, #tpu.memory_space<vmem>>
    %dma_start3A_41 = arith.constant 0 : i32
    %dma_start3A_42 = tpu.memref_slice %arg8[%dma_start3A, %dma_start3A_41] : memref<32x200xi32, #tpu.memory_space<vmem>> -> memref<1x40xi32, #tpu.memory_space<vmem>>
    %dma_start3A_43 = tpu.memref_squeeze %dma_start3A_42 : memref<1x40xi32, #tpu.memory_space<vmem>> -> memref<40xi32, #tpu.memory_space<vmem>>
    %dma_start3A_44 = arith.constant 0 : i32
    %dma_start3A_45 = arith.constant 0 : i32
    %dma_start3A_46 = tpu.memref_slice %arg3[%dma_start3A_44, %dma_start3A_45] : memref<100000x64xf32, #tpu.memory_space<hbm>> -> memref<100000x64xf32, #tpu.memory_space<hbm>>
    %dma_start3A_47 = tpu.memref_slice %arg14[%dma_start3A_33] : memref<2x!tpu.dma_semaphore, #tpu.memory_space<semaphore_mem>> -> memref<1x!tpu.dma_semaphore, #tpu.memory_space<semaphore_mem>>
    %dma_start3A_48 = tpu.memref_squeeze %dma_start3A_47 : memref<1x!tpu.dma_semaphore, #tpu.memory_space<semaphore_mem>> -> memref<!tpu.dma_semaphore, #tpu.memory_space<semaphore_mem>>
    tpu.enqueue_indirect_dma source(%dma_start3A_46 : memref<100000x64xf32, #tpu.memory_space<hbm>>) target(%dma_start3A_40 : memref<40x64xf32, #tpu.memory_space<vmem>>) offsets(%dma_start3A_43 : memref<40xi32, #tpu.memory_space<vmem>>) semaphore(%dma_start3A_48 : memref<!tpu.dma_semaphore, #tpu.memory_space<semaphore_mem>>)
    %dma_start3A_49 = arith.constant 0 : i32
    %dma_start3A_50 = arith.constant 0 : i32
    %dma_start3A_51 = arith.constant 0 : i32
    %dma_start3A_52 = arith.constant 0 : i32
    %dma_start3A_53 = arith.constant 0 : i32
    %dma_start3A_54 = tpu.memref_slice %arg9[%dma_start3A_50, %dma_start3A_52, %dma_start3A_53] : memref<2x400x64xf32, #tpu.memory_space<vmem>> -> memref<1x400x64xf32, #tpu.memory_space<vmem>>
    %dma_start3A_55 = tpu.memref_squeeze %dma_start3A_54 : memref<1x400x64xf32, #tpu.memory_space<vmem>> -> memref<400x64xf32, #tpu.memory_space<vmem>>
    %dma_start3A_56 = arith.constant 40 : i32
    %dma_start3A_57 = arith.constant 0 : i32
    %dma_start3A_58 = tpu.memref_slice %dma_start3A_55[%dma_start3A_56, %dma_start3A_57] : memref<400x64xf32, #tpu.memory_space<vmem>> -> memref<40x64xf32, #tpu.memory_space<vmem>>
    %dma_start3A_59 = arith.constant 40 : i32
    %dma_start3A_60 = tpu.memref_slice %arg8[%dma_start3A_49, %dma_start3A_59] : memref<32x200xi32, #tpu.memory_space<vmem>> -> memref<1x40xi32, #tpu.memory_space<vmem>>
    %dma_start3A_61 = tpu.memref_squeeze %dma_start3A_60 : memref<1x40xi32, #tpu.memory_space<vmem>> -> memref<40xi32, #tpu.memory_space<vmem>>
    %dma_start3A_62 = arith.constant 0 : i32
    %dma_start3A_63 = arith.constant 0 : i32
    %dma_start3A_64 = tpu.memref_slice %arg3[%dma_start3A_62, %dma_start3A_63] : memref<100000x64xf32, #tpu.memory_space<hbm>> -> memref<100000x64xf32, #tpu.memory_space<hbm>>
    %dma_start3A_65 = tpu.memref_slice %arg14[%dma_start3A_51] : memref<2x!tpu.dma_semaphore, #tpu.memory_space<semaphore_mem>> -> memref<1x!tpu.dma_semaphore, #tpu.memory_space<semaphore_mem>>
    %dma_start3A_66 = tpu.memref_squeeze %dma_start3A_65 : memref<1x!tpu.dma_semaphore, #tpu.memory_space<semaphore_mem>> -> memref<!tpu.dma_semaphore, #tpu.memory_space<semaphore_mem>>
    tpu.enqueue_indirect_dma source(%dma_start3A_64 : memref<100000x64xf32, #tpu.memory_space<hbm>>) target(%dma_start3A_58 : memref<40x64xf32, #tpu.memory_space<vmem>>) offsets(%dma_start3A_61 : memref<40xi32, #tpu.memory_space<vmem>>) semaphore(%dma_start3A_66 : memref<!tpu.dma_semaphore, #tpu.memory_space<semaphore_mem>>)
    %dma_start3A_67 = arith.constant 0 : i32
    %dma_start3A_68 = arith.constant 0 : i32
    %dma_start3A_69 = arith.constant 0 : i32
    %dma_start3A_70 = arith.constant 0 : i32
    %dma_start3A_71 = arith.constant 0 : i32
    %dma_start3A_72 = tpu.memref_slice %arg9[%dma_start3A_68, %dma_start3A_70, %dma_start3A_71] : memref<2x400x64xf32, #tpu.memory_space<vmem>> -> memref<1x400x64xf32, #tpu.memory_space<vmem>>
    %dma_start3A_73 = tpu.memref_squeeze %dma_start3A_72 : memref<1x400x64xf32, #tpu.memory_space<vmem>> -> memref<400x64xf32, #tpu.memory_space<vmem>>
    %dma_start3A_74 = arith.constant 80 : i32
    %dma_start3A_75 = arith.constant 0 : i32
    %dma_start3A_76 = tpu.memref_slice %dma_start3A_73[%dma_start3A_74, %dma_start3A_75] : memref<400x64xf32, #tpu.memory_space<vmem>> -> memref<40x64xf32, #tpu.memory_space<vmem>>
    %dma_start3A_77 = arith.constant 80 : i32
    %dma_start3A_78 = tpu.memref_slice %arg8[%dma_start3A_67, %dma_start3A_77] : memref<32x200xi32, #tpu.memory_space<vmem>> -> memref<1x40xi32, #tpu.memory_space<vmem>>
    %dma_start3A_79 = tpu.memref_squeeze %dma_start3A_78 : memref<1x40xi32, #tpu.memory_space<vmem>> -> memref<40xi32, #tpu.memory_space<vmem>>
    %dma_start3A_80 = arith.constant 0 : i32
    %dma_start3A_81 = arith.constant 0 : i32
    %dma_start3A_82 = tpu.memref_slice %arg3[%dma_start3A_80, %dma_start3A_81] : memref<100000x64xf32, #tpu.memory_space<hbm>> -> memref<100000x64xf32, #tpu.memory_space<hbm>>
    %dma_start3A_83 = tpu.memref_slice %arg14[%dma_start3A_69] : memref<2x!tpu.dma_semaphore, #tpu.memory_space<semaphore_mem>> -> memref<1x!tpu.dma_semaphore, #tpu.memory_space<semaphore_mem>>
    %dma_start3A_84 = tpu.memref_squeeze %dma_start3A_83 : memref<1x!tpu.dma_semaphore, #tpu.memory_space<semaphore_mem>> -> memref<!tpu.dma_semaphore, #tpu.memory_space<semaphore_mem>>
    tpu.enqueue_indirect_dma source(%dma_start3A_82 : memref<100000x64xf32, #tpu.memory_space<hbm>>) target(%dma_start3A_76 : memref<40x64xf32, #tpu.memory_space<vmem>>) offsets(%dma_start3A_79 : memref<40xi32, #tpu.memory_space<vmem>>) semaphore(%dma_start3A_84 : memref<!tpu.dma_semaphore, #tpu.memory_space<semaphore_mem>>)
    %dma_start3A_85 = arith.constant 0 : i32
    %dma_start3A_86 = arith.constant 0 : i32
    %dma_start3A_87 = arith.constant 0 : i32
    %dma_start3A_88 = arith.constant 0 : i32
    %dma_start3A_89 = arith.constant 0 : i32
    %dma_start3A_90 = tpu.memref_slice %arg9[%dma_start3A_86, %dma_start3A_88, %dma_start3A_89] : memref<2x400x64xf32, #tpu.memory_space<vmem>> -> memref<1x400x64xf32, #tpu.memory_space<vmem>>
    %dma_start3A_91 = tpu.memref_squeeze %dma_start3A_90 : memref<1x400x64xf32, #tpu.memory_space<vmem>> -> memref<400x64xf32, #tpu.memory_space<vmem>>
    %dma_start3A_92 = arith.constant 120 : i32
    %dma_start3A_93 = arith.constant 0 : i32
    %dma_start3A_94 = tpu.memref_slice %dma_start3A_91[%dma_start3A_92, %dma_start3A_93] : memref<400x64xf32, #tpu.memory_space<vmem>> -> memref<40x64xf32, #tpu.memory_space<vmem>>
    %dma_start3A_95 = arith.constant 120 : i32
    %dma_start3A_96 = tpu.memref_slice %arg8[%dma_start3A_85, %dma_start3A_95] : memref<32x200xi32, #tpu.memory_space<vmem>> -> memref<1x40xi32, #tpu.memory_space<vmem>>
    %dma_start3A_97 = tpu.memref_squeeze %dma_start3A_96 : memref<1x40xi32, #tpu.memory_space<vmem>> -> memref<40xi32, #tpu.memory_space<vmem>>
    %dma_start3A_98 = arith.constant 0 : i32
    %dma_start3A_99 = arith.constant 0 : i32
    %dma_start3A_100 = tpu.memref_slice %arg3[%dma_start3A_98, %dma_start3A_99] : memref<100000x64xf32, #tpu.memory_space<hbm>> -> memref<100000x64xf32, #tpu.memory_space<hbm>>
    %dma_start3A_101 = tpu.memref_slice %arg14[%dma_start3A_87] : memref<2x!tpu.dma_semaphore, #tpu.memory_space<semaphore_mem>> -> memref<1x!tpu.dma_semaphore, #tpu.memory_space<semaphore_mem>>
    %dma_start3A_102 = tpu.memref_squeeze %dma_start3A_101 : memref<1x!tpu.dma_semaphore, #tpu.memory_space<semaphore_mem>> -> memref<!tpu.dma_semaphore, #tpu.memory_space<semaphore_mem>>
    tpu.enqueue_indirect_dma source(%dma_start3A_100 : memref<100000x64xf32, #tpu.memory_space<hbm>>) target(%dma_start3A_94 : memref<40x64xf32, #tpu.memory_space<vmem>>) offsets(%dma_start3A_97 : memref<40xi32, #tpu.memory_space<vmem>>) semaphore(%dma_start3A_102 : memref<!tpu.dma_semaphore, #tpu.memory_space<semaphore_mem>>)
    %dma_start3A_103 = arith.constant 0 : i32
    %dma_start3A_104 = arith.constant 0 : i32
    %dma_start3A_105 = arith.constant 0 : i32
    %dma_start3A_106 = arith.constant 0 : i32
    %dma_start3A_107 = arith.constant 0 : i32
    %dma_start3A_108 = tpu.memref_slice %arg9[%dma_start3A_104, %dma_start3A_106, %dma_start3A_107] : memref<2x400x64xf32, #tpu.memory_space<vmem>> -> memref<1x400x64xf32, #tpu.memory_space<vmem>>
    %dma_start3A_109 = tpu.memref_squeeze %dma_start3A_108 : memref<1x400x64xf32, #tpu.memory_space<vmem>> -> memref<400x64xf32, #tpu.memory_space<vmem>>
    %dma_start3A_110 = arith.constant 160 : i32
    %dma_start3A_111 = arith.constant 0 : i32
    %dma_start3A_112 = tpu.memref_slice %dma_start3A_109[%dma_start3A_110, %dma_start3A_111] : memref<400x64xf32, #tpu.memory_space<vmem>> -> memref<40x64xf32, #tpu.memory_space<vmem>>
    %dma_start3A_113 = arith.constant 160 : i32
    %dma_start3A_114 = tpu.memref_slice %arg8[%dma_start3A_103, %dma_start3A_113] : memref<32x200xi32, #tpu.memory_space<vmem>> -> memref<1x40xi32, #tpu.memory_space<vmem>>
    %dma_start3A_115 = tpu.memref_squeeze %dma_start3A_114 : memref<1x40xi32, #tpu.memory_space<vmem>> -> memref<40xi32, #tpu.memory_space<vmem>>
    %dma_start3A_116 = arith.constant 0 : i32
    %dma_start3A_117 = arith.constant 0 : i32
    %dma_start3A_118 = tpu.memref_slice %arg3[%dma_start3A_116, %dma_start3A_117] : memref<100000x64xf32, #tpu.memory_space<hbm>> -> memref<100000x64xf32, #tpu.memory_space<hbm>>
    %dma_start3A_119 = tpu.memref_slice %arg14[%dma_start3A_105] : memref<2x!tpu.dma_semaphore, #tpu.memory_space<semaphore_mem>> -> memref<1x!tpu.dma_semaphore, #tpu.memory_space<semaphore_mem>>
    %dma_start3A_120 = tpu.memref_squeeze %dma_start3A_119 : memref<1x!tpu.dma_semaphore, #tpu.memory_space<semaphore_mem>> -> memref<!tpu.dma_semaphore, #tpu.memory_space<semaphore_mem>>
    tpu.enqueue_indirect_dma source(%dma_start3A_118 : memref<100000x64xf32, #tpu.memory_space<hbm>>) target(%dma_start3A_112 : memref<40x64xf32, #tpu.memory_space<vmem>>) offsets(%dma_start3A_115 : memref<40xi32, #tpu.memory_space<vmem>>) semaphore(%dma_start3A_120 : memref<!tpu.dma_semaphore, #tpu.memory_space<semaphore_mem>>)
    %dma_start3A_121 = arith.constant 1 : i32
    %dma_start3A_122 = arith.constant 0 : i32
    %dma_start3A_123 = arith.constant 0 : i32
    %dma_start3A_124 = arith.constant 0 : i32
    %dma_start3A_125 = arith.constant 0 : i32
    %dma_start3A_126 = tpu.memref_slice %arg9[%dma_start3A_122, %dma_start3A_124, %dma_start3A_125] : memref<2x400x64xf32, #tpu.memory_space<vmem>> -> memref<1x400x64xf32, #tpu.memory_space<vmem>>
    %dma_start3A_127 = tpu.memref_squeeze %dma_start3A_126 : memref<1x400x64xf32, #tpu.memory_space<vmem>> -> memref<400x64xf32, #tpu.memory_space<vmem>>
    %dma_start3A_128 = arith.constant 200 : i32
    %dma_start3A_129 = arith.constant 0 : i32
    %dma_start3A_130 = tpu.memref_slice %dma_start3A_127[%dma_start3A_128, %dma_start3A_129] : memref<400x64xf32, #tpu.memory_space<vmem>> -> memref<40x64xf32, #tpu.memory_space<vmem>>
    %dma_start3A_131 = arith.constant 0 : i32
    %dma_start3A_132 = tpu.memref_slice %arg8[%dma_start3A_121, %dma_start3A_131] : memref<32x200xi32, #tpu.memory_space<vmem>> -> memref<1x40xi32, #tpu.memory_space<vmem>>
    %dma_start3A_133 = tpu.memref_squeeze %dma_start3A_132 : memref<1x40xi32, #tpu.memory_space<vmem>> -> memref<40xi32, #tpu.memory_space<vmem>>
    %dma_start3A_134 = arith.constant 0 : i32
    %dma_start3A_135 = arith.constant 0 : i32
    %dma_start3A_136 = tpu.memref_slice %arg3[%dma_start3A_134, %dma_start3A_135] : memref<100000x64xf32, #tpu.memory_space<hbm>> -> memref<100000x64xf32, #tpu.memory_space<hbm>>
    %dma_start3A_137 = tpu.memref_slice %arg14[%dma_start3A_123] : memref<2x!tpu.dma_semaphore, #tpu.memory_space<semaphore_mem>> -> memref<1x!tpu.dma_semaphore, #tpu.memory_space<semaphore_mem>>
    %dma_start3A_138 = tpu.memref_squeeze %dma_start3A_137 : memref<1x!tpu.dma_semaphore, #tpu.memory_space<semaphore_mem>> -> memref<!tpu.dma_semaphore, #tpu.memory_space<semaphore_mem>>
    tpu.enqueue_indirect_dma source(%dma_start3A_136 : memref<100000x64xf32, #tpu.memory_space<hbm>>) target(%dma_start3A_130 : memref<40x64xf32, #tpu.memory_space<vmem>>) offsets(%dma_start3A_133 : memref<40xi32, #tpu.memory_space<vmem>>) semaphore(%dma_start3A_138 : memref<!tpu.dma_semaphore, #tpu.memory_space<semaphore_mem>>)
    %dma_start3A_139 = arith.constant 1 : i32
    %dma_start3A_140 = arith.constant 0 : i32
    %dma_start3A_141 = arith.constant 0 : i32
    %dma_start3A_142 = arith.constant 0 : i32
    %dma_start3A_143 = arith.constant 0 : i32
    %dma_start3A_144 = tpu.memref_slice %arg9[%dma_start3A_140, %dma_start3A_142, %dma_start3A_143] : memref<2x400x64xf32, #tpu.memory_space<vmem>> -> memref<1x400x64xf32, #tpu.memory_space<vmem>>
    %dma_start3A_145 = tpu.memref_squeeze %dma_start3A_144 : memref<1x400x64xf32, #tpu.memory_space<vmem>> -> memref<400x64xf32, #tpu.memory_space<vmem>>
    %dma_start3A_146 = arith.constant 240 : i32
    %dma_start3A_147 = arith.constant 0 : i32
    %dma_start3A_148 = tpu.memref_slice %dma_start3A_145[%dma_start3A_146, %dma_start3A_147] : memref<400x64xf32, #tpu.memory_space<vmem>> -> memref<40x64xf32, #tpu.memory_space<vmem>>
    %dma_start3A_149 = arith.constant 40 : i32
    %dma_start3A_150 = tpu.memref_slice %arg8[%dma_start3A_139, %dma_start3A_149] : memref<32x200xi32, #tpu.memory_space<vmem>> -> memref<1x40xi32, #tpu.memory_space<vmem>>
    %dma_start3A_151 = tpu.memref_squeeze %dma_start3A_150 : memref<1x40xi32, #tpu.memory_space<vmem>> -> memref<40xi32, #tpu.memory_space<vmem>>
    %dma_start3A_152 = arith.constant 0 : i32
    %dma_start3A_153 = arith.constant 0 : i32
    %dma_start3A_154 = tpu.memref_slice %arg3[%dma_start3A_152, %dma_start3A_153] : memref<100000x64xf32, #tpu.memory_space<hbm>> -> memref<100000x64xf32, #tpu.memory_space<hbm>>
    %dma_start3A_155 = tpu.memref_slice %arg14[%dma_start3A_141] : memref<2x!tpu.dma_semaphore, #tpu.memory_space<semaphore_mem>> -> memref<1x!tpu.dma_semaphore, #tpu.memory_space<semaphore_mem>>
    %dma_start3A_156 = tpu.memref_squeeze %dma_start3A_155 : memref<1x!tpu.dma_semaphore, #tpu.memory_space<semaphore_mem>> -> memref<!tpu.dma_semaphore, #tpu.memory_space<semaphore_mem>>
    tpu.enqueue_indirect_dma source(%dma_start3A_154 : memref<100000x64xf32, #tpu.memory_space<hbm>>) target(%dma_start3A_148 : memref<40x64xf32, #tpu.memory_space<vmem>>) offsets(%dma_start3A_151 : memref<40xi32, #tpu.memory_space<vmem>>) semaphore(%dma_start3A_156 : memref<!tpu.dma_semaphore, #tpu.memory_space<semaphore_mem>>)
    %dma_start3A_157 = arith.constant 1 : i32
    %dma_start3A_158 = arith.constant 0 : i32
    %dma_start3A_159 = arith.constant 0 : i32
    %dma_start3A_160 = arith.constant 0 : i32
    %dma_start3A_161 = arith.constant 0 : i32
    %dma_start3A_162 = tpu.memref_slice %arg9[%dma_start3A_158, %dma_start3A_160, %dma_start3A_161] : memref<2x400x64xf32, #tpu.memory_space<vmem>> -> memref<1x400x64xf32, #tpu.memory_space<vmem>>
    %dma_start3A_163 = tpu.memref_squeeze %dma_start3A_162 : memref<1x400x64xf32, #tpu.memory_space<vmem>> -> memref<400x64xf32, #tpu.memory_space<vmem>>
    %dma_start3A_164 = arith.constant 280 : i32
    %dma_start3A_165 = arith.constant 0 : i32
    %dma_start3A_166 = tpu.memref_slice %dma_start3A_163[%dma_start3A_164, %dma_start3A_165] : memref<400x64xf32, #tpu.memory_space<vmem>> -> memref<40x64xf32, #tpu.memory_space<vmem>>
    %dma_start3A_167 = arith.constant 80 : i32
    %dma_start3A_168 = tpu.memref_slice %arg8[%dma_start3A_157, %dma_start3A_167] : memref<32x200xi32, #tpu.memory_space<vmem>> -> memref<1x40xi32, #tpu.memory_space<vmem>>
    %dma_start3A_169 = tpu.memref_squeeze %dma_start3A_168 : memref<1x40xi32, #tpu.memory_space<vmem>> -> memref<40xi32, #tpu.memory_space<vmem>>
    %dma_start3A_170 = arith.constant 0 : i32
    %dma_start3A_171 = arith.constant 0 : i32
    %dma_start3A_172 = tpu.memref_slice %arg3[%dma_start3A_170, %dma_start3A_171] : memref<100000x64xf32, #tpu.memory_space<hbm>> -> memref<100000x64xf32, #tpu.memory_space<hbm>>
    %dma_start3A_173 = tpu.memref_slice %arg14[%dma_start3A_159] : memref<2x!tpu.dma_semaphore, #tpu.memory_space<semaphore_mem>> -> memref<1x!tpu.dma_semaphore, #tpu.memory_space<semaphore_mem>>
    %dma_start3A_174 = tpu.memref_squeeze %dma_start3A_173 : memref<1x!tpu.dma_semaphore, #tpu.memory_space<semaphore_mem>> -> memref<!tpu.dma_semaphore, #tpu.memory_space<semaphore_mem>>
    tpu.enqueue_indirect_dma source(%dma_start3A_172 : memref<100000x64xf32, #tpu.memory_space<hbm>>) target(%dma_start3A_166 : memref<40x64xf32, #tpu.memory_space<vmem>>) offsets(%dma_start3A_169 : memref<40xi32, #tpu.memory_space<vmem>>) semaphore(%dma_start3A_174 : memref<!tpu.dma_semaphore, #tpu.memory_space<semaphore_mem>>)
    %dma_start3A_175 = arith.constant 1 : i32
    %dma_start3A_176 = arith.constant 0 : i32
    %dma_start3A_177 = arith.constant 0 : i32
    %dma_start3A_178 = arith.constant 0 : i32
    %dma_start3A_179 = arith.constant 0 : i32
    %dma_start3A_180 = tpu.memref_slice %arg9[%dma_start3A_176, %dma_start3A_178, %dma_start3A_179] : memref<2x400x64xf32, #tpu.memory_space<vmem>> -> memref<1x400x64xf32, #tpu.memory_space<vmem>>
    %dma_start3A_181 = tpu.memref_squeeze %dma_start3A_180 : memref<1x400x64xf32, #tpu.memory_space<vmem>> -> memref<400x64xf32, #tpu.memory_space<vmem>>
    %dma_start3A_182 = arith.constant 320 : i32
    %dma_start3A_183 = arith.constant 0 : i32
    %dma_start3A_184 = tpu.memref_slice %dma_start3A_181[%dma_start3A_182, %dma_start3A_183] : memref<400x64xf32, #tpu.memory_space<vmem>> -> memref<40x64xf32, #tpu.memory_space<vmem>>
    %dma_start3A_185 = arith.constant 120 : i32
    %dma_start3A_186 = tpu.memref_slice %arg8[%dma_start3A_175, %dma_start3A_185] : memref<32x200xi32, #tpu.memory_space<vmem>> -> memref<1x40xi32, #tpu.memory_space<vmem>>
    %dma_start3A_187 = tpu.memref_squeeze %dma_start3A_186 : memref<1x40xi32, #tpu.memory_space<vmem>> -> memref<40xi32, #tpu.memory_space<vmem>>
    %dma_start3A_188 = arith.constant 0 : i32
    %dma_start3A_189 = arith.constant 0 : i32
    %dma_start3A_190 = tpu.memref_slice %arg3[%dma_start3A_188, %dma_start3A_189] : memref<100000x64xf32, #tpu.memory_space<hbm>> -> memref<100000x64xf32, #tpu.memory_space<hbm>>
    %dma_start3A_191 = tpu.memref_slice %arg14[%dma_start3A_177] : memref<2x!tpu.dma_semaphore, #tpu.memory_space<semaphore_mem>> -> memref<1x!tpu.dma_semaphore, #tpu.memory_space<semaphore_mem>>
    %dma_start3A_192 = tpu.memref_squeeze %dma_start3A_191 : memref<1x!tpu.dma_semaphore, #tpu.memory_space<semaphore_mem>> -> memref<!tpu.dma_semaphore, #tpu.memory_space<semaphore_mem>>
    tpu.enqueue_indirect_dma source(%dma_start3A_190 : memref<100000x64xf32, #tpu.memory_space<hbm>>) target(%dma_start3A_184 : memref<40x64xf32, #tpu.memory_space<vmem>>) offsets(%dma_start3A_187 : memref<40xi32, #tpu.memory_space<vmem>>) semaphore(%dma_start3A_192 : memref<!tpu.dma_semaphore, #tpu.memory_space<semaphore_mem>>)
    %dma_start3A_193 = arith.constant 1 : i32
    %dma_start3A_194 = arith.constant 0 : i32
    %dma_start3A_195 = arith.constant 0 : i32
    %dma_start3A_196 = arith.constant 0 : i32
    %dma_start3A_197 = arith.constant 0 : i32
    %dma_start3A_198 = tpu.memref_slice %arg9[%dma_start3A_194, %dma_start3A_196, %dma_start3A_197] : memref<2x400x64xf32, #tpu.memory_space<vmem>> -> memref<1x400x64xf32, #tpu.memory_space<vmem>>
    %dma_start3A_199 = tpu.memref_squeeze %dma_start3A_198 : memref<1x400x64xf32, #tpu.memory_space<vmem>> -> memref<400x64xf32, #tpu.memory_space<vmem>>
    %dma_start3A_200 = arith.constant 360 : i32
    %dma_start3A_201 = arith.constant 0 : i32
    %dma_start3A_202 = tpu.memref_slice %dma_start3A_199[%dma_start3A_200, %dma_start3A_201] : memref<400x64xf32, #tpu.memory_space<vmem>> -> memref<40x64xf32, #tpu.memory_space<vmem>>
    %dma_start3A_203 = arith.constant 160 : i32
    %dma_start3A_204 = tpu.memref_slice %arg8[%dma_start3A_193, %dma_start3A_203] : memref<32x200xi32, #tpu.memory_space<vmem>> -> memref<1x40xi32, #tpu.memory_space<vmem>>
    %dma_start3A_205 = tpu.memref_squeeze %dma_start3A_204 : memref<1x40xi32, #tpu.memory_space<vmem>> -> memref<40xi32, #tpu.memory_space<vmem>>
    %dma_start3A_206 = arith.constant 0 : i32
    %dma_start3A_207 = arith.constant 0 : i32
    %dma_start3A_208 = tpu.memref_slice %arg3[%dma_start3A_206, %dma_start3A_207] : memref<100000x64xf32, #tpu.memory_space<hbm>> -> memref<100000x64xf32, #tpu.memory_space<hbm>>
    %dma_start3A_209 = tpu.memref_slice %arg14[%dma_start3A_195] : memref<2x!tpu.dma_semaphore, #tpu.memory_space<semaphore_mem>> -> memref<1x!tpu.dma_semaphore, #tpu.memory_space<semaphore_mem>>
    %dma_start3A_210 = tpu.memref_squeeze %dma_start3A_209 : memref<1x!tpu.dma_semaphore, #tpu.memory_space<semaphore_mem>> -> memref<!tpu.dma_semaphore, #tpu.memory_space<semaphore_mem>>
    tpu.enqueue_indirect_dma source(%dma_start3A_208 : memref<100000x64xf32, #tpu.memory_space<hbm>>) target(%dma_start3A_202 : memref<40x64xf32, #tpu.memory_space<vmem>>) offsets(%dma_start3A_205 : memref<40xi32, #tpu.memory_space<vmem>>) semaphore(%dma_start3A_210 : memref<!tpu.dma_semaphore, #tpu.memory_space<semaphore_mem>>)
    %dma_start3A_211 = arith.constant 2 : i32
    %dma_start3A_212 = arith.constant 1 : i32
    %dma_start3A_213 = arith.constant 1 : i32
    %dma_start3A_214 = arith.constant 0 : i32
    %dma_start3A_215 = arith.constant 0 : i32
    %dma_start3A_216 = tpu.memref_slice %arg9[%dma_start3A_212, %dma_start3A_214, %dma_start3A_215] : memref<2x400x64xf32, #tpu.memory_space<vmem>> -> memref<1x400x64xf32, #tpu.memory_space<vmem>>
    %dma_start3A_217 = tpu.memref_squeeze %dma_start3A_216 : memref<1x400x64xf32, #tpu.memory_space<vmem>> -> memref<400x64xf32, #tpu.memory_space<vmem>>
    %dma_start3A_218 = arith.constant 0 : i32
    %dma_start3A_219 = arith.constant 0 : i32
    %dma_start3A_220 = tpu.memref_slice %dma_start3A_217[%dma_start3A_218, %dma_start3A_219] : memref<400x64xf32, #tpu.memory_space<vmem>> -> memref<40x64xf32, #tpu.memory_space<vmem>>
    %dma_start3A_221 = arith.constant 0 : i32
    %dma_start3A_222 = tpu.memref_slice %arg8[%dma_start3A_211, %dma_start3A_221] : memref<32x200xi32, #tpu.memory_space<vmem>> -> memref<1x40xi32, #tpu.memory_space<vmem>>
    %dma_start3A_223 = tpu.memref_squeeze %dma_start3A_222 : memref<1x40xi32, #tpu.memory_space<vmem>> -> memref<40xi32, #tpu.memory_space<vmem>>
    %dma_start3A_224 = arith.constant 0 : i32
    %dma_start3A_225 = arith.constant 0 : i32
    %dma_start3A_226 = tpu.memref_slice %arg3[%dma_start3A_224, %dma_start3A_225] : memref<100000x64xf32, #tpu.memory_space<hbm>> -> memref<100000x64xf32, #tpu.memory_space<hbm>>
    %dma_start3A_227 = tpu.memref_slice %arg14[%dma_start3A_213] : memref<2x!tpu.dma_semaphore, #tpu.memory_space<semaphore_mem>> -> memref<1x!tpu.dma_semaphore, #tpu.memory_space<semaphore_mem>>
    %dma_start3A_228 = tpu.memref_squeeze %dma_start3A_227 : memref<1x!tpu.dma_semaphore, #tpu.memory_space<semaphore_mem>> -> memref<!tpu.dma_semaphore, #tpu.memory_space<semaphore_mem>>
    tpu.enqueue_indirect_dma source(%dma_start3A_226 : memref<100000x64xf32, #tpu.memory_space<hbm>>) target(%dma_start3A_220 : memref<40x64xf32, #tpu.memory_space<vmem>>) offsets(%dma_start3A_223 : memref<40xi32, #tpu.memory_space<vmem>>) semaphore(%dma_start3A_228 : memref<!tpu.dma_semaphore, #tpu.memory_space<semaphore_mem>>)
    %dma_start3A_229 = arith.constant 2 : i32
    %dma_start3A_230 = arith.constant 1 : i32
    %dma_start3A_231 = arith.constant 1 : i32
    %dma_start3A_232 = arith.constant 0 : i32
    %dma_start3A_233 = arith.constant 0 : i32
    %dma_start3A_234 = tpu.memref_slice %arg9[%dma_start3A_230, %dma_start3A_232, %dma_start3A_233] : memref<2x400x64xf32, #tpu.memory_space<vmem>> -> memref<1x400x64xf32, #tpu.memory_space<vmem>>
    %dma_start3A_235 = tpu.memref_squeeze %dma_start3A_234 : memref<1x400x64xf32, #tpu.memory_space<vmem>> -> memref<400x64xf32, #tpu.memory_space<vmem>>
    %dma_start3A_236 = arith.constant 40 : i32
    %dma_start3A_237 = arith.constant 0 : i32
    %dma_start3A_238 = tpu.memref_slice %dma_start3A_235[%dma_start3A_236, %dma_start3A_237] : memref<400x64xf32, #tpu.memory_space<vmem>> -> memref<40x64xf32, #tpu.memory_space<vmem>>
    %dma_start3A_239 = arith.constant 40 : i32
    %dma_start3A_240 = tpu.memref_slice %arg8[%dma_start3A_229, %dma_start3A_239] : memref<32x200xi32, #tpu.memory_space<vmem>> -> memref<1x40xi32, #tpu.memory_space<vmem>>
    %dma_start3A_241 = tpu.memref_squeeze %dma_start3A_240 : memref<1x40xi32, #tpu.memory_space<vmem>> -> memref<40xi32, #tpu.memory_space<vmem>>
    %dma_start3A_242 = arith.constant 0 : i32
    %dma_start3A_243 = arith.constant 0 : i32
    %dma_start3A_244 = tpu.memref_slice %arg3[%dma_start3A_242, %dma_start3A_243] : memref<100000x64xf32, #tpu.memory_space<hbm>> -> memref<100000x64xf32, #tpu.memory_space<hbm>>
    %dma_start3A_245 = tpu.memref_slice %arg14[%dma_start3A_231] : memref<2x!tpu.dma_semaphore, #tpu.memory_space<semaphore_mem>> -> memref<1x!tpu.dma_semaphore, #tpu.memory_space<semaphore_mem>>
    %dma_start3A_246 = tpu.memref_squeeze %dma_start3A_245 : memref<1x!tpu.dma_semaphore, #tpu.memory_space<semaphore_mem>> -> memref<!tpu.dma_semaphore, #tpu.memory_space<semaphore_mem>>
    tpu.enqueue_indirect_dma source(%dma_start3A_244 : memref<100000x64xf32, #tpu.memory_space<hbm>>) target(%dma_start3A_238 : memref<40x64xf32, #tpu.memory_space<vmem>>) offsets(%dma_start3A_241 : memref<40xi32, #tpu.memory_space<vmem>>) semaphore(%dma_start3A_246 : memref<!tpu.dma_semaphore, #tpu.memory_space<semaphore_mem>>)
    %dma_start3A_247 = arith.constant 2 : i32
    %dma_start3A_248 = arith.constant 1 : i32
    %dma_start3A_249 = arith.constant 1 : i32
    %dma_start3A_250 = arith.constant 0 : i32
    %dma_start3A_251 = arith.constant 0 : i32
    %dma_start3A_252 = tpu.memref_slice %arg9[%dma_start3A_248, %dma_start3A_250, %dma_start3A_251] : memref<2x400x64xf32, #tpu.memory_space<vmem>> -> memref<1x400x64xf32, #tpu.memory_space<vmem>>
    %dma_start3A_253 = tpu.memref_squeeze %dma_start3A_252 : memref<1x400x64xf32, #tpu.memory_space<vmem>> -> memref<400x64xf32, #tpu.memory_space<vmem>>
    %dma_start3A_254 = arith.constant 80 : i32
    %dma_start3A_255 = arith.constant 0 : i32
    %dma_start3A_256 = tpu.memref_slice %dma_start3A_253[%dma_start3A_254, %dma_start3A_255] : memref<400x64xf32, #tpu.memory_space<vmem>> -> memref<40x64xf32, #tpu.memory_space<vmem>>
    %dma_start3A_257 = arith.constant 80 : i32
    %dma_start3A_258 = tpu.memref_slice %arg8[%dma_start3A_247, %dma_start3A_257] : memref<32x200xi32, #tpu.memory_space<vmem>> -> memref<1x40xi32, #tpu.memory_space<vmem>>
    %dma_start3A_259 = tpu.memref_squeeze %dma_start3A_258 : memref<1x40xi32, #tpu.memory_space<vmem>> -> memref<40xi32, #tpu.memory_space<vmem>>
    %dma_start3A_260 = arith.constant 0 : i32
    %dma_start3A_261 = arith.constant 0 : i32
    %dma_start3A_262 = tpu.memref_slice %arg3[%dma_start3A_260, %dma_start3A_261] : memref<100000x64xf32, #tpu.memory_space<hbm>> -> memref<100000x64xf32, #tpu.memory_space<hbm>>
    %dma_start3A_263 = tpu.memref_slice %arg14[%dma_start3A_249] : memref<2x!tpu.dma_semaphore, #tpu.memory_space<semaphore_mem>> -> memref<1x!tpu.dma_semaphore, #tpu.memory_space<semaphore_mem>>
    %dma_start3A_264 = tpu.memref_squeeze %dma_start3A_263 : memref<1x!tpu.dma_semaphore, #tpu.memory_space<semaphore_mem>> -> memref<!tpu.dma_semaphore, #tpu.memory_space<semaphore_mem>>
    tpu.enqueue_indirect_dma source(%dma_start3A_262 : memref<100000x64xf32, #tpu.memory_space<hbm>>) target(%dma_start3A_256 : memref<40x64xf32, #tpu.memory_space<vmem>>) offsets(%dma_start3A_259 : memref<40xi32, #tpu.memory_space<vmem>>) semaphore(%dma_start3A_264 : memref<!tpu.dma_semaphore, #tpu.memory_space<semaphore_mem>>)
    %dma_start3A_265 = arith.constant 2 : i32
    %dma_start3A_266 = arith.constant 1 : i32
    %dma_start3A_267 = arith.constant 1 : i32
    %dma_start3A_268 = arith.constant 0 : i32
    %dma_start3A_269 = arith.constant 0 : i32
    %dma_start3A_270 = tpu.memref_slice %arg9[%dma_start3A_266, %dma_start3A_268, %dma_start3A_269] : memref<2x400x64xf32, #tpu.memory_space<vmem>> -> memref<1x400x64xf32, #tpu.memory_space<vmem>>
    %dma_start3A_271 = tpu.memref_squeeze %dma_start3A_270 : memref<1x400x64xf32, #tpu.memory_space<vmem>> -> memref<400x64xf32, #tpu.memory_space<vmem>>
    %dma_start3A_272 = arith.constant 120 : i32
    %dma_start3A_273 = arith.constant 0 : i32
    %dma_start3A_274 = tpu.memref_slice %dma_start3A_271[%dma_start3A_272, %dma_start3A_273] : memref<400x64xf32, #tpu.memory_space<vmem>> -> memref<40x64xf32, #tpu.memory_space<vmem>>
    %dma_start3A_275 = arith.constant 120 : i32
    %dma_start3A_276 = tpu.memref_slice %arg8[%dma_start3A_265, %dma_start3A_275] : memref<32x200xi32, #tpu.memory_space<vmem>> -> memref<1x40xi32, #tpu.memory_space<vmem>>
    %dma_start3A_277 = tpu.memref_squeeze %dma_start3A_276 : memref<1x40xi32, #tpu.memory_space<vmem>> -> memref<40xi32, #tpu.memory_space<vmem>>
    %dma_start3A_278 = arith.constant 0 : i32
    %dma_start3A_279 = arith.constant 0 : i32
    %dma_start3A_280 = tpu.memref_slice %arg3[%dma_start3A_278, %dma_start3A_279] : memref<100000x64xf32, #tpu.memory_space<hbm>> -> memref<100000x64xf32, #tpu.memory_space<hbm>>
    %dma_start3A_281 = tpu.memref_slice %arg14[%dma_start3A_267] : memref<2x!tpu.dma_semaphore, #tpu.memory_space<semaphore_mem>> -> memref<1x!tpu.dma_semaphore, #tpu.memory_space<semaphore_mem>>
    %dma_start3A_282 = tpu.memref_squeeze %dma_start3A_281 : memref<1x!tpu.dma_semaphore, #tpu.memory_space<semaphore_mem>> -> memref<!tpu.dma_semaphore, #tpu.memory_space<semaphore_mem>>
    tpu.enqueue_indirect_dma source(%dma_start3A_280 : memref<100000x64xf32, #tpu.memory_space<hbm>>) target(%dma_start3A_274 : memref<40x64xf32, #tpu.memory_space<vmem>>) offsets(%dma_start3A_277 : memref<40xi32, #tpu.memory_space<vmem>>) semaphore(%dma_start3A_282 : memref<!tpu.dma_semaphore, #tpu.memory_space<semaphore_mem>>)
    %dma_start3A_283 = arith.constant 2 : i32
    %dma_start3A_284 = arith.constant 1 : i32
    %dma_start3A_285 = arith.constant 1 : i32
    %dma_start3A_286 = arith.constant 0 : i32
    %dma_start3A_287 = arith.constant 0 : i32
    %dma_start3A_288 = tpu.memref_slice %arg9[%dma_start3A_284, %dma_start3A_286, %dma_start3A_287] : memref<2x400x64xf32, #tpu.memory_space<vmem>> -> memref<1x400x64xf32, #tpu.memory_space<vmem>>
    %dma_start3A_289 = tpu.memref_squeeze %dma_start3A_288 : memref<1x400x64xf32, #tpu.memory_space<vmem>> -> memref<400x64xf32, #tpu.memory_space<vmem>>
    %dma_start3A_290 = arith.constant 160 : i32
    %dma_start3A_291 = arith.constant 0 : i32
    %dma_start3A_292 = tpu.memref_slice %dma_start3A_289[%dma_start3A_290, %dma_start3A_291] : memref<400x64xf32, #tpu.memory_space<vmem>> -> memref<40x64xf32, #tpu.memory_space<vmem>>
    %dma_start3A_293 = arith.constant 160 : i32
    %dma_start3A_294 = tpu.memref_slice %arg8[%dma_start3A_283, %dma_start3A_293] : memref<32x200xi32, #tpu.memory_space<vmem>> -> memref<1x40xi32, #tpu.memory_space<vmem>>
    %dma_start3A_295 = tpu.memref_squeeze %dma_start3A_294 : memref<1x40xi32, #tpu.memory_space<vmem>> -> memref<40xi32, #tpu.memory_space<vmem>>
    %dma_start3A_296 = arith.constant 0 : i32
    %dma_start3A_297 = arith.constant 0 : i32
    %dma_start3A_298 = tpu.memref_slice %arg3[%dma_start3A_296, %dma_start3A_297] : memref<100000x64xf32, #tpu.memory_space<hbm>> -> memref<100000x64xf32, #tpu.memory_space<hbm>>
    %dma_start3A_299 = tpu.memref_slice %arg14[%dma_start3A_285] : memref<2x!tpu.dma_semaphore, #tpu.memory_space<semaphore_mem>> -> memref<1x!tpu.dma_semaphore, #tpu.memory_space<semaphore_mem>>
    %dma_start3A_300 = tpu.memref_squeeze %dma_start3A_299 : memref<1x!tpu.dma_semaphore, #tpu.memory_space<semaphore_mem>> -> memref<!tpu.dma_semaphore, #tpu.memory_space<semaphore_mem>>
    tpu.enqueue_indirect_dma source(%dma_start3A_298 : memref<100000x64xf32, #tpu.memory_space<hbm>>) target(%dma_start3A_292 : memref<40x64xf32, #tpu.memory_space<vmem>>) offsets(%dma_start3A_295 : memref<40xi32, #tpu.memory_space<vmem>>) semaphore(%dma_start3A_300 : memref<!tpu.dma_semaphore, #tpu.memory_space<semaphore_mem>>)
    %dma_start3A_301 = arith.constant 3 : i32
    %dma_start3A_302 = arith.constant 1 : i32
    %dma_start3A_303 = arith.constant 1 : i32
    %dma_start3A_304 = arith.constant 0 : i32
    %dma_start3A_305 = arith.constant 0 : i32
    %dma_start3A_306 = tpu.memref_slice %arg9[%dma_start3A_302, %dma_start3A_304, %dma_start3A_305] : memref<2x400x64xf32, #tpu.memory_space<vmem>> -> memref<1x400x64xf32, #tpu.memory_space<vmem>>
    %dma_start3A_307 = tpu.memref_squeeze %dma_start3A_306 : memref<1x400x64xf32, #tpu.memory_space<vmem>> -> memref<400x64xf32, #tpu.memory_space<vmem>>
    %dma_start3A_308 = arith.constant 200 : i32
    %dma_start3A_309 = arith.constant 0 : i32
    %dma_start3A_310 = tpu.memref_slice %dma_start3A_307[%dma_start3A_308, %dma_start3A_309] : memref<400x64xf32, #tpu.memory_space<vmem>> -> memref<40x64xf32, #tpu.memory_space<vmem>>
    %dma_start3A_311 = arith.constant 0 : i32
    %dma_start3A_312 = tpu.memref_slice %arg8[%dma_start3A_301, %dma_start3A_311] : memref<32x200xi32, #tpu.memory_space<vmem>> -> memref<1x40xi32, #tpu.memory_space<vmem>>
    %dma_start3A_313 = tpu.memref_squeeze %dma_start3A_312 : memref<1x40xi32, #tpu.memory_space<vmem>> -> memref<40xi32, #tpu.memory_space<vmem>>
    %dma_start3A_314 = arith.constant 0 : i32
    %dma_start3A_315 = arith.constant 0 : i32
    %dma_start3A_316 = tpu.memref_slice %arg3[%dma_start3A_314, %dma_start3A_315] : memref<100000x64xf32, #tpu.memory_space<hbm>> -> memref<100000x64xf32, #tpu.memory_space<hbm>>
    %dma_start3A_317 = tpu.memref_slice %arg14[%dma_start3A_303] : memref<2x!tpu.dma_semaphore, #tpu.memory_space<semaphore_mem>> -> memref<1x!tpu.dma_semaphore, #tpu.memory_space<semaphore_mem>>
    %dma_start3A_318 = tpu.memref_squeeze %dma_start3A_317 : memref<1x!tpu.dma_semaphore, #tpu.memory_space<semaphore_mem>> -> memref<!tpu.dma_semaphore, #tpu.memory_space<semaphore_mem>>
    tpu.enqueue_indirect_dma source(%dma_start3A_316 : memref<100000x64xf32, #tpu.memory_space<hbm>>) target(%dma_start3A_310 : memref<40x64xf32, #tpu.memory_space<vmem>>) offsets(%dma_start3A_313 : memref<40xi32, #tpu.memory_space<vmem>>) semaphore(%dma_start3A_318 : memref<!tpu.dma_semaphore, #tpu.memory_space<semaphore_mem>>)
    %dma_start3A_319 = arith.constant 3 : i32
    %dma_start3A_320 = arith.constant 1 : i32
    %dma_start3A_321 = arith.constant 1 : i32
    %dma_start3A_322 = arith.constant 0 : i32
    %dma_start3A_323 = arith.constant 0 : i32
    %dma_start3A_324 = tpu.memref_slice %arg9[%dma_start3A_320, %dma_start3A_322, %dma_start3A_323] : memref<2x400x64xf32, #tpu.memory_space<vmem>> -> memref<1x400x64xf32, #tpu.memory_space<vmem>>
    %dma_start3A_325 = tpu.memref_squeeze %dma_start3A_324 : memref<1x400x64xf32, #tpu.memory_space<vmem>> -> memref<400x64xf32, #tpu.memory_space<vmem>>
    %dma_start3A_326 = arith.constant 240 : i32
    %dma_start3A_327 = arith.constant 0 : i32
    %dma_start3A_328 = tpu.memref_slice %dma_start3A_325[%dma_start3A_326, %dma_start3A_327] : memref<400x64xf32, #tpu.memory_space<vmem>> -> memref<40x64xf32, #tpu.memory_space<vmem>>
    %dma_start3A_329 = arith.constant 40 : i32
    %dma_start3A_330 = tpu.memref_slice %arg8[%dma_start3A_319, %dma_start3A_329] : memref<32x200xi32, #tpu.memory_space<vmem>> -> memref<1x40xi32, #tpu.memory_space<vmem>>
    %dma_start3A_331 = tpu.memref_squeeze %dma_start3A_330 : memref<1x40xi32, #tpu.memory_space<vmem>> -> memref<40xi32, #tpu.memory_space<vmem>>
    %dma_start3A_332 = arith.constant 0 : i32
    %dma_start3A_333 = arith.constant 0 : i32
    %dma_start3A_334 = tpu.memref_slice %arg3[%dma_start3A_332, %dma_start3A_333] : memref<100000x64xf32, #tpu.memory_space<hbm>> -> memref<100000x64xf32, #tpu.memory_space<hbm>>
    %dma_start3A_335 = tpu.memref_slice %arg14[%dma_start3A_321] : memref<2x!tpu.dma_semaphore, #tpu.memory_space<semaphore_mem>> -> memref<1x!tpu.dma_semaphore, #tpu.memory_space<semaphore_mem>>
    %dma_start3A_336 = tpu.memref_squeeze %dma_start3A_335 : memref<1x!tpu.dma_semaphore, #tpu.memory_space<semaphore_mem>> -> memref<!tpu.dma_semaphore, #tpu.memory_space<semaphore_mem>>
    tpu.enqueue_indirect_dma source(%dma_start3A_334 : memref<100000x64xf32, #tpu.memory_space<hbm>>) target(%dma_start3A_328 : memref<40x64xf32, #tpu.memory_space<vmem>>) offsets(%dma_start3A_331 : memref<40xi32, #tpu.memory_space<vmem>>) semaphore(%dma_start3A_336 : memref<!tpu.dma_semaphore, #tpu.memory_space<semaphore_mem>>)
    %dma_start3A_337 = arith.constant 3 : i32
    %dma_start3A_338 = arith.constant 1 : i32
    %dma_start3A_339 = arith.constant 1 : i32
    %dma_start3A_340 = arith.constant 0 : i32
    %dma_start3A_341 = arith.constant 0 : i32
    %dma_start3A_342 = tpu.memref_slice %arg9[%dma_start3A_338, %dma_start3A_340, %dma_start3A_341] : memref<2x400x64xf32, #tpu.memory_space<vmem>> -> memref<1x400x64xf32, #tpu.memory_space<vmem>>
    %dma_start3A_343 = tpu.memref_squeeze %dma_start3A_342 : memref<1x400x64xf32, #tpu.memory_space<vmem>> -> memref<400x64xf32, #tpu.memory_space<vmem>>
    %dma_start3A_344 = arith.constant 280 : i32
    %dma_start3A_345 = arith.constant 0 : i32
    %dma_start3A_346 = tpu.memref_slice %dma_start3A_343[%dma_start3A_344, %dma_start3A_345] : memref<400x64xf32, #tpu.memory_space<vmem>> -> memref<40x64xf32, #tpu.memory_space<vmem>>
    %dma_start3A_347 = arith.constant 80 : i32
    %dma_start3A_348 = tpu.memref_slice %arg8[%dma_start3A_337, %dma_start3A_347] : memref<32x200xi32, #tpu.memory_space<vmem>> -> memref<1x40xi32, #tpu.memory_space<vmem>>
    %dma_start3A_349 = tpu.memref_squeeze %dma_start3A_348 : memref<1x40xi32, #tpu.memory_space<vmem>> -> memref<40xi32, #tpu.memory_space<vmem>>
    %dma_start3A_350 = arith.constant 0 : i32
    %dma_start3A_351 = arith.constant 0 : i32
    %dma_start3A_352 = tpu.memref_slice %arg3[%dma_start3A_350, %dma_start3A_351] : memref<100000x64xf32, #tpu.memory_space<hbm>> -> memref<100000x64xf32, #tpu.memory_space<hbm>>
    %dma_start3A_353 = tpu.memref_slice %arg14[%dma_start3A_339] : memref<2x!tpu.dma_semaphore, #tpu.memory_space<semaphore_mem>> -> memref<1x!tpu.dma_semaphore, #tpu.memory_space<semaphore_mem>>
    %dma_start3A_354 = tpu.memref_squeeze %dma_start3A_353 : memref<1x!tpu.dma_semaphore, #tpu.memory_space<semaphore_mem>> -> memref<!tpu.dma_semaphore, #tpu.memory_space<semaphore_mem>>
    tpu.enqueue_indirect_dma source(%dma_start3A_352 : memref<100000x64xf32, #tpu.memory_space<hbm>>) target(%dma_start3A_346 : memref<40x64xf32, #tpu.memory_space<vmem>>) offsets(%dma_start3A_349 : memref<40xi32, #tpu.memory_space<vmem>>) semaphore(%dma_start3A_354 : memref<!tpu.dma_semaphore, #tpu.memory_space<semaphore_mem>>)
    %dma_start3A_355 = arith.constant 3 : i32
    %dma_start3A_356 = arith.constant 1 : i32
    %dma_start3A_357 = arith.constant 1 : i32
    %dma_start3A_358 = arith.constant 0 : i32
    %dma_start3A_359 = arith.constant 0 : i32
    %dma_start3A_360 = tpu.memref_slice %arg9[%dma_start3A_356, %dma_start3A_358, %dma_start3A_359] : memref<2x400x64xf32, #tpu.memory_space<vmem>> -> memref<1x400x64xf32, #tpu.memory_space<vmem>>
    %dma_start3A_361 = tpu.memref_squeeze %dma_start3A_360 : memref<1x400x64xf32, #tpu.memory_space<vmem>> -> memref<400x64xf32, #tpu.memory_space<vmem>>
    %dma_start3A_362 = arith.constant 320 : i32
    %dma_start3A_363 = arith.constant 0 : i32
    %dma_start3A_364 = tpu.memref_slice %dma_start3A_361[%dma_start3A_362, %dma_start3A_363] : memref<400x64xf32, #tpu.memory_space<vmem>> -> memref<40x64xf32, #tpu.memory_space<vmem>>
    %dma_start3A_365 = arith.constant 120 : i32
    %dma_start3A_366 = tpu.memref_slice %arg8[%dma_start3A_355, %dma_start3A_365] : memref<32x200xi32, #tpu.memory_space<vmem>> -> memref<1x40xi32, #tpu.memory_space<vmem>>
    %dma_start3A_367 = tpu.memref_squeeze %dma_start3A_366 : memref<1x40xi32, #tpu.memory_space<vmem>> -> memref<40xi32, #tpu.memory_space<vmem>>
    %dma_start3A_368 = arith.constant 0 : i32
    %dma_start3A_369 = arith.constant 0 : i32
    %dma_start3A_370 = tpu.memref_slice %arg3[%dma_start3A_368, %dma_start3A_369] : memref<100000x64xf32, #tpu.memory_space<hbm>> -> memref<100000x64xf32, #tpu.memory_space<hbm>>
    %dma_start3A_371 = tpu.memref_slice %arg14[%dma_start3A_357] : memref<2x!tpu.dma_semaphore, #tpu.memory_space<semaphore_mem>> -> memref<1x!tpu.dma_semaphore, #tpu.memory_space<semaphore_mem>>
    %dma_start3A_372 = tpu.memref_squeeze %dma_start3A_371 : memref<1x!tpu.dma_semaphore, #tpu.memory_space<semaphore_mem>> -> memref<!tpu.dma_semaphore, #tpu.memory_space<semaphore_mem>>
    tpu.enqueue_indirect_dma source(%dma_start3A_370 : memref<100000x64xf32, #tpu.memory_space<hbm>>) target(%dma_start3A_364 : memref<40x64xf32, #tpu.memory_space<vmem>>) offsets(%dma_start3A_367 : memref<40xi32, #tpu.memory_space<vmem>>) semaphore(%dma_start3A_372 : memref<!tpu.dma_semaphore, #tpu.memory_space<semaphore_mem>>)
    %dma_start3A_373 = arith.constant 3 : i32
    %dma_start3A_374 = arith.constant 1 : i32
    %dma_start3A_375 = arith.constant 1 : i32
    %dma_start3A_376 = arith.constant 0 : i32
    %dma_start3A_377 = arith.constant 0 : i32
    %dma_start3A_378 = tpu.memref_slice %arg9[%dma_start3A_374, %dma_start3A_376, %dma_start3A_377] : memref<2x400x64xf32, #tpu.memory_space<vmem>> -> memref<1x400x64xf32, #tpu.memory_space<vmem>>
    %dma_start3A_379 = tpu.memref_squeeze %dma_start3A_378 : memref<1x400x64xf32, #tpu.memory_space<vmem>> -> memref<400x64xf32, #tpu.memory_space<vmem>>
    %dma_start3A_380 = arith.constant 360 : i32
    %dma_start3A_381 = arith.constant 0 : i32
    %dma_start3A_382 = tpu.memref_slice %dma_start3A_379[%dma_start3A_380, %dma_start3A_381] : memref<400x64xf32, #tpu.memory_space<vmem>> -> memref<40x64xf32, #tpu.memory_space<vmem>>
    %dma_start3A_383 = arith.constant 160 : i32
    %dma_start3A_384 = tpu.memref_slice %arg8[%dma_start3A_373, %dma_start3A_383] : memref<32x200xi32, #tpu.memory_space<vmem>> -> memref<1x40xi32, #tpu.memory_space<vmem>>
    %dma_start3A_385 = tpu.memref_squeeze %dma_start3A_384 : memref<1x40xi32, #tpu.memory_space<vmem>> -> memref<40xi32, #tpu.memory_space<vmem>>
    %dma_start3A_386 = arith.constant 0 : i32
    %dma_start3A_387 = arith.constant 0 : i32
    %dma_start3A_388 = tpu.memref_slice %arg3[%dma_start3A_386, %dma_start3A_387] : memref<100000x64xf32, #tpu.memory_space<hbm>> -> memref<100000x64xf32, #tpu.memory_space<hbm>>
    %dma_start3A_389 = tpu.memref_slice %arg14[%dma_start3A_375] : memref<2x!tpu.dma_semaphore, #tpu.memory_space<semaphore_mem>> -> memref<1x!tpu.dma_semaphore, #tpu.memory_space<semaphore_mem>>
    %dma_start3A_390 = tpu.memref_squeeze %dma_start3A_389 : memref<1x!tpu.dma_semaphore, #tpu.memory_space<semaphore_mem>> -> memref<!tpu.dma_semaphore, #tpu.memory_space<semaphore_mem>>
    tpu.enqueue_indirect_dma source(%dma_start3A_388 : memref<100000x64xf32, #tpu.memory_space<hbm>>) target(%dma_start3A_382 : memref<40x64xf32, #tpu.memory_space<vmem>>) offsets(%dma_start3A_385 : memref<40xi32, #tpu.memory_space<vmem>>) semaphore(%dma_start3A_390 : memref<!tpu.dma_semaphore, #tpu.memory_space<semaphore_mem>>)
    %scan3A = arith.constant 0 : i32
    %scan3A_391 = arith.constant 0 : i32
    %scan3A_392 = arith.constant 16 : i32
    %scan3A_393 = arith.addi %scan3A_391, %scan3A_392 : i32
    %scan3A_394 = arith.constant 1 : i32
    %scan3A_395 = scf.for %scan3A_440 = %scan3A_391 to %scan3A_393 step %scan3A_394 iter_args(%scan3A_441 = %scan3A) -> (i32)  : i32 {
      %jit3A = arith.constant 2 : i32
      %eq3A = arith.constant 0 : i32
      %eq3A_442 = arith.cmpi eq, %jit3A, %eq3A : i32
      %jit3A_443 = arith.constant 1 : i32
      %select_n3A = arith.select %eq3A_442, %jit3A_443, %jit3A : i32
      %rem3A = arith.remsi %scan3A_440, %select_n3A : i32
      %ne3A = arith.constant 0 : i32
      %ne3A_444 = arith.cmpi ne, %rem3A, %ne3A : i32
      %lt3A = arith.constant 0 : i32
      %lt3A_445 = arith.cmpi slt, %rem3A, %lt3A : i32
      %lt3A_446 = arith.constant 0 : i32
      %lt3A_447 = arith.cmpi slt, %select_n3A, %lt3A_446 : i32
      %ne3A_448 = arith.xori %lt3A_445, %lt3A_447 : i1
      %and3A = arith.andi %ne3A_448, %ne3A_444 : i1
      %add3A_449 = arith.addi %rem3A, %select_n3A : i32
      %select_n3A_450 = arith.select %and3A, %add3A_449, %rem3A : i32
      %dma_wait3A_451 = arith.constant 0 : i32
      %dma_wait3A_452 = arith.constant 0 : i32
      %dma_wait3A_453 = tpu.memref_slice %arg9[%select_n3A_450, %dma_wait3A_451, %dma_wait3A_452] : memref<2x400x64xf32, #tpu.memory_space<vmem>> -> memref<1x400x64xf32, #tpu.memory_space<vmem>>
      %dma_wait3A_454 = tpu.memref_squeeze %dma_wait3A_453 : memref<1x400x64xf32, #tpu.memory_space<vmem>> -> memref<400x64xf32, #tpu.memory_space<vmem>>
      %dma_wait3A_455 = arith.constant 0 : i32
      %dma_wait3A_456 = arith.constant 0 : i32
      %dma_wait3A_457 = tpu.memref_slice %arg3[%dma_wait3A_455, %dma_wait3A_456] : memref<100000x64xf32, #tpu.memory_space<hbm>> -> memref<400x64xf32, #tpu.memory_space<hbm>>
      %dma_wait3A_458 = tpu.memref_slice %arg14[%select_n3A_450] : memref<2x!tpu.dma_semaphore, #tpu.memory_space<semaphore_mem>> -> memref<1x!tpu.dma_semaphore, #tpu.memory_space<semaphore_mem>>
      %dma_wait3A_459 = tpu.memref_squeeze %dma_wait3A_458 : memref<1x!tpu.dma_semaphore, #tpu.memory_space<semaphore_mem>> -> memref<!tpu.dma_semaphore, #tpu.memory_space<semaphore_mem>>
      %dma_wait3A_460 = arith.constant 0 : i32
      %dma_wait3A_461 = arith.constant 0 : i32
      %dma_wait3A_462 = tpu.memref_slice %arg9[%select_n3A_450, %dma_wait3A_460, %dma_wait3A_461] : memref<2x400x64xf32, #tpu.memory_space<vmem>> -> memref<1x400x64xf32, #tpu.memory_space<vmem>>
      %dma_wait3A_463 = tpu.memref_squeeze %dma_wait3A_462 : memref<1x400x64xf32, #tpu.memory_space<vmem>> -> memref<400x64xf32, #tpu.memory_space<vmem>>
      %dma_wait3A_464 = arith.constant 0 : i32
      %dma_wait3A_465 = arith.constant 0 : i32
      %dma_wait3A_466 = tpu.memref_slice %arg3[%dma_wait3A_464, %dma_wait3A_465] : memref<100000x64xf32, #tpu.memory_space<hbm>> -> memref<400x64xf32, #tpu.memory_space<hbm>>
      tpu.wait_dma2 semaphore(%dma_wait3A_459 : memref<!tpu.dma_semaphore, #tpu.memory_space<semaphore_mem>>) src(%dma_wait3A_466 : memref<400x64xf32, #tpu.memory_space<hbm>>) dst(%dma_wait3A_463 : memref<400x64xf32, #tpu.memory_space<vmem>>)
      %ge3A = arith.constant 2 : i32
      %ge3A_467 = arith.cmpi sge, %scan3A_440, %ge3A : i32
      %convert_element_type3A = arith.extui %ge3A_467 : i1 to i32
      %cond3A = arith.constant 0 : i32
      %cond3A_468 = arith.cmpi ne, %convert_element_type3A, %cond3A : i32
      scf.if %cond3A_468 {
        %dma_wait3A_502 = arith.constant 0 : i32
        %dma_wait3A_503 = arith.constant 0 : i32
        %dma_wait3A_504 = arith.constant 0 : i32
        %dma_wait3A_505 = tpu.memref_slice %arg10[%select_n3A_450, %dma_wait3A_502, %dma_wait3A_503, %dma_wait3A_504] : memref<2x2x200x64xf32, #tpu.memory_space<vmem>> -> memref<1x2x200x64xf32, #tpu.memory_space<vmem>>
        %dma_wait3A_506 = tpu.memref_squeeze %dma_wait3A_505 : memref<1x2x200x64xf32, #tpu.memory_space<vmem>> -> memref<2x200x64xf32, #tpu.memory_space<vmem>>
        %dma_wait3A_507 = arith.constant 0 : i32
        %dma_wait3A_508 = arith.constant 0 : i32
        %dma_wait3A_509 = arith.constant 0 : i32
        %dma_wait3A_510 = tpu.memref_slice %arg7[%dma_wait3A_507, %dma_wait3A_508, %dma_wait3A_509] : memref<1024x200x64xf32, #tpu.memory_space<hbm>> -> memref<2x200x64xf32, #tpu.memory_space<hbm>>
        %dma_wait3A_511 = tpu.memref_slice %arg15[%select_n3A_450] : memref<2x!tpu.dma_semaphore, #tpu.memory_space<semaphore_mem>> -> memref<1x!tpu.dma_semaphore, #tpu.memory_space<semaphore_mem>>
        %dma_wait3A_512 = tpu.memref_squeeze %dma_wait3A_511 : memref<1x!tpu.dma_semaphore, #tpu.memory_space<semaphore_mem>> -> memref<!tpu.dma_semaphore, #tpu.memory_space<semaphore_mem>>
        %dma_wait3A_513 = arith.constant 0 : i32
        %dma_wait3A_514 = arith.constant 0 : i32
        %dma_wait3A_515 = arith.constant 0 : i32
        %dma_wait3A_516 = tpu.memref_slice %arg7[%dma_wait3A_513, %dma_wait3A_514, %dma_wait3A_515] : memref<1024x200x64xf32, #tpu.memory_space<hbm>> -> memref<2x200x64xf32, #tpu.memory_space<hbm>>
        %dma_wait3A_517 = arith.constant 0 : i32
        %dma_wait3A_518 = arith.constant 0 : i32
        %dma_wait3A_519 = arith.constant 0 : i32
        %dma_wait3A_520 = tpu.memref_slice %arg10[%select_n3A_450, %dma_wait3A_517, %dma_wait3A_518, %dma_wait3A_519] : memref<2x2x200x64xf32, #tpu.memory_space<vmem>> -> memref<1x2x200x64xf32, #tpu.memory_space<vmem>>
        %dma_wait3A_521 = tpu.memref_squeeze %dma_wait3A_520 : memref<1x2x200x64xf32, #tpu.memory_space<vmem>> -> memref<2x200x64xf32, #tpu.memory_space<vmem>>
        tpu.wait_dma2 semaphore(%dma_wait3A_512 : memref<!tpu.dma_semaphore, #tpu.memory_space<semaphore_mem>>) src(%dma_wait3A_521 : memref<2x200x64xf32, #tpu.memory_space<vmem>>) dst(%dma_wait3A_516 : memref<2x200x64xf32, #tpu.memory_space<hbm>>)
      } else {
      }
      %parallel_loop3A = arith.constant 0 : i32
      %parallel_loop3A_469 = arith.constant 200 : i32
      %parallel_loop3A_470 = arith.constant 1 : i32
      scf.for %parallel_loop3A_502 = %parallel_loop3A to %parallel_loop3A_469 step %parallel_loop3A_470  : i32 {
        %parallel_loop3A_503 = arith.index_cast %parallel_loop3A_502 : i32 to index
        %parallel_loop3A_504 = arith.constant 0 : index
        %parallel_loop3A_505 = tpu.vector_load %arg11[%parallel_loop3A_503, %parallel_loop3A_504] {strides = array<i32>} : memref<200x64xf32, #tpu.memory_space<vmem>>, vector<16xf32>,
        %parallel_loop3A_506 = arith.index_cast %parallel_loop3A_502 : i32 to index
        %parallel_loop3A_507 = arith.constant 16 : index
        %parallel_loop3A_508 = tpu.vector_load %arg11[%parallel_loop3A_506, %parallel_loop3A_507] {strides = array<i32>} : memref<200x64xf32, #tpu.memory_space<vmem>>, vector<16xf32>,
        %parallel_loop3A_509 = arith.index_cast %parallel_loop3A_502 : i32 to index
        %parallel_loop3A_510 = arith.constant 32 : index
        %parallel_loop3A_511 = tpu.vector_load %arg11[%parallel_loop3A_509, %parallel_loop3A_510] {strides = array<i32>} : memref<200x64xf32, #tpu.memory_space<vmem>>, vector<16xf32>,
        %parallel_loop3A_512 = arith.index_cast %parallel_loop3A_502 : i32 to index
        %parallel_loop3A_513 = arith.constant 48 : index
        %parallel_loop3A_514 = tpu.vector_load %arg11[%parallel_loop3A_512, %parallel_loop3A_513] {strides = array<i32>} : memref<200x64xf32, #tpu.memory_space<vmem>>, vector<16xf32>,
        %parallel_loop3A_515 = arith.constant 0 : i32
        %parallel_loop3A_516 = arith.addi %parallel_loop3A_502, %parallel_loop3A_515 : i32
        %parallel_loop3A_517 = arith.constant 0 : i32
        %parallel_loop3A_518 = arith.constant 0 : i32
        %parallel_loop3A_519 = tpu.memref_slice %arg9[%select_n3A_450, %parallel_loop3A_517, %parallel_loop3A_518] : memref<2x400x64xf32, #tpu.memory_space<vmem>> -> memref<1x400x64xf32, #tpu.memory_space<vmem>>
        %parallel_loop3A_520 = tpu.memref_squeeze %parallel_loop3A_519 : memref<1x400x64xf32, #tpu.memory_space<vmem>> -> memref<400x64xf32, #tpu.memory_space<vmem>>
        %parallel_loop3A_521 = arith.index_cast %parallel_loop3A_516 : i32 to index
        %parallel_loop3A_522 = arith.constant 0 : index
        %parallel_loop3A_523 = tpu.vector_load %parallel_loop3A_520[%parallel_loop3A_521, %parallel_loop3A_522] {strides = array<i32>} : memref<400x64xf32, #tpu.memory_space<vmem>>, vector<16xf32>,
        %parallel_loop3A_524 = arith.addf %parallel_loop3A_523, %parallel_loop3A_505 : vector<16xf32>
        %parallel_loop3A_525 = arith.constant 0 : i32
        %parallel_loop3A_526 = arith.constant 0 : i32
        %parallel_loop3A_527 = tpu.memref_slice %arg9[%select_n3A_450, %parallel_loop3A_525, %parallel_loop3A_526] : memref<2x400x64xf32, #tpu.memory_space<vmem>> -> memref<1x400x64xf32, #tpu.memory_space<vmem>>
        %parallel_loop3A_528 = tpu.memref_squeeze %parallel_loop3A_527 : memref<1x400x64xf32, #tpu.memory_space<vmem>> -> memref<400x64xf32, #tpu.memory_space<vmem>>
        %parallel_loop3A_529 = arith.index_cast %parallel_loop3A_516 : i32 to index
        %parallel_loop3A_530 = arith.constant 16 : index
        %parallel_loop3A_531 = tpu.vector_load %parallel_loop3A_528[%parallel_loop3A_529, %parallel_loop3A_530] {strides = array<i32>} : memref<400x64xf32, #tpu.memory_space<vmem>>, vector<16xf32>,
        %parallel_loop3A_532 = arith.addf %parallel_loop3A_531, %parallel_loop3A_508 : vector<16xf32>
        %parallel_loop3A_533 = arith.constant 0 : i32
        %parallel_loop3A_534 = arith.constant 0 : i32
        %parallel_loop3A_535 = tpu.memref_slice %arg9[%select_n3A_450, %parallel_loop3A_533, %parallel_loop3A_534] : memref<2x400x64xf32, #tpu.memory_space<vmem>> -> memref<1x400x64xf32, #tpu.memory_space<vmem>>
        %parallel_loop3A_536 = tpu.memref_squeeze %parallel_loop3A_535 : memref<1x400x64xf32, #tpu.memory_space<vmem>> -> memref<400x64xf32, #tpu.memory_space<vmem>>
        %parallel_loop3A_537 = arith.index_cast %parallel_loop3A_516 : i32 to index
        %parallel_loop3A_538 = arith.constant 32 : index
        %parallel_loop3A_539 = tpu.vector_load %parallel_loop3A_536[%parallel_loop3A_537, %parallel_loop3A_538] {strides = array<i32>} : memref<400x64xf32, #tpu.memory_space<vmem>>, vector<16xf32>,
        %parallel_loop3A_540 = arith.addf %parallel_loop3A_539, %parallel_loop3A_511 : vector<16xf32>
        %parallel_loop3A_541 = arith.constant 0 : i32
        %parallel_loop3A_542 = arith.constant 0 : i32
        %parallel_loop3A_543 = tpu.memref_slice %arg9[%select_n3A_450, %parallel_loop3A_541, %parallel_loop3A_542] : memref<2x400x64xf32, #tpu.memory_space<vmem>> -> memref<1x400x64xf32, #tpu.memory_space<vmem>>
        %parallel_loop3A_544 = tpu.memref_squeeze %parallel_loop3A_543 : memref<1x400x64xf32, #tpu.memory_space<vmem>> -> memref<400x64xf32, #tpu.memory_space<vmem>>
        %parallel_loop3A_545 = arith.index_cast %parallel_loop3A_516 : i32 to index
        %parallel_loop3A_546 = arith.constant 48 : index
        %parallel_loop3A_547 = tpu.vector_load %parallel_loop3A_544[%parallel_loop3A_545, %parallel_loop3A_546] {strides = array<i32>} : memref<400x64xf32, #tpu.memory_space<vmem>>, vector<16xf32>,
        %parallel_loop3A_548 = arith.addf %parallel_loop3A_547, %parallel_loop3A_514 : vector<16xf32>
        %parallel_loop3A_549 = arith.addf %parallel_loop3A_524, %parallel_loop3A_532 : vector<16xf32>
        %parallel_loop3A_550 = arith.addf %parallel_loop3A_540, %parallel_loop3A_548 : vector<16xf32>
        %parallel_loop3A_551 = arith.addf %parallel_loop3A_549, %parallel_loop3A_550 : vector<16xf32>
        %parallel_loop3A_552 = arith.mulf %parallel_loop3A_524, %parallel_loop3A_524 : vector<16xf32>
        %parallel_loop3A_553 = arith.mulf %parallel_loop3A_532, %parallel_loop3A_532 : vector<16xf32>
        %parallel_loop3A_554 = arith.addf %parallel_loop3A_552, %parallel_loop3A_553 : vector<16xf32>
        %parallel_loop3A_555 = arith.mulf %parallel_loop3A_540, %parallel_loop3A_540 : vector<16xf32>
        %parallel_loop3A_556 = arith.mulf %parallel_loop3A_548, %parallel_loop3A_548 : vector<16xf32>
        %parallel_loop3A_557 = arith.addf %parallel_loop3A_555, %parallel_loop3A_556 : vector<16xf32>
        %parallel_loop3A_558 = arith.addf %parallel_loop3A_554, %parallel_loop3A_557 : vector<16xf32>
        %parallel_loop3A_559 = vector.shape_cast %reshape3A : vector<16x1xi32> to vector<16xi32>
        %parallel_loop3A_560 = tpu.dynamic_gather %parallel_loop3A_551[%parallel_loop3A_559] in [0] : vector<16xf32>, vector<16xi32> -> vector<16xf32>
        %parallel_loop3A_561 = arith.addf %parallel_loop3A_551, %parallel_loop3A_560 : vector<16xf32>
        %parallel_loop3A_562 = vector.shape_cast %reshape3A_23 : vector<16x1xi32> to vector<16xi32>
        %parallel_loop3A_563 = tpu.dynamic_gather %parallel_loop3A_561[%parallel_loop3A_562] in [0] : vector<16xf32>, vector<16xi32> -> vector<16xf32>
        %parallel_loop3A_564 = arith.addf %parallel_loop3A_561, %parallel_loop3A_563 : vector<16xf32>
        %parallel_loop3A_565 = vector.shape_cast %reshape3A_27 : vector<16x1xi32> to vector<16xi32>
        %parallel_loop3A_566 = tpu.dynamic_gather %parallel_loop3A_564[%parallel_loop3A_565] in [0] : vector<16xf32>, vector<16xi32> -> vector<16xf32>
        %parallel_loop3A_567 = arith.addf %parallel_loop3A_564, %parallel_loop3A_566 : vector<16xf32>
        %parallel_loop3A_568 = vector.shape_cast %reshape3A_31 : vector<16x1xi32> to vector<16xi32>
        %parallel_loop3A_569 = tpu.dynamic_gather %parallel_loop3A_567[%parallel_loop3A_568] in [0] : vector<16xf32>, vector<16xi32> -> vector<16xf32>
        %parallel_loop3A_570 = arith.addf %parallel_loop3A_567, %parallel_loop3A_569 : vector<16xf32>
        %parallel_loop3A_571 = arith.constant 1.562500e-02 : f32
        %parallel_loop3A_572 = vector.broadcast %parallel_loop3A_571 : f32 to vector<16xf32>
        %parallel_loop3A_573 = arith.mulf %parallel_loop3A_570, %parallel_loop3A_572 : vector<16xf32>
        %parallel_loop3A_574 = vector.shape_cast %reshape3A : vector<16x1xi32> to vector<16xi32>
        %parallel_loop3A_575 = tpu.dynamic_gather %parallel_loop3A_558[%parallel_loop3A_574] in [0] : vector<16xf32>, vector<16xi32> -> vector<16xf32>
        %parallel_loop3A_576 = arith.addf %parallel_loop3A_558, %parallel_loop3A_575 : vector<16xf32>
        %parallel_loop3A_577 = vector.shape_cast %reshape3A_23 : vector<16x1xi32> to vector<16xi32>
        %parallel_loop3A_578 = tpu.dynamic_gather %parallel_loop3A_576[%parallel_loop3A_577] in [0] : vector<16xf32>, vector<16xi32> -> vector<16xf32>
        %parallel_loop3A_579 = arith.addf %parallel_loop3A_576, %parallel_loop3A_578 : vector<16xf32>
        %parallel_loop3A_580 = vector.shape_cast %reshape3A_27 : vector<16x1xi32> to vector<16xi32>
        %parallel_loop3A_581 = tpu.dynamic_gather %parallel_loop3A_579[%parallel_loop3A_580] in [0] : vector<16xf32>, vector<16xi32> -> vector<16xf32>
        %parallel_loop3A_582 = arith.addf %parallel_loop3A_579, %parallel_loop3A_581 : vector<16xf32>
        %parallel_loop3A_583 = vector.shape_cast %reshape3A_31 : vector<16x1xi32> to vector<16xi32>
        %parallel_loop3A_584 = tpu.dynamic_gather %parallel_loop3A_582[%parallel_loop3A_583] in [0] : vector<16xf32>, vector<16xi32> -> vector<16xf32>
        %parallel_loop3A_585 = arith.addf %parallel_loop3A_582, %parallel_loop3A_584 : vector<16xf32>
        %parallel_loop3A_586 = arith.constant 1.562500e-02 : f32
        %parallel_loop3A_587 = vector.broadcast %parallel_loop3A_586 : f32 to vector<16xf32>
        %parallel_loop3A_588 = arith.mulf %parallel_loop3A_585, %parallel_loop3A_587 : vector<16xf32>
        %parallel_loop3A_589 = arith.mulf %parallel_loop3A_573, %parallel_loop3A_573 : vector<16xf32>
        %parallel_loop3A_590 = arith.subf %parallel_loop3A_588, %parallel_loop3A_589 : vector<16xf32>
        %parallel_loop3A_591 = arith.constant 0.000000e+00 : f32
        %parallel_loop3A_592 = vector.broadcast %parallel_loop3A_591 : f32 to vector<16xf32>
        %parallel_loop3A_593 = arith.maximumf %parallel_loop3A_590, %parallel_loop3A_592 : vector<16xf32>
        %parallel_loop3A_594 = arith.constant 9.99999996E-13 : f32
        %parallel_loop3A_595 = vector.broadcast %parallel_loop3A_594 : f32 to vector<16xf32>
        %parallel_loop3A_596 = arith.addf %parallel_loop3A_593, %parallel_loop3A_595 : vector<16xf32>
        %parallel_loop3A_597 = tpu.bitcast %parallel_loop3A_596 : vector<16xf32> -> vector<16xi32>
        %parallel_loop3A_598 = arith.constant 1 : i32
        %parallel_loop3A_599 = vector.broadcast %parallel_loop3A_598 : i32 to vector<16xi32>
        %parallel_loop3A_600 = arith.shrsi %parallel_loop3A_597, %parallel_loop3A_599 : vector<16xi32>
        %parallel_loop3A_601 = arith.constant 1597463007 : i32
        %parallel_loop3A_602 = vector.broadcast %parallel_loop3A_601 : i32 to vector<16xi32>
        %parallel_loop3A_603 = arith.subi %parallel_loop3A_602, %parallel_loop3A_600 : vector<16xi32>
        %parallel_loop3A_604 = tpu.bitcast %parallel_loop3A_603 : vector<16xi32> -> vector<16xf32>
        %parallel_loop3A_605 = arith.constant 5.000000e-01 : f32
        %parallel_loop3A_606 = vector.broadcast %parallel_loop3A_605 : f32 to vector<16xf32>
        %parallel_loop3A_607 = arith.mulf %parallel_loop3A_606, %parallel_loop3A_596 : vector<16xf32>
        %parallel_loop3A_608 = arith.mulf %parallel_loop3A_607, %parallel_loop3A_604 : vector<16xf32>
        %parallel_loop3A_609 = arith.mulf %parallel_loop3A_608, %parallel_loop3A_604 : vector<16xf32>
        %parallel_loop3A_610 = arith.constant 1.500000e+00 : f32
        %parallel_loop3A_611 = vector.broadcast %parallel_loop3A_610 : f32 to vector<16xf32>
        %parallel_loop3A_612 = arith.subf %parallel_loop3A_611, %parallel_loop3A_609 : vector<16xf32>
        %parallel_loop3A_613 = arith.mulf %parallel_loop3A_604, %parallel_loop3A_612 : vector<16xf32>
        %parallel_loop3A_614 = arith.constant 5.000000e-01 : f32
        %parallel_loop3A_615 = vector.broadcast %parallel_loop3A_614 : f32 to vector<16xf32>
        %parallel_loop3A_616 = arith.mulf %parallel_loop3A_615, %parallel_loop3A_596 : vector<16xf32>
        %parallel_loop3A_617 = arith.mulf %parallel_loop3A_616, %parallel_loop3A_613 : vector<16xf32>
        %parallel_loop3A_618 = arith.mulf %parallel_loop3A_617, %parallel_loop3A_613 : vector<16xf32>
        %parallel_loop3A_619 = arith.constant 1.500000e+00 : f32
        %parallel_loop3A_620 = vector.broadcast %parallel_loop3A_619 : f32 to vector<16xf32>
        %parallel_loop3A_621 = arith.subf %parallel_loop3A_620, %parallel_loop3A_618 : vector<16xf32>
        %parallel_loop3A_622 = arith.mulf %parallel_loop3A_613, %parallel_loop3A_621 : vector<16xf32>
        %parallel_loop3A_623 = arith.subf %parallel_loop3A_524, %parallel_loop3A_573 : vector<16xf32>
        %parallel_loop3A_624 = arith.mulf %parallel_loop3A_622, %get3A_3 : vector<16xf32>
        %parallel_loop3A_625 = arith.mulf %parallel_loop3A_623, %parallel_loop3A_624 : vector<16xf32>
        %parallel_loop3A_626 = arith.addf %parallel_loop3A_625, %get3A_11 : vector<16xf32>
        %parallel_loop3A_627 = arith.constant 0 : i32
        %parallel_loop3A_628 = arith.constant 0 : i32
        %parallel_loop3A_629 = arith.constant 0 : i32
        %parallel_loop3A_630 = arith.constant 0 : i32
        %parallel_loop3A_631 = tpu.memref_slice %arg10[%select_n3A_450, %parallel_loop3A_628, %parallel_loop3A_629, %parallel_loop3A_630] : memref<2x2x200x64xf32, #tpu.memory_space<vmem>> -> memref<1x2x200x64xf32, #tpu.memory_space<vmem>>
        %parallel_loop3A_632 = tpu.memref_squeeze %parallel_loop3A_631 : memref<1x2x200x64xf32, #tpu.memory_space<vmem>> -> memref<2x200x64xf32, #tpu.memory_space<vmem>>
        %parallel_loop3A_633 = arith.index_cast %parallel_loop3A_627 : i32 to index
        %parallel_loop3A_634 = arith.index_cast %parallel_loop3A_502 : i32 to index
        %parallel_loop3A_635 = arith.constant 0 : index
        %parallel_loop3A_636 = tpu.vector_load %parallel_loop3A_632[%parallel_loop3A_633, %parallel_loop3A_634, %parallel_loop3A_635] {strides = array<i32>} : memref<2x200x64xf32, #tpu.memory_space<vmem>>, vector<16xf32>,
        tpu.vector_store %parallel_loop3A_632[%parallel_loop3A_633, %parallel_loop3A_634, %parallel_loop3A_635], %parallel_loop3A_626 {strides = array<i32>} : memref<2x200x64xf32, #tpu.memory_space<vmem>>, vector<16xf32>,
        %parallel_loop3A_637 = arith.subf %parallel_loop3A_532, %parallel_loop3A_573 : vector<16xf32>
        %parallel_loop3A_638 = arith.mulf %parallel_loop3A_622, %get3A_5 : vector<16xf32>
        %parallel_loop3A_639 = arith.mulf %parallel_loop3A_637, %parallel_loop3A_638 : vector<16xf32>
        %parallel_loop3A_640 = arith.addf %parallel_loop3A_639, %get3A_13 : vector<16xf32>
        %parallel_loop3A_641 = arith.constant 0 : i32
        %parallel_loop3A_642 = arith.constant 0 : i32
        %parallel_loop3A_643 = arith.constant 0 : i32
        %parallel_loop3A_644 = arith.constant 0 : i32
        %parallel_loop3A_645 = tpu.memref_slice %arg10[%select_n3A_450, %parallel_loop3A_642, %parallel_loop3A_643, %parallel_loop3A_644] : memref<2x2x200x64xf32, #tpu.memory_space<vmem>> -> memref<1x2x200x64xf32, #tpu.memory_space<vmem>>
        %parallel_loop3A_646 = tpu.memref_squeeze %parallel_loop3A_645 : memref<1x2x200x64xf32, #tpu.memory_space<vmem>> -> memref<2x200x64xf32, #tpu.memory_space<vmem>>
        %parallel_loop3A_647 = arith.index_cast %parallel_loop3A_641 : i32 to index
        %parallel_loop3A_648 = arith.index_cast %parallel_loop3A_502 : i32 to index
        %parallel_loop3A_649 = arith.constant 16 : index
        %parallel_loop3A_650 = tpu.vector_load %parallel_loop3A_646[%parallel_loop3A_647, %parallel_loop3A_648, %parallel_loop3A_649] {strides = array<i32>} : memref<2x200x64xf32, #tpu.memory_space<vmem>>, vector<16xf32>,
        tpu.vector_store %parallel_loop3A_646[%parallel_loop3A_647, %parallel_loop3A_648, %parallel_loop3A_649], %parallel_loop3A_640 {strides = array<i32>} : memref<2x200x64xf32, #tpu.memory_space<vmem>>, vector<16xf32>,
        %parallel_loop3A_651 = arith.subf %parallel_loop3A_540, %parallel_loop3A_573 : vector<16xf32>
        %parallel_loop3A_652 = arith.mulf %parallel_loop3A_622, %get3A_7 : vector<16xf32>
        %parallel_loop3A_653 = arith.mulf %parallel_loop3A_651, %parallel_loop3A_652 : vector<16xf32>
        %parallel_loop3A_654 = arith.addf %parallel_loop3A_653, %get3A_15 : vector<16xf32>
        %parallel_loop3A_655 = arith.constant 0 : i32
        %parallel_loop3A_656 = arith.constant 0 : i32
        %parallel_loop3A_657 = arith.constant 0 : i32
        %parallel_loop3A_658 = arith.constant 0 : i32
        %parallel_loop3A_659 = tpu.memref_slice %arg10[%select_n3A_450, %parallel_loop3A_656, %parallel_loop3A_657, %parallel_loop3A_658] : memref<2x2x200x64xf32, #tpu.memory_space<vmem>> -> memref<1x2x200x64xf32, #tpu.memory_space<vmem>>
        %parallel_loop3A_660 = tpu.memref_squeeze %parallel_loop3A_659 : memref<1x2x200x64xf32, #tpu.memory_space<vmem>> -> memref<2x200x64xf32, #tpu.memory_space<vmem>>
        %parallel_loop3A_661 = arith.index_cast %parallel_loop3A_655 : i32 to index
        %parallel_loop3A_662 = arith.index_cast %parallel_loop3A_502 : i32 to index
        %parallel_loop3A_663 = arith.constant 32 : index
        %parallel_loop3A_664 = tpu.vector_load %parallel_loop3A_660[%parallel_loop3A_661, %parallel_loop3A_662, %parallel_loop3A_663] {strides = array<i32>} : memref<2x200x64xf32, #tpu.memory_space<vmem>>, vector<16xf32>,
        tpu.vector_store %parallel_loop3A_660[%parallel_loop3A_661, %parallel_loop3A_662, %parallel_loop3A_663], %parallel_loop3A_654 {strides = array<i32>} : memref<2x200x64xf32, #tpu.memory_space<vmem>>, vector<16xf32>,
        %parallel_loop3A_665 = arith.subf %parallel_loop3A_548, %parallel_loop3A_573 : vector<16xf32>
        %parallel_loop3A_666 = arith.mulf %parallel_loop3A_622, %get3A_9 : vector<16xf32>
        %parallel_loop3A_667 = arith.mulf %parallel_loop3A_665, %parallel_loop3A_666 : vector<16xf32>
        %parallel_loop3A_668 = arith.addf %parallel_loop3A_667, %get3A_17 : vector<16xf32>
        %parallel_loop3A_669 = arith.constant 0 : i32
        %parallel_loop3A_670 = arith.constant 0 : i32
        %parallel_loop3A_671 = arith.constant 0 : i32
        %parallel_loop3A_672 = arith.constant 0 : i32
        %parallel_loop3A_673 = tpu.memref_slice %arg10[%select_n3A_450, %parallel_loop3A_670, %parallel_loop3A_671, %parallel_loop3A_672] : memref<2x2x200x64xf32, #tpu.memory_space<vmem>> -> memref<1x2x200x64xf32, #tpu.memory_space<vmem>>
        %parallel_loop3A_674 = tpu.memref_squeeze %parallel_loop3A_673 : memref<1x2x200x64xf32, #tpu.memory_space<vmem>> -> memref<2x200x64xf32, #tpu.memory_space<vmem>>
        %parallel_loop3A_675 = arith.index_cast %parallel_loop3A_669 : i32 to index
        %parallel_loop3A_676 = arith.index_cast %parallel_loop3A_502 : i32 to index
        %parallel_loop3A_677 = arith.constant 48 : index
        %parallel_loop3A_678 = tpu.vector_load %parallel_loop3A_674[%parallel_loop3A_675, %parallel_loop3A_676, %parallel_loop3A_677] {strides = array<i32>} : memref<2x200x64xf32, #tpu.memory_space<vmem>>, vector<16xf32>,
        tpu.vector_store %parallel_loop3A_674[%parallel_loop3A_675, %parallel_loop3A_676, %parallel_loop3A_677], %parallel_loop3A_668 {strides = array<i32>} : memref<2x200x64xf32, #tpu.memory_space<vmem>>, vector<16xf32>,
        %parallel_loop3A_679 = arith.constant 200 : i32
        %parallel_loop3A_680 = arith.addi %parallel_loop3A_502, %parallel_loop3A_679 : i32
        %parallel_loop3A_681 = arith.constant 0 : i32
        %parallel_loop3A_682 = arith.constant 0 : i32
        %parallel_loop3A_683 = tpu.memref_slice %arg9[%select_n3A_450, %parallel_loop3A_681, %parallel_loop3A_682] : memref<2x400x64xf32, #tpu.memory_space<vmem>> -> memref<1x400x64xf32, #tpu.memory_space<vmem>>
        %parallel_loop3A_684 = tpu.memref_squeeze %parallel_loop3A_683 : memref<1x400x64xf32, #tpu.memory_space<vmem>> -> memref<400x64xf32, #tpu.memory_space<vmem>>
        %parallel_loop3A_685 = arith.index_cast %parallel_loop3A_680 : i32 to index
        %parallel_loop3A_686 = arith.constant 0 : index
        %parallel_loop3A_687 = tpu.vector_load %parallel_loop3A_684[%parallel_loop3A_685, %parallel_loop3A_686] {strides = array<i32>} : memref<400x64xf32, #tpu.memory_space<vmem>>, vector<16xf32>,
        %parallel_loop3A_688 = arith.addf %parallel_loop3A_687, %parallel_loop3A_505 : vector<16xf32>
        %parallel_loop3A_689 = arith.constant 0 : i32
        %parallel_loop3A_690 = arith.constant 0 : i32
        %parallel_loop3A_691 = tpu.memref_slice %arg9[%select_n3A_450, %parallel_loop3A_689, %parallel_loop3A_690] : memref<2x400x64xf32, #tpu.memory_space<vmem>> -> memref<1x400x64xf32, #tpu.memory_space<vmem>>
        %parallel_loop3A_692 = tpu.memref_squeeze %parallel_loop3A_691 : memref<1x400x64xf32, #tpu.memory_space<vmem>> -> memref<400x64xf32, #tpu.memory_space<vmem>>
        %parallel_loop3A_693 = arith.index_cast %parallel_loop3A_680 : i32 to index
        %parallel_loop3A_694 = arith.constant 16 : index
        %parallel_loop3A_695 = tpu.vector_load %parallel_loop3A_692[%parallel_loop3A_693, %parallel_loop3A_694] {strides = array<i32>} : memref<400x64xf32, #tpu.memory_space<vmem>>, vector<16xf32>,
        %parallel_loop3A_696 = arith.addf %parallel_loop3A_695, %parallel_loop3A_508 : vector<16xf32>
        %parallel_loop3A_697 = arith.constant 0 : i32
        %parallel_loop3A_698 = arith.constant 0 : i32
        %parallel_loop3A_699 = tpu.memref_slice %arg9[%select_n3A_450, %parallel_loop3A_697, %parallel_loop3A_698] : memref<2x400x64xf32, #tpu.memory_space<vmem>> -> memref<1x400x64xf32, #tpu.memory_space<vmem>>
        %parallel_loop3A_700 = tpu.memref_squeeze %parallel_loop3A_699 : memref<1x400x64xf32, #tpu.memory_space<vmem>> -> memref<400x64xf32, #tpu.memory_space<vmem>>
        %parallel_loop3A_701 = arith.index_cast %parallel_loop3A_680 : i32 to index
        %parallel_loop3A_702 = arith.constant 32 : index
        %parallel_loop3A_703 = tpu.vector_load %parallel_loop3A_700[%parallel_loop3A_701, %parallel_loop3A_702] {strides = array<i32>} : memref<400x64xf32, #tpu.memory_space<vmem>>, vector<16xf32>,
        %parallel_loop3A_704 = arith.addf %parallel_loop3A_703, %parallel_loop3A_511 : vector<16xf32>
        %parallel_loop3A_705 = arith.constant 0 : i32
        %parallel_loop3A_706 = arith.constant 0 : i32
        %parallel_loop3A_707 = tpu.memref_slice %arg9[%select_n3A_450, %parallel_loop3A_705, %parallel_loop3A_706] : memref<2x400x64xf32, #tpu.memory_space<vmem>> -> memref<1x400x64xf32, #tpu.memory_space<vmem>>
        %parallel_loop3A_708 = tpu.memref_squeeze %parallel_loop3A_707 : memref<1x400x64xf32, #tpu.memory_space<vmem>> -> memref<400x64xf32, #tpu.memory_space<vmem>>
        %parallel_loop3A_709 = arith.index_cast %parallel_loop3A_680 : i32 to index
        %parallel_loop3A_710 = arith.constant 48 : index
        %parallel_loop3A_711 = tpu.vector_load %parallel_loop3A_708[%parallel_loop3A_709, %parallel_loop3A_710] {strides = array<i32>} : memref<400x64xf32, #tpu.memory_space<vmem>>, vector<16xf32>,
        %parallel_loop3A_712 = arith.addf %parallel_loop3A_711, %parallel_loop3A_514 : vector<16xf32>
        %parallel_loop3A_713 = arith.addf %parallel_loop3A_688, %parallel_loop3A_696 : vector<16xf32>
        %parallel_loop3A_714 = arith.addf %parallel_loop3A_704, %parallel_loop3A_712 : vector<16xf32>
        %parallel_loop3A_715 = arith.addf %parallel_loop3A_713, %parallel_loop3A_714 : vector<16xf32>
        %parallel_loop3A_716 = arith.mulf %parallel_loop3A_688, %parallel_loop3A_688 : vector<16xf32>
        %parallel_loop3A_717 = arith.mulf %parallel_loop3A_696, %parallel_loop3A_696 : vector<16xf32>
        %parallel_loop3A_718 = arith.addf %parallel_loop3A_716, %parallel_loop3A_717 : vector<16xf32>
        %parallel_loop3A_719 = arith.mulf %parallel_loop3A_704, %parallel_loop3A_704 : vector<16xf32>
        %parallel_loop3A_720 = arith.mulf %parallel_loop3A_712, %parallel_loop3A_712 : vector<16xf32>
        %parallel_loop3A_721 = arith.addf %parallel_loop3A_719, %parallel_loop3A_720 : vector<16xf32>
        %parallel_loop3A_722 = arith.addf %parallel_loop3A_718, %parallel_loop3A_721 : vector<16xf32>
        %parallel_loop3A_723 = vector.shape_cast %reshape3A : vector<16x1xi32> to vector<16xi32>
        %parallel_loop3A_724 = tpu.dynamic_gather %parallel_loop3A_715[%parallel_loop3A_723] in [0] : vector<16xf32>, vector<16xi32> -> vector<16xf32>
        %parallel_loop3A_725 = arith.addf %parallel_loop3A_715, %parallel_loop3A_724 : vector<16xf32>
        %parallel_loop3A_726 = vector.shape_cast %reshape3A_23 : vector<16x1xi32> to vector<16xi32>
        %parallel_loop3A_727 = tpu.dynamic_gather %parallel_loop3A_725[%parallel_loop3A_726] in [0] : vector<16xf32>, vector<16xi32> -> vector<16xf32>
        %parallel_loop3A_728 = arith.addf %parallel_loop3A_725, %parallel_loop3A_727 : vector<16xf32>
        %parallel_loop3A_729 = vector.shape_cast %reshape3A_27 : vector<16x1xi32> to vector<16xi32>
        %parallel_loop3A_730 = tpu.dynamic_gather %parallel_loop3A_728[%parallel_loop3A_729] in [0] : vector<16xf32>, vector<16xi32> -> vector<16xf32>
        %parallel_loop3A_731 = arith.addf %parallel_loop3A_728, %parallel_loop3A_730 : vector<16xf32>
        %parallel_loop3A_732 = vector.shape_cast %reshape3A_31 : vector<16x1xi32> to vector<16xi32>
        %parallel_loop3A_733 = tpu.dynamic_gather %parallel_loop3A_731[%parallel_loop3A_732] in [0] : vector<16xf32>, vector<16xi32> -> vector<16xf32>
        %parallel_loop3A_734 = arith.addf %parallel_loop3A_731, %parallel_loop3A_733 : vector<16xf32>
        %parallel_loop3A_735 = arith.constant 1.562500e-02 : f32
        %parallel_loop3A_736 = vector.broadcast %parallel_loop3A_735 : f32 to vector<16xf32>
        %parallel_loop3A_737 = arith.mulf %parallel_loop3A_734, %parallel_loop3A_736 : vector<16xf32>
        %parallel_loop3A_738 = vector.shape_cast %reshape3A : vector<16x1xi32> to vector<16xi32>
        %parallel_loop3A_739 = tpu.dynamic_gather %parallel_loop3A_722[%parallel_loop3A_738] in [0] : vector<16xf32>, vector<16xi32> -> vector<16xf32>
        %parallel_loop3A_740 = arith.addf %parallel_loop3A_722, %parallel_loop3A_739 : vector<16xf32>
        %parallel_loop3A_741 = vector.shape_cast %reshape3A_23 : vector<16x1xi32> to vector<16xi32>
        %parallel_loop3A_742 = tpu.dynamic_gather %parallel_loop3A_740[%parallel_loop3A_741] in [0] : vector<16xf32>, vector<16xi32> -> vector<16xf32>
        %parallel_loop3A_743 = arith.addf %parallel_loop3A_740, %parallel_loop3A_742 : vector<16xf32>
        %parallel_loop3A_744 = vector.shape_cast %reshape3A_27 : vector<16x1xi32> to vector<16xi32>
        %parallel_loop3A_745 = tpu.dynamic_gather %parallel_loop3A_743[%parallel_loop3A_744] in [0] : vector<16xf32>, vector<16xi32> -> vector<16xf32>
        %parallel_loop3A_746 = arith.addf %parallel_loop3A_743, %parallel_loop3A_745 : vector<16xf32>
        %parallel_loop3A_747 = vector.shape_cast %reshape3A_31 : vector<16x1xi32> to vector<16xi32>
        %parallel_loop3A_748 = tpu.dynamic_gather %parallel_loop3A_746[%parallel_loop3A_747] in [0] : vector<16xf32>, vector<16xi32> -> vector<16xf32>
        %parallel_loop3A_749 = arith.addf %parallel_loop3A_746, %parallel_loop3A_748 : vector<16xf32>
        %parallel_loop3A_750 = arith.constant 1.562500e-02 : f32
        %parallel_loop3A_751 = vector.broadcast %parallel_loop3A_750 : f32 to vector<16xf32>
        %parallel_loop3A_752 = arith.mulf %parallel_loop3A_749, %parallel_loop3A_751 : vector<16xf32>
        %parallel_loop3A_753 = arith.mulf %parallel_loop3A_737, %parallel_loop3A_737 : vector<16xf32>
        %parallel_loop3A_754 = arith.subf %parallel_loop3A_752, %parallel_loop3A_753 : vector<16xf32>
        %parallel_loop3A_755 = arith.constant 0.000000e+00 : f32
        %parallel_loop3A_756 = vector.broadcast %parallel_loop3A_755 : f32 to vector<16xf32>
        %parallel_loop3A_757 = arith.maximumf %parallel_loop3A_754, %parallel_loop3A_756 : vector<16xf32>
        %parallel_loop3A_758 = arith.constant 9.99999996E-13 : f32
        %parallel_loop3A_759 = vector.broadcast %parallel_loop3A_758 : f32 to vector<16xf32>
        %parallel_loop3A_760 = arith.addf %parallel_loop3A_757, %parallel_loop3A_759 : vector<16xf32>
        %parallel_loop3A_761 = tpu.bitcast %parallel_loop3A_760 : vector<16xf32> -> vector<16xi32>
        %parallel_loop3A_762 = arith.constant 1 : i32
        %parallel_loop3A_763 = vector.broadcast %parallel_loop3A_762 : i32 to vector<16xi32>
        %parallel_loop3A_764 = arith.shrsi %parallel_loop3A_761, %parallel_loop3A_763 : vector<16xi32>
        %parallel_loop3A_765 = arith.constant 1597463007 : i32
        %parallel_loop3A_766 = vector.broadcast %parallel_loop3A_765 : i32 to vector<16xi32>
        %parallel_loop3A_767 = arith.subi %parallel_loop3A_766, %parallel_loop3A_764 : vector<16xi32>
        %parallel_loop3A_768 = tpu.bitcast %parallel_loop3A_767 : vector<16xi32> -> vector<16xf32>
        %parallel_loop3A_769 = arith.constant 5.000000e-01 : f32
        %parallel_loop3A_770 = vector.broadcast %parallel_loop3A_769 : f32 to vector<16xf32>
        %parallel_loop3A_771 = arith.mulf %parallel_loop3A_770, %parallel_loop3A_760 : vector<16xf32>
        %parallel_loop3A_772 = arith.mulf %parallel_loop3A_771, %parallel_loop3A_768 : vector<16xf32>
        %parallel_loop3A_773 = arith.mulf %parallel_loop3A_772, %parallel_loop3A_768 : vector<16xf32>
        %parallel_loop3A_774 = arith.constant 1.500000e+00 : f32
        %parallel_loop3A_775 = vector.broadcast %parallel_loop3A_774 : f32 to vector<16xf32>
        %parallel_loop3A_776 = arith.subf %parallel_loop3A_775, %parallel_loop3A_773 : vector<16xf32>
        %parallel_loop3A_777 = arith.mulf %parallel_loop3A_768, %parallel_loop3A_776 : vector<16xf32>
        %parallel_loop3A_778 = arith.constant 5.000000e-01 : f32
        %parallel_loop3A_779 = vector.broadcast %parallel_loop3A_778 : f32 to vector<16xf32>
        %parallel_loop3A_780 = arith.mulf %parallel_loop3A_779, %parallel_loop3A_760 : vector<16xf32>
        %parallel_loop3A_781 = arith.mulf %parallel_loop3A_780, %parallel_loop3A_777 : vector<16xf32>
        %parallel_loop3A_782 = arith.mulf %parallel_loop3A_781, %parallel_loop3A_777 : vector<16xf32>
        %parallel_loop3A_783 = arith.constant 1.500000e+00 : f32
        %parallel_loop3A_784 = vector.broadcast %parallel_loop3A_783 : f32 to vector<16xf32>
        %parallel_loop3A_785 = arith.subf %parallel_loop3A_784, %parallel_loop3A_782 : vector<16xf32>
        %parallel_loop3A_786 = arith.mulf %parallel_loop3A_777, %parallel_loop3A_785 : vector<16xf32>
        %parallel_loop3A_787 = arith.subf %parallel_loop3A_688, %parallel_loop3A_737 : vector<16xf32>
        %parallel_loop3A_788 = arith.mulf %parallel_loop3A_786, %get3A_3 : vector<16xf32>
        %parallel_loop3A_789 = arith.mulf %parallel_loop3A_787, %parallel_loop3A_788 : vector<16xf32>
        %parallel_loop3A_790 = arith.addf %parallel_loop3A_789, %get3A_11 : vector<16xf32>
        %parallel_loop3A_791 = arith.constant 1 : i32
        %parallel_loop3A_792 = arith.constant 0 : i32
        %parallel_loop3A_793 = arith.constant 0 : i32
        %parallel_loop3A_794 = arith.constant 0 : i32
        %parallel_loop3A_795 = tpu.memref_slice %arg10[%select_n3A_450, %parallel_loop3A_792, %parallel_loop3A_793, %parallel_loop3A_794] : memref<2x2x200x64xf32, #tpu.memory_space<vmem>> -> memref<1x2x200x64xf32, #tpu.memory_space<vmem>>
        %parallel_loop3A_796 = tpu.memref_squeeze %parallel_loop3A_795 : memref<1x2x200x64xf32, #tpu.memory_space<vmem>> -> memref<2x200x64xf32, #tpu.memory_space<vmem>>
        %parallel_loop3A_797 = arith.index_cast %parallel_loop3A_791 : i32 to index
        %parallel_loop3A_798 = arith.index_cast %parallel_loop3A_502 : i32 to index
        %parallel_loop3A_799 = arith.constant 0 : index
        %parallel_loop3A_800 = tpu.vector_load %parallel_loop3A_796[%parallel_loop3A_797, %parallel_loop3A_798, %parallel_loop3A_799] {strides = array<i32>} : memref<2x200x64xf32, #tpu.memory_space<vmem>>, vector<16xf32>,
        tpu.vector_store %parallel_loop3A_796[%parallel_loop3A_797, %parallel_loop3A_798, %parallel_loop3A_799], %parallel_loop3A_790 {strides = array<i32>} : memref<2x200x64xf32, #tpu.memory_space<vmem>>, vector<16xf32>,
        %parallel_loop3A_801 = arith.subf %parallel_loop3A_696, %parallel_loop3A_737 : vector<16xf32>
        %parallel_loop3A_802 = arith.mulf %parallel_loop3A_786, %get3A_5 : vector<16xf32>
        %parallel_loop3A_803 = arith.mulf %parallel_loop3A_801, %parallel_loop3A_802 : vector<16xf32>
        %parallel_loop3A_804 = arith.addf %parallel_loop3A_803, %get3A_13 : vector<16xf32>
        %parallel_loop3A_805 = arith.constant 1 : i32
        %parallel_loop3A_806 = arith.constant 0 : i32
        %parallel_loop3A_807 = arith.constant 0 : i32
        %parallel_loop3A_808 = arith.constant 0 : i32
        %parallel_loop3A_809 = tpu.memref_slice %arg10[%select_n3A_450, %parallel_loop3A_806, %parallel_loop3A_807, %parallel_loop3A_808] : memref<2x2x200x64xf32, #tpu.memory_space<vmem>> -> memref<1x2x200x64xf32, #tpu.memory_space<vmem>>
        %parallel_loop3A_810 = tpu.memref_squeeze %parallel_loop3A_809 : memref<1x2x200x64xf32, #tpu.memory_space<vmem>> -> memref<2x200x64xf32, #tpu.memory_space<vmem>>
        %parallel_loop3A_811 = arith.index_cast %parallel_loop3A_805 : i32 to index
        %parallel_loop3A_812 = arith.index_cast %parallel_loop3A_502 : i32 to index
        %parallel_loop3A_813 = arith.constant 16 : index
        %parallel_loop3A_814 = tpu.vector_load %parallel_loop3A_810[%parallel_loop3A_811, %parallel_loop3A_812, %parallel_loop3A_813] {strides = array<i32>} : memref<2x200x64xf32, #tpu.memory_space<vmem>>, vector<16xf32>,
        tpu.vector_store %parallel_loop3A_810[%parallel_loop3A_811, %parallel_loop3A_812, %parallel_loop3A_813], %parallel_loop3A_804 {strides = array<i32>} : memref<2x200x64xf32, #tpu.memory_space<vmem>>, vector<16xf32>,
        %parallel_loop3A_815 = arith.subf %parallel_loop3A_704, %parallel_loop3A_737 : vector<16xf32>
        %parallel_loop3A_816 = arith.mulf %parallel_loop3A_786, %get3A_7 : vector<16xf32>
        %parallel_loop3A_817 = arith.mulf %parallel_loop3A_815, %parallel_loop3A_816 : vector<16xf32>
        %parallel_loop3A_818 = arith.addf %parallel_loop3A_817, %get3A_15 : vector<16xf32>
        %parallel_loop3A_819 = arith.constant 1 : i32
        %parallel_loop3A_820 = arith.constant 0 : i32
        %parallel_loop3A_821 = arith.constant 0 : i32
        %parallel_loop3A_822 = arith.constant 0 : i32
        %parallel_loop3A_823 = tpu.memref_slice %arg10[%select_n3A_450, %parallel_loop3A_820, %parallel_loop3A_821, %parallel_loop3A_822] : memref<2x2x200x64xf32, #tpu.memory_space<vmem>> -> memref<1x2x200x64xf32, #tpu.memory_space<vmem>>
        %parallel_loop3A_824 = tpu.memref_squeeze %parallel_loop3A_823 : memref<1x2x200x64xf32, #tpu.memory_space<vmem>> -> memref<2x200x64xf32, #tpu.memory_space<vmem>>
        %parallel_loop3A_825 = arith.index_cast %parallel_loop3A_819 : i32 to index
        %parallel_loop3A_826 = arith.index_cast %parallel_loop3A_502 : i32 to index
        %parallel_loop3A_827 = arith.constant 32 : index
        %parallel_loop3A_828 = tpu.vector_load %parallel_loop3A_824[%parallel_loop3A_825, %parallel_loop3A_826, %parallel_loop3A_827] {strides = array<i32>} : memref<2x200x64xf32, #tpu.memory_space<vmem>>, vector<16xf32>,
        tpu.vector_store %parallel_loop3A_824[%parallel_loop3A_825, %parallel_loop3A_826, %parallel_loop3A_827], %parallel_loop3A_818 {strides = array<i32>} : memref<2x200x64xf32, #tpu.memory_space<vmem>>, vector<16xf32>,
        %parallel_loop3A_829 = arith.subf %parallel_loop3A_712, %parallel_loop3A_737 : vector<16xf32>
        %parallel_loop3A_830 = arith.mulf %parallel_loop3A_786, %get3A_9 : vector<16xf32>
        %parallel_loop3A_831 = arith.mulf %parallel_loop3A_829, %parallel_loop3A_830 : vector<16xf32>
        %parallel_loop3A_832 = arith.addf %parallel_loop3A_831, %get3A_17 : vector<16xf32>
        %parallel_loop3A_833 = arith.constant 1 : i32
        %parallel_loop3A_834 = arith.constant 0 : i32
        %parallel_loop3A_835 = arith.constant 0 : i32
        %parallel_loop3A_836 = arith.constant 0 : i32
        %parallel_loop3A_837 = tpu.memref_slice %arg10[%select_n3A_450, %parallel_loop3A_834, %parallel_loop3A_835, %parallel_loop3A_836] : memref<2x2x200x64xf32, #tpu.memory_space<vmem>> -> memref<1x2x200x64xf32, #tpu.memory_space<vmem>>
        %parallel_loop3A_838 = tpu.memref_squeeze %parallel_loop3A_837 : memref<1x2x200x64xf32, #tpu.memory_space<vmem>> -> memref<2x200x64xf32, #tpu.memory_space<vmem>>
        %parallel_loop3A_839 = arith.index_cast %parallel_loop3A_833 : i32 to index
        %parallel_loop3A_840 = arith.index_cast %parallel_loop3A_502 : i32 to index
        %parallel_loop3A_841 = arith.constant 48 : index
        %parallel_loop3A_842 = tpu.vector_load %parallel_loop3A_838[%parallel_loop3A_839, %parallel_loop3A_840, %parallel_loop3A_841] {strides = array<i32>} : memref<2x200x64xf32, #tpu.memory_space<vmem>>, vector<16xf32>,
        tpu.vector_store %parallel_loop3A_838[%parallel_loop3A_839, %parallel_loop3A_840, %parallel_loop3A_841], %parallel_loop3A_832 {strides = array<i32>} : memref<2x200x64xf32, #tpu.memory_space<vmem>>, vector<16xf32>,
      } {sc.loop_unroll_factor = 4 : i64, sc.parallel_access}
      %mul3A_471 = arith.constant 32 : i32
      %mul3A_472 = arith.muli %add3A, %mul3A_471 : i32
      %mul3A_473 = arith.constant 2 : i32
      %mul3A_474 = arith.muli %scan3A_440, %mul3A_473 : i32
      %add3A_475 = arith.addi %mul3A_472, %mul3A_474 : i32
      %multiple_of3A = tpu.assume_multiple %add3A_475, 2 : i32
      %dma_start3A_476 = arith.constant 0 : i32
      %dma_start3A_477 = arith.constant 0 : i32
      %dma_start3A_478 = arith.constant 0 : i32
      %dma_start3A_479 = tpu.memref_slice %arg10[%select_n3A_450, %dma_start3A_476, %dma_start3A_477, %dma_start3A_478] : memref<2x2x200x64xf32, #tpu.memory_space<vmem>> -> memref<1x2x200x64xf32, #tpu.memory_space<vmem>>
      %dma_start3A_480 = tpu.memref_squeeze %dma_start3A_479 : memref<1x2x200x64xf32, #tpu.memory_space<vmem>> -> memref<2x200x64xf32, #tpu.memory_space<vmem>>
      %dma_start3A_481 = arith.constant 0 : i32
      %dma_start3A_482 = arith.constant 0 : i32
      %dma_start3A_483 = tpu.memref_slice %arg7[%multiple_of3A, %dma_start3A_481, %dma_start3A_482] : memref<1024x200x64xf32, #tpu.memory_space<hbm>> -> memref<2x200x64xf32, #tpu.memory_space<hbm>>
      %dma_start3A_484 = tpu.memref_slice %arg15[%select_n3A_450] : memref<2x!tpu.dma_semaphore, #tpu.memory_space<semaphore_mem>> -> memref<1x!tpu.dma_semaphore, #tpu.memory_space<semaphore_mem>>
      %dma_start3A_485 = tpu.memref_squeeze %dma_start3A_484 : memref<1x!tpu.dma_semaphore, #tpu.memory_space<semaphore_mem>> -> memref<!tpu.dma_semaphore, #tpu.memory_space<semaphore_mem>>
      %dma_start3A_486 = arith.constant 0 : i32
      %dma_start3A_487 = arith.constant 0 : i32
      %dma_start3A_488 = tpu.memref_slice %arg7[%multiple_of3A, %dma_start3A_486, %dma_start3A_487] : memref<1024x200x64xf32, #tpu.memory_space<hbm>> -> memref<2x200x64xf32, #tpu.memory_space<hbm>>
      %dma_start3A_489 = arith.constant 0 : i32
      %dma_start3A_490 = arith.constant 0 : i32
      %dma_start3A_491 = arith.constant 0 : i32
      %dma_start3A_492 = tpu.memref_slice %arg10[%select_n3A_450, %dma_start3A_489, %dma_start3A_490, %dma_start3A_491] : memref<2x2x200x64xf32, #tpu.memory_space<vmem>> -> memref<1x2x200x64xf32, #tpu.memory_space<vmem>>
      %dma_start3A_493 = tpu.memref_squeeze %dma_start3A_492 : memref<1x2x200x64xf32, #tpu.memory_space<vmem>> -> memref<2x200x64xf32, #tpu.memory_space<vmem>>
      tpu.enqueue_dma source(%dma_start3A_493 : memref<2x200x64xf32, #tpu.memory_space<vmem>>) target(%dma_start3A_488 : memref<2x200x64xf32, #tpu.memory_space<hbm>>) target_semaphore(%dma_start3A_485 : memref<!tpu.dma_semaphore, #tpu.memory_space<semaphore_mem>>)
      %add3A_494 = arith.constant 2 : i32
      %add3A_495 = arith.addi %scan3A_440, %add3A_494 : i32
      %lt3A_496 = arith.constant 16 : i32
      %lt3A_497 = arith.cmpi slt, %add3A_495, %lt3A_496 : i32
      %convert_element_type3A_498 = arith.extui %lt3A_497 : i1 to i32
      %cond3A_499 = arith.constant 0 : i32
      %cond3A_500 = arith.cmpi ne, %convert_element_type3A_498, %cond3A_499 : i32
      scf.if %cond3A_500 {
        %add3A_502 = arith.constant 2 : i32
        %add3A_503 = arith.addi %scan3A_440, %add3A_502 : i32
        %mul3A_504 = arith.constant 2 : i32
        %mul3A_505 = arith.muli %add3A_503, %mul3A_504 : i32
        %add3A_506 = arith.constant 0 : i32
        %add3A_507 = arith.addi %mul3A_505, %add3A_506 : i32
        %dma_start3A_508 = arith.constant 0 : i32
        %dma_start3A_509 = arith.constant 0 : i32
        %dma_start3A_510 = tpu.memref_slice %arg9[%select_n3A_450, %dma_start3A_508, %dma_start3A_509] : memref<2x400x64xf32, #tpu.memory_space<vmem>> -> memref<1x400x64xf32, #tpu.memory_space<vmem>>
        %dma_start3A_511 = tpu.memref_squeeze %dma_start3A_510 : memref<1x400x64xf32, #tpu.memory_space<vmem>> -> memref<400x64xf32, #tpu.memory_space<vmem>>
        %dma_start3A_512 = arith.constant 0 : i32
        %dma_start3A_513 = arith.constant 0 : i32
        %dma_start3A_514 = tpu.memref_slice %dma_start3A_511[%dma_start3A_512, %dma_start3A_513] : memref<400x64xf32, #tpu.memory_space<vmem>> -> memref<40x64xf32, #tpu.memory_space<vmem>>
        %dma_start3A_515 = arith.constant 0 : i32
        %dma_start3A_516 = tpu.memref_slice %arg8[%add3A_507, %dma_start3A_515] : memref<32x200xi32, #tpu.memory_space<vmem>> -> memref<1x40xi32, #tpu.memory_space<vmem>>
        %dma_start3A_517 = tpu.memref_squeeze %dma_start3A_516 : memref<1x40xi32, #tpu.memory_space<vmem>> -> memref<40xi32, #tpu.memory_space<vmem>>
        %dma_start3A_518 = arith.constant 0 : i32
        %dma_start3A_519 = arith.constant 0 : i32
        %dma_start3A_520 = tpu.memref_slice %arg3[%dma_start3A_518, %dma_start3A_519] : memref<100000x64xf32, #tpu.memory_space<hbm>> -> memref<100000x64xf32, #tpu.memory_space<hbm>>
        %dma_start3A_521 = tpu.memref_slice %arg14[%select_n3A_450] : memref<2x!tpu.dma_semaphore, #tpu.memory_space<semaphore_mem>> -> memref<1x!tpu.dma_semaphore, #tpu.memory_space<semaphore_mem>>
        %dma_start3A_522 = tpu.memref_squeeze %dma_start3A_521 : memref<1x!tpu.dma_semaphore, #tpu.memory_space<semaphore_mem>> -> memref<!tpu.dma_semaphore, #tpu.memory_space<semaphore_mem>>
        tpu.enqueue_indirect_dma source(%dma_start3A_520 : memref<100000x64xf32, #tpu.memory_space<hbm>>) target(%dma_start3A_514 : memref<40x64xf32, #tpu.memory_space<vmem>>) offsets(%dma_start3A_517 : memref<40xi32, #tpu.memory_space<vmem>>) semaphore(%dma_start3A_522 : memref<!tpu.dma_semaphore, #tpu.memory_space<semaphore_mem>>)
        %mul3A_523 = arith.constant 2 : i32
        %mul3A_524 = arith.muli %add3A_503, %mul3A_523 : i32
        %add3A_525 = arith.constant 0 : i32
        %add3A_526 = arith.addi %mul3A_524, %add3A_525 : i32
        %dma_start3A_527 = arith.constant 0 : i32
        %dma_start3A_528 = arith.constant 0 : i32
        %dma_start3A_529 = tpu.memref_slice %arg9[%select_n3A_450, %dma_start3A_527, %dma_start3A_528] : memref<2x400x64xf32, #tpu.memory_space<vmem>> -> memref<1x400x64xf32, #tpu.memory_space<vmem>>
        %dma_start3A_530 = tpu.memref_squeeze %dma_start3A_529 : memref<1x400x64xf32, #tpu.memory_space<vmem>> -> memref<400x64xf32, #tpu.memory_space<vmem>>
        %dma_start3A_531 = arith.constant 40 : i32
        %dma_start3A_532 = arith.constant 0 : i32
        %dma_start3A_533 = tpu.memref_slice %dma_start3A_530[%dma_start3A_531, %dma_start3A_532] : memref<400x64xf32, #tpu.memory_space<vmem>> -> memref<40x64xf32, #tpu.memory_space<vmem>>
        %dma_start3A_534 = arith.constant 40 : i32
        %dma_start3A_535 = tpu.memref_slice %arg8[%add3A_526, %dma_start3A_534] : memref<32x200xi32, #tpu.memory_space<vmem>> -> memref<1x40xi32, #tpu.memory_space<vmem>>
        %dma_start3A_536 = tpu.memref_squeeze %dma_start3A_535 : memref<1x40xi32, #tpu.memory_space<vmem>> -> memref<40xi32, #tpu.memory_space<vmem>>
        %dma_start3A_537 = arith.constant 0 : i32
        %dma_start3A_538 = arith.constant 0 : i32
        %dma_start3A_539 = tpu.memref_slice %arg3[%dma_start3A_537, %dma_start3A_538] : memref<100000x64xf32, #tpu.memory_space<hbm>> -> memref<100000x64xf32, #tpu.memory_space<hbm>>
        %dma_start3A_540 = tpu.memref_slice %arg14[%select_n3A_450] : memref<2x!tpu.dma_semaphore, #tpu.memory_space<semaphore_mem>> -> memref<1x!tpu.dma_semaphore, #tpu.memory_space<semaphore_mem>>
        %dma_start3A_541 = tpu.memref_squeeze %dma_start3A_540 : memref<1x!tpu.dma_semaphore, #tpu.memory_space<semaphore_mem>> -> memref<!tpu.dma_semaphore, #tpu.memory_space<semaphore_mem>>
        tpu.enqueue_indirect_dma source(%dma_start3A_539 : memref<100000x64xf32, #tpu.memory_space<hbm>>) target(%dma_start3A_533 : memref<40x64xf32, #tpu.memory_space<vmem>>) offsets(%dma_start3A_536 : memref<40xi32, #tpu.memory_space<vmem>>) semaphore(%dma_start3A_541 : memref<!tpu.dma_semaphore, #tpu.memory_space<semaphore_mem>>)
        %mul3A_542 = arith.constant 2 : i32
        %mul3A_543 = arith.muli %add3A_503, %mul3A_542 : i32
        %add3A_544 = arith.constant 0 : i32
        %add3A_545 = arith.addi %mul3A_543, %add3A_544 : i32
        %dma_start3A_546 = arith.constant 0 : i32
        %dma_start3A_547 = arith.constant 0 : i32
        %dma_start3A_548 = tpu.memref_slice %arg9[%select_n3A_450, %dma_start3A_546, %dma_start3A_547] : memref<2x400x64xf32, #tpu.memory_space<vmem>> -> memref<1x400x64xf32, #tpu.memory_space<vmem>>
        %dma_start3A_549 = tpu.memref_squeeze %dma_start3A_548 : memref<1x400x64xf32, #tpu.memory_space<vmem>> -> memref<400x64xf32, #tpu.memory_space<vmem>>
        %dma_start3A_550 = arith.constant 80 : i32
        %dma_start3A_551 = arith.constant 0 : i32
        %dma_start3A_552 = tpu.memref_slice %dma_start3A_549[%dma_start3A_550, %dma_start3A_551] : memref<400x64xf32, #tpu.memory_space<vmem>> -> memref<40x64xf32, #tpu.memory_space<vmem>>
        %dma_start3A_553 = arith.constant 80 : i32
        %dma_start3A_554 = tpu.memref_slice %arg8[%add3A_545, %dma_start3A_553] : memref<32x200xi32, #tpu.memory_space<vmem>> -> memref<1x40xi32, #tpu.memory_space<vmem>>
        %dma_start3A_555 = tpu.memref_squeeze %dma_start3A_554 : memref<1x40xi32, #tpu.memory_space<vmem>> -> memref<40xi32, #tpu.memory_space<vmem>>
        %dma_start3A_556 = arith.constant 0 : i32
        %dma_start3A_557 = arith.constant 0 : i32
        %dma_start3A_558 = tpu.memref_slice %arg3[%dma_start3A_556, %dma_start3A_557] : memref<100000x64xf32, #tpu.memory_space<hbm>> -> memref<100000x64xf32, #tpu.memory_space<hbm>>
        %dma_start3A_559 = tpu.memref_slice %arg14[%select_n3A_450] : memref<2x!tpu.dma_semaphore, #tpu.memory_space<semaphore_mem>> -> memref<1x!tpu.dma_semaphore, #tpu.memory_space<semaphore_mem>>
        %dma_start3A_560 = tpu.memref_squeeze %dma_start3A_559 : memref<1x!tpu.dma_semaphore, #tpu.memory_space<semaphore_mem>> -> memref<!tpu.dma_semaphore, #tpu.memory_space<semaphore_mem>>
        tpu.enqueue_indirect_dma source(%dma_start3A_558 : memref<100000x64xf32, #tpu.memory_space<hbm>>) target(%dma_start3A_552 : memref<40x64xf32, #tpu.memory_space<vmem>>) offsets(%dma_start3A_555 : memref<40xi32, #tpu.memory_space<vmem>>) semaphore(%dma_start3A_560 : memref<!tpu.dma_semaphore, #tpu.memory_space<semaphore_mem>>)
        %mul3A_561 = arith.constant 2 : i32
        %mul3A_562 = arith.muli %add3A_503, %mul3A_561 : i32
        %add3A_563 = arith.constant 0 : i32
        %add3A_564 = arith.addi %mul3A_562, %add3A_563 : i32
        %dma_start3A_565 = arith.constant 0 : i32
        %dma_start3A_566 = arith.constant 0 : i32
        %dma_start3A_567 = tpu.memref_slice %arg9[%select_n3A_450, %dma_start3A_565, %dma_start3A_566] : memref<2x400x64xf32, #tpu.memory_space<vmem>> -> memref<1x400x64xf32, #tpu.memory_space<vmem>>
        %dma_start3A_568 = tpu.memref_squeeze %dma_start3A_567 : memref<1x400x64xf32, #tpu.memory_space<vmem>> -> memref<400x64xf32, #tpu.memory_space<vmem>>
        %dma_start3A_569 = arith.constant 120 : i32
        %dma_start3A_570 = arith.constant 0 : i32
        %dma_start3A_571 = tpu.memref_slice %dma_start3A_568[%dma_start3A_569, %dma_start3A_570] : memref<400x64xf32, #tpu.memory_space<vmem>> -> memref<40x64xf32, #tpu.memory_space<vmem>>
        %dma_start3A_572 = arith.constant 120 : i32
        %dma_start3A_573 = tpu.memref_slice %arg8[%add3A_564, %dma_start3A_572] : memref<32x200xi32, #tpu.memory_space<vmem>> -> memref<1x40xi32, #tpu.memory_space<vmem>>
        %dma_start3A_574 = tpu.memref_squeeze %dma_start3A_573 : memref<1x40xi32, #tpu.memory_space<vmem>> -> memref<40xi32, #tpu.memory_space<vmem>>
        %dma_start3A_575 = arith.constant 0 : i32
        %dma_start3A_576 = arith.constant 0 : i32
        %dma_start3A_577 = tpu.memref_slice %arg3[%dma_start3A_575, %dma_start3A_576] : memref<100000x64xf32, #tpu.memory_space<hbm>> -> memref<100000x64xf32, #tpu.memory_space<hbm>>
        %dma_start3A_578 = tpu.memref_slice %arg14[%select_n3A_450] : memref<2x!tpu.dma_semaphore, #tpu.memory_space<semaphore_mem>> -> memref<1x!tpu.dma_semaphore, #tpu.memory_space<semaphore_mem>>
        %dma_start3A_579 = tpu.memref_squeeze %dma_start3A_578 : memref<1x!tpu.dma_semaphore, #tpu.memory_space<semaphore_mem>> -> memref<!tpu.dma_semaphore, #tpu.memory_space<semaphore_mem>>
        tpu.enqueue_indirect_dma source(%dma_start3A_577 : memref<100000x64xf32, #tpu.memory_space<hbm>>) target(%dma_start3A_571 : memref<40x64xf32, #tpu.memory_space<vmem>>) offsets(%dma_start3A_574 : memref<40xi32, #tpu.memory_space<vmem>>) semaphore(%dma_start3A_579 : memref<!tpu.dma_semaphore, #tpu.memory_space<semaphore_mem>>)
        %mul3A_580 = arith.constant 2 : i32
        %mul3A_581 = arith.muli %add3A_503, %mul3A_580 : i32
        %add3A_582 = arith.constant 0 : i32
        %add3A_583 = arith.addi %mul3A_581, %add3A_582 : i32
        %dma_start3A_584 = arith.constant 0 : i32
        %dma_start3A_585 = arith.constant 0 : i32
        %dma_start3A_586 = tpu.memref_slice %arg9[%select_n3A_450, %dma_start3A_584, %dma_start3A_585] : memref<2x400x64xf32, #tpu.memory_space<vmem>> -> memref<1x400x64xf32, #tpu.memory_space<vmem>>
        %dma_start3A_587 = tpu.memref_squeeze %dma_start3A_586 : memref<1x400x64xf32, #tpu.memory_space<vmem>> -> memref<400x64xf32, #tpu.memory_space<vmem>>
        %dma_start3A_588 = arith.constant 160 : i32
        %dma_start3A_589 = arith.constant 0 : i32
        %dma_start3A_590 = tpu.memref_slice %dma_start3A_587[%dma_start3A_588, %dma_start3A_589] : memref<400x64xf32, #tpu.memory_space<vmem>> -> memref<40x64xf32, #tpu.memory_space<vmem>>
        %dma_start3A_591 = arith.constant 160 : i32
        %dma_start3A_592 = tpu.memref_slice %arg8[%add3A_583, %dma_start3A_591] : memref<32x200xi32, #tpu.memory_space<vmem>> -> memref<1x40xi32, #tpu.memory_space<vmem>>
        %dma_start3A_593 = tpu.memref_squeeze %dma_start3A_592 : memref<1x40xi32, #tpu.memory_space<vmem>> -> memref<40xi32, #tpu.memory_space<vmem>>
        %dma_start3A_594 = arith.constant 0 : i32
        %dma_start3A_595 = arith.constant 0 : i32
        %dma_start3A_596 = tpu.memref_slice %arg3[%dma_start3A_594, %dma_start3A_595] : memref<100000x64xf32, #tpu.memory_space<hbm>> -> memref<100000x64xf32, #tpu.memory_space<hbm>>
        %dma_start3A_597 = tpu.memref_slice %arg14[%select_n3A_450] : memref<2x!tpu.dma_semaphore, #tpu.memory_space<semaphore_mem>> -> memref<1x!tpu.dma_semaphore, #tpu.memory_space<semaphore_mem>>
        %dma_start3A_598 = tpu.memref_squeeze %dma_start3A_597 : memref<1x!tpu.dma_semaphore, #tpu.memory_space<semaphore_mem>> -> memref<!tpu.dma_semaphore, #tpu.memory_space<semaphore_mem>>
        tpu.enqueue_indirect_dma source(%dma_start3A_596 : memref<100000x64xf32, #tpu.memory_space<hbm>>) target(%dma_start3A_590 : memref<40x64xf32, #tpu.memory_space<vmem>>) offsets(%dma_start3A_593 : memref<40xi32, #tpu.memory_space<vmem>>) semaphore(%dma_start3A_598 : memref<!tpu.dma_semaphore, #tpu.memory_space<semaphore_mem>>)
        %mul3A_599 = arith.constant 2 : i32
        %mul3A_600 = arith.muli %add3A_503, %mul3A_599 : i32
        %add3A_601 = arith.constant 1 : i32
        %add3A_602 = arith.addi %mul3A_600, %add3A_601 : i32
        %dma_start3A_603 = arith.constant 0 : i32
        %dma_start3A_604 = arith.constant 0 : i32
        %dma_start3A_605 = tpu.memref_slice %arg9[%select_n3A_450, %dma_start3A_603, %dma_start3A_604] : memref<2x400x64xf32, #tpu.memory_space<vmem>> -> memref<1x400x64xf32, #tpu.memory_space<vmem>>
        %dma_start3A_606 = tpu.memref_squeeze %dma_start3A_605 : memref<1x400x64xf32, #tpu.memory_space<vmem>> -> memref<400x64xf32, #tpu.memory_space<vmem>>
        %dma_start3A_607 = arith.constant 200 : i32
        %dma_start3A_608 = arith.constant 0 : i32
        %dma_start3A_609 = tpu.memref_slice %dma_start3A_606[%dma_start3A_607, %dma_start3A_608] : memref<400x64xf32, #tpu.memory_space<vmem>> -> memref<40x64xf32, #tpu.memory_space<vmem>>
        %dma_start3A_610 = arith.constant 0 : i32
        %dma_start3A_611 = tpu.memref_slice %arg8[%add3A_602, %dma_start3A_610] : memref<32x200xi32, #tpu.memory_space<vmem>> -> memref<1x40xi32, #tpu.memory_space<vmem>>
        %dma_start3A_612 = tpu.memref_squeeze %dma_start3A_611 : memref<1x40xi32, #tpu.memory_space<vmem>> -> memref<40xi32, #tpu.memory_space<vmem>>
        %dma_start3A_613 = arith.constant 0 : i32
        %dma_start3A_614 = arith.constant 0 : i32
        %dma_start3A_615 = tpu.memref_slice %arg3[%dma_start3A_613, %dma_start3A_614] : memref<100000x64xf32, #tpu.memory_space<hbm>> -> memref<100000x64xf32, #tpu.memory_space<hbm>>
        %dma_start3A_616 = tpu.memref_slice %arg14[%select_n3A_450] : memref<2x!tpu.dma_semaphore, #tpu.memory_space<semaphore_mem>> -> memref<1x!tpu.dma_semaphore, #tpu.memory_space<semaphore_mem>>
        %dma_start3A_617 = tpu.memref_squeeze %dma_start3A_616 : memref<1x!tpu.dma_semaphore, #tpu.memory_space<semaphore_mem>> -> memref<!tpu.dma_semaphore, #tpu.memory_space<semaphore_mem>>
        tpu.enqueue_indirect_dma source(%dma_start3A_615 : memref<100000x64xf32, #tpu.memory_space<hbm>>) target(%dma_start3A_609 : memref<40x64xf32, #tpu.memory_space<vmem>>) offsets(%dma_start3A_612 : memref<40xi32, #tpu.memory_space<vmem>>) semaphore(%dma_start3A_617 : memref<!tpu.dma_semaphore, #tpu.memory_space<semaphore_mem>>)
        %mul3A_618 = arith.constant 2 : i32
        %mul3A_619 = arith.muli %add3A_503, %mul3A_618 : i32
        %add3A_620 = arith.constant 1 : i32
        %add3A_621 = arith.addi %mul3A_619, %add3A_620 : i32
        %dma_start3A_622 = arith.constant 0 : i32
        %dma_start3A_623 = arith.constant 0 : i32
        %dma_start3A_624 = tpu.memref_slice %arg9[%select_n3A_450, %dma_start3A_622, %dma_start3A_623] : memref<2x400x64xf32, #tpu.memory_space<vmem>> -> memref<1x400x64xf32, #tpu.memory_space<vmem>>
        %dma_start3A_625 = tpu.memref_squeeze %dma_start3A_624 : memref<1x400x64xf32, #tpu.memory_space<vmem>> -> memref<400x64xf32, #tpu.memory_space<vmem>>
        %dma_start3A_626 = arith.constant 240 : i32
        %dma_start3A_627 = arith.constant 0 : i32
        %dma_start3A_628 = tpu.memref_slice %dma_start3A_625[%dma_start3A_626, %dma_start3A_627] : memref<400x64xf32, #tpu.memory_space<vmem>> -> memref<40x64xf32, #tpu.memory_space<vmem>>
        %dma_start3A_629 = arith.constant 40 : i32
        %dma_start3A_630 = tpu.memref_slice %arg8[%add3A_621, %dma_start3A_629] : memref<32x200xi32, #tpu.memory_space<vmem>> -> memref<1x40xi32, #tpu.memory_space<vmem>>
        %dma_start3A_631 = tpu.memref_squeeze %dma_start3A_630 : memref<1x40xi32, #tpu.memory_space<vmem>> -> memref<40xi32, #tpu.memory_space<vmem>>
        %dma_start3A_632 = arith.constant 0 : i32
        %dma_start3A_633 = arith.constant 0 : i32
        %dma_start3A_634 = tpu.memref_slice %arg3[%dma_start3A_632, %dma_start3A_633] : memref<100000x64xf32, #tpu.memory_space<hbm>> -> memref<100000x64xf32, #tpu.memory_space<hbm>>
        %dma_start3A_635 = tpu.memref_slice %arg14[%select_n3A_450] : memref<2x!tpu.dma_semaphore, #tpu.memory_space<semaphore_mem>> -> memref<1x!tpu.dma_semaphore, #tpu.memory_space<semaphore_mem>>
        %dma_start3A_636 = tpu.memref_squeeze %dma_start3A_635 : memref<1x!tpu.dma_semaphore, #tpu.memory_space<semaphore_mem>> -> memref<!tpu.dma_semaphore, #tpu.memory_space<semaphore_mem>>
        tpu.enqueue_indirect_dma source(%dma_start3A_634 : memref<100000x64xf32, #tpu.memory_space<hbm>>) target(%dma_start3A_628 : memref<40x64xf32, #tpu.memory_space<vmem>>) offsets(%dma_start3A_631 : memref<40xi32, #tpu.memory_space<vmem>>) semaphore(%dma_start3A_636 : memref<!tpu.dma_semaphore, #tpu.memory_space<semaphore_mem>>)
        %mul3A_637 = arith.constant 2 : i32
        %mul3A_638 = arith.muli %add3A_503, %mul3A_637 : i32
        %add3A_639 = arith.constant 1 : i32
        %add3A_640 = arith.addi %mul3A_638, %add3A_639 : i32
        %dma_start3A_641 = arith.constant 0 : i32
        %dma_start3A_642 = arith.constant 0 : i32
        %dma_start3A_643 = tpu.memref_slice %arg9[%select_n3A_450, %dma_start3A_641, %dma_start3A_642] : memref<2x400x64xf32, #tpu.memory_space<vmem>> -> memref<1x400x64xf32, #tpu.memory_space<vmem>>
        %dma_start3A_644 = tpu.memref_squeeze %dma_start3A_643 : memref<1x400x64xf32, #tpu.memory_space<vmem>> -> memref<400x64xf32, #tpu.memory_space<vmem>>
        %dma_start3A_645 = arith.constant 280 : i32
        %dma_start3A_646 = arith.constant 0 : i32
        %dma_start3A_647 = tpu.memref_slice %dma_start3A_644[%dma_start3A_645, %dma_start3A_646] : memref<400x64xf32, #tpu.memory_space<vmem>> -> memref<40x64xf32, #tpu.memory_space<vmem>>
        %dma_start3A_648 = arith.constant 80 : i32
        %dma_start3A_649 = tpu.memref_slice %arg8[%add3A_640, %dma_start3A_648] : memref<32x200xi32, #tpu.memory_space<vmem>> -> memref<1x40xi32, #tpu.memory_space<vmem>>
        %dma_start3A_650 = tpu.memref_squeeze %dma_start3A_649 : memref<1x40xi32, #tpu.memory_space<vmem>> -> memref<40xi32, #tpu.memory_space<vmem>>
        %dma_start3A_651 = arith.constant 0 : i32
        %dma_start3A_652 = arith.constant 0 : i32
        %dma_start3A_653 = tpu.memref_slice %arg3[%dma_start3A_651, %dma_start3A_652] : memref<100000x64xf32, #tpu.memory_space<hbm>> -> memref<100000x64xf32, #tpu.memory_space<hbm>>
        %dma_start3A_654 = tpu.memref_slice %arg14[%select_n3A_450] : memref<2x!tpu.dma_semaphore, #tpu.memory_space<semaphore_mem>> -> memref<1x!tpu.dma_semaphore, #tpu.memory_space<semaphore_mem>>
        %dma_start3A_655 = tpu.memref_squeeze %dma_start3A_654 : memref<1x!tpu.dma_semaphore, #tpu.memory_space<semaphore_mem>> -> memref<!tpu.dma_semaphore, #tpu.memory_space<semaphore_mem>>
        tpu.enqueue_indirect_dma source(%dma_start3A_653 : memref<100000x64xf32, #tpu.memory_space<hbm>>) target(%dma_start3A_647 : memref<40x64xf32, #tpu.memory_space<vmem>>) offsets(%dma_start3A_650 : memref<40xi32, #tpu.memory_space<vmem>>) semaphore(%dma_start3A_655 : memref<!tpu.dma_semaphore, #tpu.memory_space<semaphore_mem>>)
        %mul3A_656 = arith.constant 2 : i32
        %mul3A_657 = arith.muli %add3A_503, %mul3A_656 : i32
        %add3A_658 = arith.constant 1 : i32
        %add3A_659 = arith.addi %mul3A_657, %add3A_658 : i32
        %dma_start3A_660 = arith.constant 0 : i32
        %dma_start3A_661 = arith.constant 0 : i32
        %dma_start3A_662 = tpu.memref_slice %arg9[%select_n3A_450, %dma_start3A_660, %dma_start3A_661] : memref<2x400x64xf32, #tpu.memory_space<vmem>> -> memref<1x400x64xf32, #tpu.memory_space<vmem>>
        %dma_start3A_663 = tpu.memref_squeeze %dma_start3A_662 : memref<1x400x64xf32, #tpu.memory_space<vmem>> -> memref<400x64xf32, #tpu.memory_space<vmem>>
        %dma_start3A_664 = arith.constant 320 : i32
        %dma_start3A_665 = arith.constant 0 : i32
        %dma_start3A_666 = tpu.memref_slice %dma_start3A_663[%dma_start3A_664, %dma_start3A_665] : memref<400x64xf32, #tpu.memory_space<vmem>> -> memref<40x64xf32, #tpu.memory_space<vmem>>
        %dma_start3A_667 = arith.constant 120 : i32
        %dma_start3A_668 = tpu.memref_slice %arg8[%add3A_659, %dma_start3A_667] : memref<32x200xi32, #tpu.memory_space<vmem>> -> memref<1x40xi32, #tpu.memory_space<vmem>>
        %dma_start3A_669 = tpu.memref_squeeze %dma_start3A_668 : memref<1x40xi32, #tpu.memory_space<vmem>> -> memref<40xi32, #tpu.memory_space<vmem>>
        %dma_start3A_670 = arith.constant 0 : i32
        %dma_start3A_671 = arith.constant 0 : i32
        %dma_start3A_672 = tpu.memref_slice %arg3[%dma_start3A_670, %dma_start3A_671] : memref<100000x64xf32, #tpu.memory_space<hbm>> -> memref<100000x64xf32, #tpu.memory_space<hbm>>
        %dma_start3A_673 = tpu.memref_slice %arg14[%select_n3A_450] : memref<2x!tpu.dma_semaphore, #tpu.memory_space<semaphore_mem>> -> memref<1x!tpu.dma_semaphore, #tpu.memory_space<semaphore_mem>>
        %dma_start3A_674 = tpu.memref_squeeze %dma_start3A_673 : memref<1x!tpu.dma_semaphore, #tpu.memory_space<semaphore_mem>> -> memref<!tpu.dma_semaphore, #tpu.memory_space<semaphore_mem>>
        tpu.enqueue_indirect_dma source(%dma_start3A_672 : memref<100000x64xf32, #tpu.memory_space<hbm>>) target(%dma_start3A_666 : memref<40x64xf32, #tpu.memory_space<vmem>>) offsets(%dma_start3A_669 : memref<40xi32, #tpu.memory_space<vmem>>) semaphore(%dma_start3A_674 : memref<!tpu.dma_semaphore, #tpu.memory_space<semaphore_mem>>)
        %mul3A_675 = arith.constant 2 : i32
        %mul3A_676 = arith.muli %add3A_503, %mul3A_675 : i32
        %add3A_677 = arith.constant 1 : i32
        %add3A_678 = arith.addi %mul3A_676, %add3A_677 : i32
        %dma_start3A_679 = arith.constant 0 : i32
        %dma_start3A_680 = arith.constant 0 : i32
        %dma_start3A_681 = tpu.memref_slice %arg9[%select_n3A_450, %dma_start3A_679, %dma_start3A_680] : memref<2x400x64xf32, #tpu.memory_space<vmem>> -> memref<1x400x64xf32, #tpu.memory_space<vmem>>
        %dma_start3A_682 = tpu.memref_squeeze %dma_start3A_681 : memref<1x400x64xf32, #tpu.memory_space<vmem>> -> memref<400x64xf32, #tpu.memory_space<vmem>>
        %dma_start3A_683 = arith.constant 360 : i32
        %dma_start3A_684 = arith.constant 0 : i32
        %dma_start3A_685 = tpu.memref_slice %dma_start3A_682[%dma_start3A_683, %dma_start3A_684] : memref<400x64xf32, #tpu.memory_space<vmem>> -> memref<40x64xf32, #tpu.memory_space<vmem>>
        %dma_start3A_686 = arith.constant 160 : i32
        %dma_start3A_687 = tpu.memref_slice %arg8[%add3A_678, %dma_start3A_686] : memref<32x200xi32, #tpu.memory_space<vmem>> -> memref<1x40xi32, #tpu.memory_space<vmem>>
        %dma_start3A_688 = tpu.memref_squeeze %dma_start3A_687 : memref<1x40xi32, #tpu.memory_space<vmem>> -> memref<40xi32, #tpu.memory_space<vmem>>
        %dma_start3A_689 = arith.constant 0 : i32
        %dma_start3A_690 = arith.constant 0 : i32
        %dma_start3A_691 = tpu.memref_slice %arg3[%dma_start3A_689, %dma_start3A_690] : memref<100000x64xf32, #tpu.memory_space<hbm>> -> memref<100000x64xf32, #tpu.memory_space<hbm>>
        %dma_start3A_692 = tpu.memref_slice %arg14[%select_n3A_450] : memref<2x!tpu.dma_semaphore, #tpu.memory_space<semaphore_mem>> -> memref<1x!tpu.dma_semaphore, #tpu.memory_space<semaphore_mem>>
        %dma_start3A_693 = tpu.memref_squeeze %dma_start3A_692 : memref<1x!tpu.dma_semaphore, #tpu.memory_space<semaphore_mem>> -> memref<!tpu.dma_semaphore, #tpu.memory_space<semaphore_mem>>
        tpu.enqueue_indirect_dma source(%dma_start3A_691 : memref<100000x64xf32, #tpu.memory_space<hbm>>) target(%dma_start3A_685 : memref<40x64xf32, #tpu.memory_space<vmem>>) offsets(%dma_start3A_688 : memref<40xi32, #tpu.memory_space<vmem>>) semaphore(%dma_start3A_693 : memref<!tpu.dma_semaphore, #tpu.memory_space<semaphore_mem>>)
      } else {
      }
      %scan3A_501 = arith.constant 0 : i32
      scf.yield %scan3A_501 : i32
    }
    %scan3A_396 = arith.constant 16 : i32
    %dma_wait3A = arith.constant 0 : i32
    %dma_wait3A_397 = arith.constant 0 : i32
    %dma_wait3A_398 = arith.constant 0 : i32
    %dma_wait3A_399 = arith.constant 0 : i32
    %dma_wait3A_400 = arith.constant 0 : i32
    %dma_wait3A_401 = tpu.memref_slice %arg10[%dma_wait3A, %dma_wait3A_398, %dma_wait3A_399, %dma_wait3A_400] : memref<2x2x200x64xf32, #tpu.memory_space<vmem>> -> memref<1x2x200x64xf32, #tpu.memory_space<vmem>>
    %dma_wait3A_402 = tpu.memref_squeeze %dma_wait3A_401 : memref<1x2x200x64xf32, #tpu.memory_space<vmem>> -> memref<2x200x64xf32, #tpu.memory_space<vmem>>
    %dma_wait3A_403 = arith.constant 0 : i32
    %dma_wait3A_404 = arith.constant 0 : i32
    %dma_wait3A_405 = arith.constant 0 : i32
    %dma_wait3A_406 = tpu.memref_slice %arg7[%dma_wait3A_403, %dma_wait3A_404, %dma_wait3A_405] : memref<1024x200x64xf32, #tpu.memory_space<hbm>> -> memref<2x200x64xf32, #tpu.memory_space<hbm>>
    %dma_wait3A_407 = tpu.memref_slice %arg15[%dma_wait3A_397] : memref<2x!tpu.dma_semaphore, #tpu.memory_space<semaphore_mem>> -> memref<1x!tpu.dma_semaphore, #tpu.memory_space<semaphore_mem>>
    %dma_wait3A_408 = tpu.memref_squeeze %dma_wait3A_407 : memref<1x!tpu.dma_semaphore, #tpu.memory_space<semaphore_mem>> -> memref<!tpu.dma_semaphore, #tpu.memory_space<semaphore_mem>>
    %dma_wait3A_409 = arith.constant 0 : i32
    %dma_wait3A_410 = arith.constant 0 : i32
    %dma_wait3A_411 = arith.constant 0 : i32
    %dma_wait3A_412 = tpu.memref_slice %arg7[%dma_wait3A_409, %dma_wait3A_410, %dma_wait3A_411] : memref<1024x200x64xf32, #tpu.memory_space<hbm>> -> memref<2x200x64xf32, #tpu.memory_space<hbm>>
    %dma_wait3A_413 = arith.constant 0 : i32
    %dma_wait3A_414 = arith.constant 0 : i32
    %dma_wait3A_415 = arith.constant 0 : i32
    %dma_wait3A_416 = tpu.memref_slice %arg10[%dma_wait3A, %dma_wait3A_413, %dma_wait3A_414, %dma_wait3A_415] : memref<2x2x200x64xf32, #tpu.memory_space<vmem>> -> memref<1x2x200x64xf32, #tpu.memory_space<vmem>>
    %dma_wait3A_417 = tpu.memref_squeeze %dma_wait3A_416 : memref<1x2x200x64xf32, #tpu.memory_space<vmem>> -> memref<2x200x64xf32, #tpu.memory_space<vmem>>
    tpu.wait_dma2 semaphore(%dma_wait3A_408 : memref<!tpu.dma_semaphore, #tpu.memory_space<semaphore_mem>>) src(%dma_wait3A_417 : memref<2x200x64xf32, #tpu.memory_space<vmem>>) dst(%dma_wait3A_412 : memref<2x200x64xf32, #tpu.memory_space<hbm>>)
    %dma_wait3A_418 = arith.constant 1 : i32
    %dma_wait3A_419 = arith.constant 1 : i32
    %dma_wait3A_420 = arith.constant 0 : i32
    %dma_wait3A_421 = arith.constant 0 : i32
    %dma_wait3A_422 = arith.constant 0 : i32
    %dma_wait3A_423 = tpu.memref_slice %arg10[%dma_wait3A_418, %dma_wait3A_420, %dma_wait3A_421, %dma_wait3A_422] : memref<2x2x200x64xf32, #tpu.memory_space<vmem>> -> memref<1x2x200x64xf32, #tpu.memory_space<vmem>>
    %dma_wait3A_424 = tpu.memref_squeeze %dma_wait3A_423 : memref<1x2x200x64xf32, #tpu.memory_space<vmem>> -> memref<2x200x64xf32, #tpu.memory_space<vmem>>
    %dma_wait3A_425 = arith.constant 0 : i32
    %dma_wait3A_426 = arith.constant 0 : i32
    %dma_wait3A_427 = arith.constant 0 : i32
    %dma_wait3A_428 = tpu.memref_slice %arg7[%dma_wait3A_425, %dma_wait3A_426, %dma_wait3A_427] : memref<1024x200x64xf32, #tpu.memory_space<hbm>> -> memref<2x200x64xf32, #tpu.memory_space<hbm>>
    %dma_wait3A_429 = tpu.memref_slice %arg15[%dma_wait3A_419] : memref<2x!tpu.dma_semaphore, #tpu.memory_space<semaphore_mem>> -> memref<1x!tpu.dma_semaphore, #tpu.memory_space<semaphore_mem>>
    %dma_wait3A_430 = tpu.memref_squeeze %dma_wait3A_429 : memref<1x!tpu.dma_semaphore, #tpu.memory_space<semaphore_mem>> -> memref<!tpu.dma_semaphore, #tpu.memory_space<semaphore_mem>>
    %dma_wait3A_431 = arith.constant 0 : i32
    %dma_wait3A_432 = arith.constant 0 : i32
    %dma_wait3A_433 = arith.constant 0 : i32
    %dma_wait3A_434 = tpu.memref_slice %arg7[%dma_wait3A_431, %dma_wait3A_432, %dma_wait3A_433] : memref<1024x200x64xf32, #tpu.memory_space<hbm>> -> memref<2x200x64xf32, #tpu.memory_space<hbm>>
    %dma_wait3A_435 = arith.constant 0 : i32
    %dma_wait3A_436 = arith.constant 0 : i32
    %dma_wait3A_437 = arith.constant 0 : i32
    %dma_wait3A_438 = tpu.memref_slice %arg10[%dma_wait3A_418, %dma_wait3A_435, %dma_wait3A_436, %dma_wait3A_437] : memref<2x2x200x64xf32, #tpu.memory_space<vmem>> -> memref<1x2x200x64xf32, #tpu.memory_space<vmem>>
    %dma_wait3A_439 = tpu.memref_squeeze %dma_wait3A_438 : memref<1x2x200x64xf32, #tpu.memory_space<vmem>> -> memref<2x200x64xf32, #tpu.memory_space<vmem>>
    tpu.wait_dma2 semaphore(%dma_wait3A_430 : memref<!tpu.dma_semaphore, #tpu.memory_space<semaphore_mem>>) src(%dma_wait3A_439 : memref<2x200x64xf32, #tpu.memory_space<vmem>>) dst(%dma_wait3A_434 : memref<2x200x64xf32, #tpu.memory_space<hbm>>)
    return
  }
}

</mosaic_0001>

<sc_bundles>
// kernel: kernel.3.cloned.1.call-start
scs
__scs_entry_jumppad:
0x0: {  	(pc) =	sbr.rel $0x88, $3  }
0x1: {  	(tag) =	ssettag $0x0;
	lr =	simm.s32 $0x1  }
0x2: {  	[smem:$0x3F9C] =	sst lr;
	_ =	strace $0xD0000000  }
0x3: {  	_ = 	snop  }
0x4: {  	_ = 	snop  }
0x5: {  	_ = 	snop  }
0x6: {  	_ = 	snop  }
0x7: {  	_ = 	snop  }
__scs_overlays_trampoline_lowered:
0x8: {  	[smem:$0x3FAB] =	sst s0  }
0x9: {  	[smem:$0x3FAC] =	sst s1  }
0xa: {  	[smem:$0x3FAD] =	sst s2  }
0xb: {  	[smem:$0x3FAE] =	sst s3  }
0xc: {  	[smem:$0x3FAF] =	sst s4  }
0xd: {  	[smem:$0x3FB0] =	sst s5  }
0xe: {  	[smem:$0x3FB1] =	sst s6  }
0xf: {  	[smem:$0x3FB2] =	sst s7  }
0x10: {  	[smem:$0x3FB3] =	sst s8  }
0x11: {  	[smem:$0x3FB4] =	sst s9;
	s0 =	simm.s32 @!p0 $0x0  }
0x12: {  	s1 =	sld [smem:$0x3F9A];
	s0 =	simm.s32 @p0 $0x1  }
0x13: {  	[smem:$0x3FB5] =	sst s0;
	s0 =	simm.s32 @!p1 $0x0  }
0x14: {  	s2 =	sld [smem:$0x3F99];
	s0 =	simm.s32 @p1 $0x1  }
0x15: {  	[smem:$0x3FB6] =	sst s0;
	s0 =	simm.s32 @!p2 $0x0  }
0x16: {  	s3 =	sld [smem:$0x3FDB];
	s0 =	simm.s32 @p2 $0x1  }
0x17: {  	s4 =	simm.s32 $0x1BF5;
	[smem:$0x3FB8] =	sst s0  }
0x18: {  	s0 =	sld [smem:$0x3F9B];
	_ =	swait.ge [sflag:s4], $0x0  }
0x19: {  	s7 =	sld [smem:$0x3F9C]  }
0x1a: {  	s8 =	sadd.s32 $0xFFFFE003, lr  }
0x1b: {  	s9 =	sadd.s32 $0xFFFFFEF7, lr;
	s5 =	simm.s32 $0xFFFFFFFF;
	p2 =	slt.u32 s8, $0xFFFFF086  }
0x1c: {  	p1 =	slt.u32 s9, $0xF7A;
	s5 =	simm.s32 @!p2 $0x0  }
0x1d: {  	s5 =	simm.s32 @p1 $0x1;
	p0 =	seq.s32 s7, s2  }
0x1e: {  	s7 =	smul.u32 @!p0 $0xF7A, s2;
	p2 =	seq.s32 @!p0 s5, $0x0  }
0x1f: {  	s9 =	smul.u32 $0xF7A, s1;
	s8 =	simm.s32 @!p0 $0x1BF5;
	p2 =	por !p2, p0  }
0x20: {  	[sflag:s8] =	ssyncset.s32 @!p0 $0xFFFFF086;
	s6 =	sadd.s32 @!p0 s3, s7;
	s7 =	simm.s32 @!p0 $0x108  }
0x21: {  	s3 =	sadd.s32 s3, s9;
	s6 =	sadd.s32 @!p0 $0x88, s6;
	s7 =	simm.s32 @p2 $0x1082  }
0x22: {  	[simem:s7], [sflag:s8] =	dma.local @!p0 [hbm:s6], $0xF7A  }
0x23: {  	s9 =	sor.u32 $0xD0000000, s2;
	s6 =	simm.s32 $0x108;
	_ =	swait.ge @!p0 [sflag:s8], $0x0  }
0x24: {  	s3 =	sadd.s32 $0x88, s3;
	s6 =	simm.s32 @!p1 $0x1082;
	[sflag:s4] =	ssyncset.s32 $0xFFFFF086  }
0x25: {  	[simem:s6], [sflag:s4] =	dma.local [hbm:s3], $0xF7A  }
0x26: {  	[smem:$0x3F9C] =	sst s1;
	(tag) =	ssettag s2;
	_ =	strace s9  }
0x27: {  	s1 =	sld [smem:$0x3FAC]  }
0x28: {  	s2 =	sld [smem:$0x3FAD]  }
0x29: {  	s4 =	sld [smem:$0x3FAF]  }
0x2a: {  	p0 =	seq.s32 s5, $0x0;
	s5 =	sld [smem:$0x3FB0]  }
0x2b: {  	s6 =	sld [smem:$0x3FB1]  }
0x2c: {  	s7 =	sld [smem:$0x3FB2]  }
0x2d: {  	s3 =	simm.s32 $0x108;
	s8 =	sld [smem:$0x3FB3]  }
0x2e: {  	s3 =	simm.s32 @!p0 $0x1082;
	s9 =	sld [smem:$0x3FB4]  }
0x2f: {  	lr =	sadd.s32 s0, s3;
	s0 =	sld [smem:$0x3FAB]  }
0x30: {  	s3 =	sld [smem:$0x3FAE]  }
0x31: {  	[smem:$0x3FB7] =	sst s10  }
0x32: {  	s10 =	sld [smem:$0x3FB5];
	_ =	sdelay $0x3  }
0x33: {  	p0 =	seq.s32 s10, $0x1;
	s10 =	sld [smem:$0x3FB7];
	_ =	sdelay $0x3  }
0x34: {  	[smem:$0x3FB7] =	sst s10  }
0x35: {  	s10 =	sld [smem:$0x3FB6];
	_ =	sdelay $0x3  }
0x36: {  	p1 =	seq.s32 s10, $0x1;
	s10 =	sld [smem:$0x3FB7];
	_ =	sdelay $0x3  }
0x37: {  	[smem:$0x3FB7] =	sst s10  }
0x38: {  	s10 =	sld [smem:$0x3FB8]  }
0x39: {  	_ = 	snop;
	(pc) =	sbr.ind lr, $3  }
0x3a: {  	_ = 	snop  }
0x3b: {  	_ = 	snop  }
0x3c: {  	p2 =	seq.s32 s10, $0x1;
	s10 =	sld [smem:$0x3FB7]  }
0x3d: {  	_ =	shalt  }
0x3e: {  	_ =	shalt  }
0x3f: {  	_ =	shalt  }
0x40: {  	_ =	shalt  }
0x41: {  	_ =	shalt  }
0x42: {  	_ =	shalt  }
0x43: {  	_ =	shalt  }
0x44: {  	_ =	shalt  }
0x45: {  	_ =	shalt  }
0x46: {  	_ =	shalt  }
0x47: {  	_ =	shalt  }
0x48: {  	_ =	shalt  }
0x49: {  	_ =	shalt  }
0x4a: {  	_ =	shalt  }
0x4b: {  	_ =	shalt  }
0x4c: {  	_ =	shalt  }
0x4d: {  	_ =	shalt  }
0x4e: {  	_ =	shalt  }
0x4f: {  	_ =	shalt  }
0x50: {  	_ =	shalt  }
0x51: {  	_ =	shalt  }
0x52: {  	_ =	shalt  }
0x53: {  	_ =	shalt  }
0x54: {  	_ =	shalt  }
0x55: {  	_ =	shalt  }
0x56: {  	_ =	shalt  }
0x57: {  	_ =	shalt  }
0x58: {  	_ =	shalt  }
0x59: {  	_ =	shalt  }
0x5a: {  	_ =	shalt  }
0x5b: {  	_ =	shalt  }
0x5c: {  	_ =	shalt  }
0x5d: {  	_ =	shalt  }
0x5e: {  	_ =	shalt  }
0x5f: {  	_ =	shalt  }
0x60: {  	_ =	shalt  }
0x61: {  	_ =	shalt  }
0x62: {  	_ =	shalt  }
0x63: {  	_ =	shalt  }
0x64: {  	_ =	shalt  }
0x65: {  	_ =	shalt  }
0x66: {  	_ =	shalt  }
0x67: {  	_ =	shalt  }
0x68: {  	_ =	shalt  }
0x69: {  	_ =	shalt  }
0x6a: {  	_ =	shalt  }
0x6b: {  	_ =	shalt  }
0x6c: {  	_ =	shalt  }
0x6d: {  	_ =	shalt  }
0x6e: {  	_ =	shalt  }
0x6f: {  	_ =	shalt  }
0x70: {  	_ =	shalt  }
0x71: {  	_ =	shalt  }
0x72: {  	_ =	shalt  }
0x73: {  	_ =	shalt  }
0x74: {  	_ =	shalt  }
0x75: {  	_ =	shalt  }
0x76: {  	_ =	shalt  }
0x77: {  	_ =	shalt  }
0x78: {  	_ =	shalt  }
0x79: {  	_ =	shalt  }
0x7a: {  	_ =	shalt  }
0x7b: {  	_ =	shalt  }
0x7c: {  	_ =	shalt  }
0x7d: {  	_ =	shalt  }
0x7e: {  	_ =	shalt  }
0x7f: {  	_ =	shalt  }
0x80: {  	_ =	shalt  }
0x81: {  	_ =	shalt  }
0x82: {  	_ =	shalt  }
0x83: {  	_ =	shalt  }
0x84: {  	_ =	shalt  }
0x85: {  	_ =	shalt  }
0x86: {  	_ =	shalt  }
0x87: {  	_ =	shalt  }
.Lfunc_end0:
.L_simem_size_0:
called_computation.1_lowered:
.L_overlay_start_0:
0x88: {  	s2 =	sld [smem:$0x3FD9]  }
0x89: {  	s3 =	sld [smem:$0x3FFE];
	_ =	sdelay $0x1  }
0x8a: {  	s1 =	srdreg.scid  }
0x8b: {  	s0 =	sand.u32 $0x1, s1  }
0x8c: {  	s17 =	sshll.u32 s0, $0xA;
	s2 =	sadd.s32 s3, s2  }
0x8d: {  	s2 =	sadd.s32 s2, s17  }
0x8e: {  	[smem:$0x3FC3] =	sst s2  }
0x8f: {  	_ = 	snop  }
0x90: {  	s2 =	sld [smem:$0x3FC6]  }
0x91: {  	s18 =	sld [smem:$0x3FC5]  }
0x92: {  	s4 =	sld [smem:$0x3FD0];
	(tm) =	ssettm $0x1  }
0x93: {  	s5 =	sld [smem:$0x3FFB];
	_ =	sdelay $0x3  }
0x94: {  	_ =	strace s5  }
0x95: {  	s5 =	sld [smem:$0x3FFC];
	_ =	sdelay $0x3  }
0x96: {  	_ =	strace s5  }
0x97: {  	s5 =	sld [smem:$0x3FFD];
	_ =	sdelay $0x3  }
0x98: {  	_ =	strace s5  }
0x99: {  	_ =	strace $0x8FFFFFFF  }
0x9a: {  	s19 =	sld [smem:$0x3FDB];
	_ =	sdelay $0x1  }
0x9b: {  	s6 =	simm.s32 $_scs_section_size  }
0x9c: {  	s7 =	simm.s32 $_size__tile_overlayer_lowered;
	s8 =	simm.s32 $_tile_overlayer_lowered  }
0x9d: {  	s22 =	simm.s32 $0x1BFF;
	s21 =	sshll.u32 s8, $0x1;
	s5 =	sadd.s32 s6, s19  }
0x9e: {  	s9 =	simm.s32 $0x0;
	s20 =	sshll.u32 s7, $0x1;
	s7 =	sadd.s32 s21, s5  }
0x9f: {  	[timem:s9], [sflag:s22] =	dma.local [hbm:s7], s20  }
0xa0: {  	_ =	swait.ge [sflag:s22], s20  }
0xa1: {  	s6 =	ssub.s32 $0x0, s20;
	[sflag:s22] =	ssyncset.done $0x0  }
0xa2: {  	[sflag:s22] =	ssyncadd.s32 s6;
	_ =	sdelay $0x1  }
0xa3: {  	s23 =	simm.s32 $0x1B8B  }
0xa4: {  	_ =	swait.ge [sflag:s23], $0x1  }
0xa5: {  	[sflag:s23] =	ssyncset.done $0x0  }
0xa6: {  	s25 =	simm.s32 $0x1B8E;
	s24 =	sld [smem:$0x3FFE];
	[sflag:s23] =	ssyncadd.s32 $0xFFFFFFFF  }
0xa7: {  	s26 =	simm.s32 $execute0_lowered;
	[smem:$0x3FD2] =	sst s25  }
0xa8: {  	s7 =	sshll.u32 s26, $0x1;
	_ =	strace $0x80000046;
	[dreg:$0x1] =	wrdreg $0xFFFFFFFF  }
0xa9: {  	s28 =	simm.s32 $_size_execute0_lowered;
	s5 =	sadd.s32 s5, s7;
	[dreg:$0x0] =	wrdreg $0x0  }
0xaa: {  	s7 =	sshll.u32 s28, $0x1;
	[dreg:$0x2] =	wrdreg s5  }
0xab: {  	[dreg:$0x3] =	wrdreg s7  }
0xac: {  	[dreg:$0x4] =	wrdreg $0xC0  }
0xad: {  	_ =	task [dreg:s9], $0x5FFFF  }
0xae: {  	[dreg:$0x1] =	wrdreg $0xFFFFFFFF  }
0xaf: {  	[dreg:$0x0] =	wrdreg $0x60  }
0xb0: {  	[dreg:$0x2] =	wrdreg s24  }
0xb1: {  	[dreg:$0x3] =	wrdreg s2  }
0xb2: {  	[dreg:$0x4] =	wrdreg s18  }
0xb3: {  	[dreg:$0x5] =	wrdreg s4  }
0xb4: {  	[dreg:$0x6] =	wrdreg $0x9  }
0xb5: {  	_ =	task.clear_ibuf [dreg:s9], $0x7FFFF;
	_ =	strace $0x90000046  }
0xb6: {  	s29 =	simm.s32 $0x9;
	_ =	strace $0x80000048  }
0xb7: {  	_ =	swait.ge [sflag:s29], $0x1  }
0xb8: {  	[sflag:s29] =	ssyncadd.s32 $0xFFFFFFFF  }
0xb9: {  	_ =	strace $0x90000048  }
0xba: {  	_ =	sfence  }
0xbb: {  	s30 =	sld [smem:$0x0];
	_ =	sdelay $0x2  }
0xbc: {  	s31 =	sshll.u32 s1, $0xD;
	s1 =	sshrl.u32 s1, $0x2  }
0xbd: {  	s3 =	sand.u32 $0x4000, s31;
	s1 =	sadd.s32 s1, s30  }
0xbe: {  	s0 =	sor.u32 s3, s0;
	s1 =	sshll.u32 s1, $0x11  }
0xbf: {  	s0 =	sor.u32 s1, s0  }
0xc0: {  	s0 =	sadd.s32 $0x8F2B, s0  }
0xc1: {  	[sflag:s0] =	ssyncadd.remote.s32 $0x1  }
0xc2: {  	_ =	sfence.sel $0xFFFF  }
0xc3: {  	[dreg:$0x0] =	wrdreg $0xFFFFFFFF;
	(pc) =	sbr.abs _section_cstart, $3  }
0xc4: {  	[dreg:$0x1] =	wrdreg $0xFFFFFFFF  }
0xc5: {  	_ =	task.clear_ibuf [dreg:s9], $0x2FFFF;
	_ =	strace $0x9FFFFFFF  }
0xc6: {  	(tm) =	ssettm $0x7FFFFFFF  }
0xc7: {  	_ =	shalt  }
tec
execute0_lowered:
.L_overlay_start_1:
0x0: {  	(tag) =	ssettag $0x1  }
0x1: {  	s14 =	simm.s32 $0x28;
	v0 =	vimm.s32 $0xEFCDAB89  }
0x2: {  	s0 =	rddreg [dreg:$0x0];
	s1 =	srdreg.scid;
	v1 =	vimm.s32 $0x67452301;
	v2 =	vimm.s32 $0xDCFE98BA;
	v3 =	vimm.s32 $0x54761032  }
0x3: {  	s2 =	stileid.u32;
	s4 =	rddreg [dreg:$0x3];
	s6 =	simm.s32 $0x0;
	v4 =	vimm.s32 $0xBA98FEDC;
	v5 =	vimm.s32 $0x32107654;
	v6 =	vimm.s32 $0xFEDCBA98  }
0x4: {  	s21 =	simm.s32 $0x5;
	v7 =	vimm.s32 $0x76543210;
	s24 =	simm.s32 $0x280;
	s28 =	simm.s32 $0xC300;
	v0 =	vunpack.c.l.s4.s8 v0;
	v1 =	vunpack.c.l.s4.s8 v1  }
0x5: {  	s29 =	simm.s32 $0x2D0;
	s30 =	simm.s32 $0xCD00;
	s31 =	simm.s32 $0x2F8;
	v2 =	vunpack.c.l.s4.s8 v2;
	v3 =	vunpack.c.l.s4.s8 v3;
	v4 =	vunpack.c.l.s4.s8 v4  }
0x6: {  	s1 =	sand.u32 $0x1, s1;
	s2 =	sshll.u32 s2, $0x6;
	[smem:$0x7FF] =	sst s6;
	v5 =	vunpack.c.l.s4.s8 v5;
	v6 =	vunpack.c.l.s4.s8 v6;
	v7 =	vunpack.c.l.s4.s8 v7  }
0x7: {  	s7 =	sadd.s32 $0x7C00, s0;
	s8 =	sadd.s32 $0x800, s0;
	s3 =	sshll.u32 s1, $0x5;
	v0 =	vunpack.c.0.s8.s32 v0;
	v1 =	vunpack.c.0.s8.s32 v1;
	v2 =	vunpack.c.0.s8.s32 v2  }
0x8: {  	s1 =	ssub.s32 $0x2, s1;
	_ =	strace $0x80000047;
	s5 =	sor.u32 s3, s2;
	v3 =	vunpack.c.0.s8.s32 v3;
	v4 =	vunpack.c.0.s8.s32 v4;
	v5 =	vunpack.c.0.s8.s32 v5  }
0x9: {  	s25 =	sshrl.u32 s1, $0x1;
	s3 =	simm.s32 $0x0;
	s2 =	smul.u32 $0x19, s5;
	v0 =	vcombine.low v1, v0;
	v1 =	vunpack.c.0.s8.s32 v6  }
0xa: {  	s26 =	ssub.s32 s1, s25;
	s25 =	simm.s32 $0xB900;
	s1 =	simm.s32 $0x4;
	v2 =	vcombine.low v3, v2;
	v3 =	vcombine.low v5, v4;
	v4 =	vunpack.c.0.s8.s32 v7  }
0xb: {  	s10 =	smax.u32 s26, $0x1;
	s26 =	simm.s32 $0x2A8;
	s2 =	sadd.s32 s2, s0;
	v51 =	vand.u32 $0xF, v0;
	v5 =	vand.u32 $0xF, v1  }
0xc: {  	s0 =	simm.s32 $0x3;
	s9 =	sadd.s32 $0x1800, s2;
	s2 =	simm.s32 $0xD700;
	v1 =	vand.u32 $0xF, v2;
	v2 =	vand.u32 $0xF, v3;
	v3 =	vcombine.low v5, v4;
	[tilespmem:$0x1FFF0] =	vst v51  }
.LBB2_1:
0xd: {  	[tilespmem:s6], [sflag:$0x5] =	stream.linear.gather [hbm4b:s9+s6], $0x1900, $0x38;
	[tilespmem:$0x1DB80] =	vst v63  }
0xe: {  	_ =	swait.ge [sflag:s21], $0x1900  }
0xf: {  	[sflag:s21] =	ssyncset.done $0x0  }
0x10: {  	s11 =	simm.s32 $0x1A900;
	[sflag:s21] =	ssyncadd.s32 $0xFFFFE700  }
0x11: {  	[tilespmem:s11], [sflag:$0x5] =	stream.linear.gather [hbm4b:s8+s6], $0x3200, $0x38;
	[tilespmem:$0x1DB80] =	vst v63  }
0x12: {  	_ =	swait.ge [sflag:s21], $0x3200  }
0x13: {  	[sflag:s21] =	ssyncset.done $0x0  }
0x14: {  	[sflag:s21] =	ssyncadd.s32 $0xFFFFCE00  }
0x15: {  	s12 =	simm.s32 $0x1DB00;
	s20 =	rddreg [dreg:$0x1]  }
0x16: {  	[tilespmem:s12], [sflag:$0x5] =	stream.linear.gather [hbm4b:s20+s6], $0x40, $0x38;
	[tilespmem:$0x1DB80] =	vst v63  }
0x17: {  	_ =	swait.ge [sflag:s21], $0x40  }
0x18: {  	[sflag:s21] =	ssyncset.done $0x0  }
0x19: {  	[sflag:s21] =	ssyncadd.s32 $0xFFFFFFC0  }
0x1a: {  	s23 =	simm.s32 $0x1DB40;
	s22 =	rddreg [dreg:$0x2]  }
0x1b: {  	[tilespmem:s23], [sflag:$0x5] =	stream.linear.gather [hbm4b:s22+s6], $0x40, $0x38;
	[tilespmem:$0x1DB80] =	vst v63  }
0x1c: {  	_ =	swait.ge [sflag:s21], $0x40  }
0x1d: {  	[sflag:s21] =	ssyncset.done $0x0  }
0x1e: {  	[sflag:s21] =	ssyncadd.s32 $0xFFFFFFC0  }
0x1f: {  	v0 =	vld [tilespmem:$0x1DB00];
	_ =	sdelay $0x4  }
0x20: {  	[tilespmem:$0x1FF70] =	vst v0;
	v0 =	vld [tilespmem:$0x1DB10];
	_ =	sdelay $0x4  }
0x21: {  	[tilespmem:$0x1FF80] =	vst v0;
	v0 =	vld [tilespmem:$0x1DB20];
	_ =	sdelay $0x4  }
0x22: {  	[tilespmem:$0x1FF90] =	vst v0;
	v0 =	vld [tilespmem:$0x1DB30];
	_ =	sdelay $0x4  }
0x23: {  	[tilespmem:$0x1FFA0] =	vst v0;
	v0 =	vld [tilespmem:$0x1DB40];
	_ =	sdelay $0x4  }
0x24: {  	[tilespmem:$0x1FFB0] =	vst v0;
	v0 =	vld [tilespmem:$0x1DB50];
	_ =	sdelay $0x4  }
0x25: {  	[tilespmem:$0x1FFC0] =	vst v0;
	v0 =	vld [tilespmem:$0x1DB60];
	_ =	sdelay $0x3  }
0x26: {  	s12 =	simm.s32 $0x1900  }
0x27: {  	[tilespmem:$0x1FFD0] =	vst v0;
	v0 =	vld [tilespmem:$0x1DB70];
	[tilespmem:s12], [sflag:$0x1] =	stream.indirect.gather [hbm4b:s7+s14], $0x40, s6, s14, $0xb8  }
0x28: {  	s13 =	simm.s32 $0x2300  }
0x29: {  	[tilespmem:s13], [sflag:$0x1] =	stream.indirect.gather [hbm4b:s7+s14], $0x40, s14, s14, $0xb8;
	[tilespmem:$0x1DB80] =	vst v63  }
0x2a: {  	s15 =	simm.s32 $0x50;
	s16 =	simm.s32 $0x2D00  }
0x2b: {  	[tilespmem:s16], [sflag:$0x1] =	stream.indirect.gather [hbm4b:s7+s14], $0x40, s15, s14, $0xb8;
	[tilespmem:$0x1DB80] =	vst v63  }
0x2c: {  	s17 =	simm.s32 $0x78;
	s18 =	simm.s32 $0x3700  }
0x2d: {  	[tilespmem:s18], [sflag:$0x1] =	stream.indirect.gather [hbm4b:s7+s14], $0x40, s17, s14, $0xb8;
	[tilespmem:$0x1DB80] =	vst v63  }
0x2e: {  	s19 =	simm.s32 $0xA0;
	s20 =	simm.s32 $0x4100  }
0x2f: {  	[tilespmem:s20], [sflag:$0x1] =	stream.indirect.gather [hbm4b:s7+s14], $0x40, s19, s14, $0xb8;
	[tilespmem:$0x1DB80] =	vst v63  }
0x30: {  	s22 =	simm.s32 $0xC8;
	s23 =	simm.s32 $0x4B00  }
0x31: {  	[tilespmem:s23], [sflag:$0x1] =	stream.indirect.gather [hbm4b:s7+s14], $0x40, s22, s14, $0xb8;
	[tilespmem:$0x1DB80] =	vst v63  }
0x32: {  	s12 =	simm.s32 $0xF0;
	s13 =	simm.s32 $0x5500  }
0x33: {  	[tilespmem:s13], [sflag:$0x1] =	stream.indirect.gather [hbm4b:s7+s14], $0x40, s12, s14, $0xb8;
	[tilespmem:$0x1DB80] =	vst v63  }
0x34: {  	s15 =	simm.s32 $0x118;
	s16 =	simm.s32 $0x5F00  }
0x35: {  	[tilespmem:s16], [sflag:$0x1] =	stream.indirect.gather [hbm4b:s7+s14], $0x40, s15, s14, $0xb8;
	[tilespmem:$0x1DB80] =	vst v63  }
0x36: {  	s17 =	simm.s32 $0x140;
	s18 =	simm.s32 $0x6900  }
0x37: {  	[tilespmem:s18], [sflag:$0x1] =	stream.indirect.gather [hbm4b:s7+s14], $0x40, s17, s14, $0xb8;
	[tilespmem:$0x1DB80] =	vst v63  }
0x38: {  	s19 =	simm.s32 $0x168;
	s20 =	simm.s32 $0x7300  }
0x39: {  	[tilespmem:s20], [sflag:$0x1] =	stream.indirect.gather [hbm4b:s7+s14], $0x40, s19, s14, $0xb8;
	[tilespmem:$0x1DB80] =	vst v63  }
0x3a: {  	s22 =	simm.s32 $0x190;
	s23 =	simm.s32 $0x7D00  }
0x3b: {  	[tilespmem:s23], [sflag:$0x2] =	stream.indirect.gather [hbm4b:s7+s14], $0x40, s22, s14, $0xb8;
	[tilespmem:$0x1DB80] =	vst v63  }
0x3c: {  	s12 =	simm.s32 $0x1B8;
	s13 =	simm.s32 $0x8700  }
0x3d: {  	[tilespmem:s13], [sflag:$0x2] =	stream.indirect.gather [hbm4b:s7+s14], $0x40, s12, s14, $0xb8;
	[tilespmem:$0x1DB80] =	vst v63  }
0x3e: {  	s15 =	simm.s32 $0x1E0;
	s16 =	simm.s32 $0x9100  }
0x3f: {  	[tilespmem:s16], [sflag:$0x2] =	stream.indirect.gather [hbm4b:s7+s14], $0x40, s15, s14, $0xb8;
	[tilespmem:$0x1DB80] =	vst v63  }
0x40: {  	s17 =	simm.s32 $0x208;
	s18 =	simm.s32 $0x9B00  }
0x41: {  	[tilespmem:s18], [sflag:$0x2] =	stream.indirect.gather [hbm4b:s7+s14], $0x40, s17, s14, $0xb8;
	[tilespmem:$0x1DB80] =	vst v63  }
0x42: {  	s19 =	simm.s32 $0x230;
	s20 =	simm.s32 $0xA500  }
0x43: {  	[tilespmem:s20], [sflag:$0x2] =	stream.indirect.gather [hbm4b:s7+s14], $0x40, s19, s14, $0xb8;
	[tilespmem:$0x1DB80] =	vst v63  }
0x44: {  	s22 =	simm.s32 $0x258;
	s23 =	simm.s32 $0xAF00  }
0x45: {  	[tilespmem:s23], [sflag:$0x2] =	stream.indirect.gather [hbm4b:s7+s14], $0x40, s22, s14, $0xb8;
	[tilespmem:$0x1DB80] =	vst v63  }
0x46: {  	_ = 	snop  }
0x47: {  	[tilespmem:s25], [sflag:$0x2] =	stream.indirect.gather [hbm4b:s7+s14], $0x40, s24, s14, $0xb8;
	[tilespmem:$0x1DB80] =	vst v63  }
0x48: {  	_ = 	snop  }
0x49: {  	[tilespmem:s28], [sflag:$0x2] =	stream.indirect.gather [hbm4b:s7+s14], $0x40, s26, s14, $0xb8;
	[tilespmem:$0x1DB80] =	vst v63  }
0x4a: {  	_ = 	snop  }
0x4b: {  	[tilespmem:s30], [sflag:$0x2] =	stream.indirect.gather [hbm4b:s7+s14], $0x40, s29, s14, $0xb8;
	[tilespmem:$0x1DB80] =	vst v63  }
0x4c: {  	p0 =	por $0x0, $0x0;
	s11 =	simm.s32 $0x0;
	[tilespmem:$0x1FFE0] =	vst v0  }
0x4d: {  	[tilespmem:s2], [sflag:$0x2] =	stream.indirect.gather [hbm4b:s7+s14], $0x40, s31, s14, $0xb8;
	[tilespmem:$0x1DB80] =	vst v63  }
.LBB2_2:
0x4e: {  	s13 =	sand.u32 $0x1, s11  }
0x4f: {  	s12 =	sadd.s32 $0x1, s13  }
0x50: {  	_ =	swait.ge [sflag:s12], $0x6400  }
0x51: {  	p1 =	slt.u32 s11, $0x2;
	[sflag:s12] =	ssyncset.done $0x0  }
0x52: {  	s15 =	sadd.s32 @!p1 $0x3, s13;
	[sflag:s12] =	ssyncadd.s32 $0xFFFF9C00  }
0x53: {  	_ =	swait.ge @!p1 [sflag:s15], $0x6400  }
0x54: {  	s16 =	simm.s32 $0x1;
	[sflag:s15] =	ssyncset.done @!p1 $0x0  }
0x55: {  	s17 =	simm.s32 $0x1A980;
	s16 =	simm.s32 @!p0 $0x0;
	[sflag:s15] =	ssyncadd.s32 @!p1 $0xFFFF9C00  }
0x56: {  	s20 =	smul.u32 $0x19000, s16;
	v5 =	vld [tilespmem:s17+$0x40]  }
0x57: {  	v6 =	vld [tilespmem:s17+$0x50]  }
0x58: {  	s15 =	sshrl.u32 s20, $0x2;
	v24 =	vld [tilespmem:s17+$0x60]  }
0x59: {  	s22 =	sadd.s32 $0x4BF0, s15;
	v25 =	vld [tilespmem:s17+$0x70]  }
0x5a: {  	v4 =	vld [tilespmem:s22+$0xFFFFCDD0]  }
0x5b: {  	v7 =	vld [tilespmem:s22+$0xFFFFCDE0]  }
0x5c: {  	v8 =	vld [tilespmem:s22+$0xFFFFCDF0]  }
0x5d: {  	v12 =	vld [tilespmem:s22+$0xFFFFCE00];
	_ =	sdelay $0x3  }
0x5e: {  	v39 =	vadd.f32 v4, v5;
	v38 =	vadd.f32 v7, v6  }
0x5f: {  	v37 =	vadd.f32 v8, v24;
	v36 =	vadd.f32 v12, v25  }
0x60: {  	v0 =	vld [tilespmem:$0x1FFF0]  }
0x61: {  	v14 =	vld [tilespmem:s17+$0xFFFFFF90];
	v4 =	vadd.f32 v38, v39;
	v8 =	vadd.f32 v36, v37  }
0x62: {  	v13 =	vld [tilespmem:s17+$0xFFFFFFA0];
	v15 =	vmul.f32 v39, v39;
	v16 =	vmul.f32 v38, v38  }
0x63: {  	v20 =	vld [tilespmem:s22+$0xFFFFCD30];
	v17 =	vmul.f32 v37, v37;
	v18 =	vmul.f32 v36, v36;
	v4 =	vadd.f32 v8, v4  }
0x64: {  	v23 =	vld [tilespmem:s22+$0xFFFFCD50]  }
0x65: {  	v26 =	vld [tilespmem:s22+$0xFFFFCD60];
	v15 =	vadd.f32 v16, v15;
	v17 =	vadd.f32 v18, v17;
	v22 =	vperm.xlane v4, v51  }
0x66: {  	v12 =	vld [tilespmem:s17+$0xFFFFFFB0]  }
0x67: {  	v8 =	vld [tilespmem:s22+$0xFFFFCD40];
	v21 =	vadd.f32 v17, v15;
	v4 =	vadd.f32 v4, v22  }
0x68: {  	v29 =	vld [tilespmem:s22+$0xFFFFCD80]  }
0x69: {  	v18 =	vld [tilespmem:s17+$0xFFFFFFC0];
	v22 =	vperm.xlane v21, v51;
	v27 =	vperm.xlane v4, v1  }
0x6a: {  	v16 =	vld [tilespmem:s17+$0xFFFFFFD0]  }
0x6b: {  	v17 =	vld [tilespmem:s17+$0xFFFFFFE0];
	v21 =	vadd.f32 v22, v21;
	v4 =	vadd.f32 v4, v27  }
0x6c: {  	v30 =	vadd.f32 v20, v13;
	v15 =	vld [tilespmem:s17+$0xFFFFFFF0];
	v28 =	vadd.f32 v8, v12  }
0x6d: {  	v8 =	vld [tilespmem:s22+$0xFFFFCD70];
	v22 =	vperm.xlane v21, v1;
	v32 =	vperm.xlane v4, v2  }
0x6e: {  	v19 =	vld [tilespmem:s22+$0xFFFFCD20];
	v34 =	vadd.f32 v23, v18;
	v31 =	vmul.f32 v28, v28;
	v27 =	vmul.f32 v30, v30  }
0x6f: {  	v42 =	vld [tilespmem:s22+$0xFFFFCDA0];
	v33 =	vadd.f32 v22, v21;
	v23 =	vadd.f32 v4, v32  }
0x70: {  	v46 =	vld [tilespmem:s22+$0xFFFFCDB0];
	v41 =	vadd.f32 v31, v27  }
0x71: {  	v48 =	vld [tilespmem:s22+$0xFFFFCDC0];
	v27 =	vadd.f32 v26, v16;
	v31 =	vperm.xlane v33, v2;
	v43 =	vperm.xlane v23, v3  }
0x72: {  	v7 =	vld [tilespmem:s22+$0xFFFFCD10];
	v26 =	vadd.f32 v8, v17;
	v4 =	vadd.f32 v29, v15  }
0x73: {  	v31 =	vadd.f32 v31, v33;
	v43 =	vadd.f32 v23, v43;
	v23 =	vld [tilespmem:s17+$0xFFFFFF80]  }
0x74: {  	v35 =	vadd.f32 v19, v14;
	v20 =	vld [tilespmem:s17+$0x0]  }
0x75: {  	v19 =	vld [tilespmem:s17+$0x10];
	v63 =	vadd.f32 v27, v34;
	v45 =	vadd.f32 v4, v26;
	v49 =	vperm.xlane v31, v3  }
0x76: {  	v22 =	vld [tilespmem:s17+$0x20]  }
0x77: {  	v29 =	vld [tilespmem:s22+$0xFFFFCD90];
	v45 =	vadd.f32 v45, v63;
	v54 =	vadd.f32 v49, v31  }
0x78: {  	v21 =	vld [tilespmem:s17+$0x30];
	v7 =	vadd.f32 v7, v23  }
0x79: {  	v55 =	vmul.f32 $1.562500000e-02, v54;
	v54 =	vperm.xlane v45, v0;
	v0 =	vld [tilespmem:$0x1FFF0]  }
0x7a: {  	v57 =	vmul.f32 v35, v35;
	v40 =	vadd.f32 v28, v30;
	v50 =	vadd.f32 v35, v7  }
0x7b: {  	v44 =	vmul.f32 v26, v26;
	v47 =	vmul.f32 v4, v4;
	v33 =	vadd.f32 v46, v22  }
0x7c: {  	v32 =	vadd.f32 v29, v20;
	v62 =	vmul.f32 v7, v7;
	v40 =	vadd.f32 v40, v50  }
0x7d: {  	v29 =	vadd.f32 v48, v21;
	v31 =	vadd.f32 v42, v19  }
0x7e: {  	v53 =	vadd.f32 v47, v44;
	v47 =	vadd.f32 v57, v62;
	v57 =	vperm.xlane v40, v0;
	v0 =	vld [tilespmem:$0x1FFF0]  }
0x7f: {  	v61 =	vadd.f32 v29, v33;
	v59 =	vadd.f32 v31, v32  }
0x80: {  	v43 =	vmul.f32 $1.562500000e-02, v43  }
0x81: {  	v58 =	vmul.f32 v32, v32;
	v60 =	vmul.f32 v31, v31;
	v44 =	vadd.f32 v61, v59  }
0x82: {  	v56 =	vmul.f32 v43, v43  }
0x83: {  	v46 =	vadd.f32 v60, v58;
	v58 =	vperm.xlane v44, v0;
	v0 =	vld [tilespmem:$0x1FFF0]  }
0x84: {  	v42 =	vsub.f32 v55, v56;
	_ =	sdelay $0x1  }
0x85: {  	v42 =	vmax.f32 v42, $0.0e+00;
	v41 =	vadd.f32 v41, v47  }
0x86: {  	v8 =	vmul.f32 v34, v34;
	v52 =	vmul.f32 v27, v27;
	v42 =	vadd.f32 $9.999999960e-13, v42  }
0x87: {  	v59 =	vperm.xlane v41, v0;
	v0 =	vld [tilespmem:$0x1FFF0]  }
0x88: {  	v8 =	vadd.f32 v52, v8;
	v55 =	vshra.s32 v42, $0x1;
	v42 =	vmul.f32 $5.000000000e-01, v42  }
0x89: {  	v52 =	vmul.f32 v33, v33;
	v63 =	vmul.f32 v29, v29;
	v49 =	vsub.s32 $0x5F3759DF, v55  }
0x8a: {  	v8 =	vadd.f32 v53, v8;
	v51 =	vmul.f32 v49, v42  }
0x8b: {  	v56 =	vadd.f32 v63, v52  }
0x8c: {  	v60 =	vmul.f32 v49, v51;
	v61 =	vperm.xlane v8, v0  }
0x8d: {  	v46 =	vadd.f32 v56, v46  }
0x8e: {  	v56 =	vsub.f32 $1.500000000e+00, v60;
	v8 =	vadd.f32 v61, v8;
	_ =	sdelay $0x1  }
0x8f: {  	v47 =	vmul.f32 v49, v56;
	v0 =	vld [tilespmem:$0x1FFF0];
	v60 =	vperm.xlane v8, v1  }
0x90: {  	v40 =	vadd.f32 v40, v57;
	v44 =	vadd.f32 v44, v58  }
0x91: {  	v42 =	vmul.f32 v47, v42;
	v8 =	vadd.f32 v60, v8  }
0x92: {  	v63 =	vperm.xlane v40, v1;
	v58 =	vperm.xlane v44, v1  }
0x93: {  	v39 =	vsub.f32 v39, v43;
	v42 =	vmul.f32 v42, v47;
	v55 =	vperm.xlane v8, v2  }
0x94: {  	v10 =	vld [tilespmem:$0x1FF70];
	v40 =	vadd.f32 v40, v63;
	v44 =	vadd.f32 v44, v58;
	v62 =	vperm.xlane v46, v0  }
0x95: {  	v42 =	vsub.f32 $1.500000000e+00, v42;
	v8 =	vadd.f32 v55, v8;
	v55 =	vld [tilespmem:$0x1FF80]  }
0x96: {  	v45 =	vadd.f32 v45, v54;
	v53 =	vperm.xlane v44, v2;
	v46 =	vadd.f32 v62, v46  }
0x97: {  	v38 =	vsub.f32 v38, v43;
	v42 =	vmul.f32 v42, v47;
	v61 =	vperm.xlane v40, v2  }
0x98: {  	v57 =	vperm.xlane v45, v1;
	v44 =	vadd.f32 v44, v53;
	v53 =	vld [tilespmem:$0x1FFB0];
	v62 =	vperm.xlane v46, v1  }
0x99: {  	v52 =	vld [tilespmem:$0x1FFC0];
	v41 =	vadd.f32 v59, v41;
	v40 =	vadd.f32 v40, v61;
	v61 =	vmul.f32 v42, v10  }
0x9a: {  	v45 =	vadd.f32 v45, v57;
	v46 =	vadd.f32 v62, v46;
	v62 =	vmul.f32 v42, v55  }
0x9b: {  	v59 =	vperm.xlane v41, v1;
	v39 =	vmul.f32 v61, v39  }
0x9c: {  	v11 =	vld [tilespmem:$0x1FF90];
	v63 =	vperm.xlane v45, v2;
	v38 =	vmul.f32 v62, v38  }
0x9d: {  	v9 =	vld [tilespmem:$0x1FFA0];
	v41 =	vadd.f32 v59, v41;
	v39 =	vadd.f32 v39, v53  }
0x9e: {  	s15 =	sadd.s32 $0x113F0, s15;
	v45 =	vadd.f32 v45, v63;
	v56 =	vperm.xlane v46, v2;
	v38 =	vadd.f32 v38, v52  }
0x9f: {  	v54 =	vperm.xlane v41, v2;
	[tilespmem:s15+$0xFFFFCDD0] =	vst v39  }
0xa0: {  	v37 =	vsub.f32 v37, v43;
	v58 =	vperm.xlane v45, v3;
	v46 =	vadd.f32 v56, v46;
	v56 =	vld [tilespmem:$0x1FFD0];
	[tilespmem:s15+$0xFFFFCDE0] =	vst v38  }
0xa1: {  	v63 =	vmul.f32 v42, v11;
	v41 =	vadd.f32 v54, v41;
	v57 =	vperm.xlane v40, v3;
	v54 =	vld [tilespmem:$0x1FFE0]  }
0xa2: {  	v36 =	vsub.f32 v36, v43;
	v59 =	vperm.xlane v44, v3;
	v42 =	vmul.f32 v42, v9  }
0xa3: {  	v49 =	vadd.f32 v45, v58;
	v37 =	vmul.f32 v63, v37;
	v40 =	vadd.f32 v40, v57  }
0xa4: {  	v61 =	vadd.f32 v44, v59;
	v50 =	vperm.xlane v41, v3;
	v36 =	vmul.f32 v42, v36  }
0xa5: {  	v40 =	vmul.f32 $1.562500000e-02, v40;
	v60 =	vperm.xlane v8, v3;
	v37 =	vadd.f32 v37, v56  }
0xa6: {  	v62 =	vadd.f32 v50, v41;
	v63 =	vperm.xlane v46, v3;
	v36 =	vadd.f32 v36, v54  }
0xa7: {  	v47 =	vmul.f32 v40, v40;
	v8 =	vadd.f32 v60, v8;
	v42 =	vmul.f32 $1.562500000e-02, v61;
	[tilespmem:s15+$0xFFFFCDF0] =	vst v37  }
0xa8: {  	v46 =	vadd.f32 v63, v46;
	v39 =	vmul.f32 $1.562500000e-02, v62;
	v38 =	vmul.f32 $1.562500000e-02, v49;
	[tilespmem:s15+$0xFFFFCE00] =	vst v36  }
0xa9: {  	v8 =	vmul.f32 $1.562500000e-02, v8;
	v50 =	vmul.f32 v42, v42;
	v49 =	vld [tilespmem:s22+$0xFFFFFFD0]  }
0xaa: {  	v39 =	vsub.f32 v39, v47;
	v37 =	vmul.f32 $1.562500000e-02, v46;
	v48 =	vmul.f32 v38, v38;
	v51 =	vld [tilespmem:s22+$0xFFFFFFE0]  }
0xab: {  	v57 =	vld [tilespmem:s22+$0xFFFFFFF0]  }
0xac: {  	v39 =	vmax.f32 v39, $0.0e+00;
	v37 =	vsub.f32 v37, v50;
	v8 =	vsub.f32 v8, v48;
	v58 =	vld [tilespmem:s22+$0x0]  }
0xad: {  	v45 =	vsub.f32 v7, v40;
	v7 =	vadd.f32 $9.999999960e-13, v39  }
0xae: {  	v37 =	vmax.f32 v37, $0.0e+00;
	v8 =	vmax.f32 v8, $0.0e+00  }
0xaf: {  	v39 =	vshra.s32 v7, $0x1;
	v37 =	vadd.f32 $9.999999960e-13, v37;
	v8 =	vadd.f32 $9.999999960e-13, v8  }
0xb0: {  	v46 =	vmul.f32 $5.000000000e-01, v7;
	v43 =	vadd.f32 v49, v5;
	v7 =	vadd.f32 v51, v6  }
0xb1: {  	v59 =	vshra.s32 v8, $0x1;
	v6 =	vadd.f32 v57, v24;
	v5 =	vadd.f32 v58, v25  }
0xb2: {  	v39 =	vsub.s32 $0x5F3759DF, v39;
	v8 =	vmul.f32 $5.000000000e-01, v8;
	v0 =	vld [tilespmem:$0x1FFF0];
	v24 =	vsub.s32 $0x5F3759DF, v59  }
0xb3: {  	v58 =	vmul.f32 v39, v46;
	v25 =	vadd.f32 v7, v43;
	v36 =	vadd.f32 v5, v6  }
0xb4: {  	v62 =	vshra.s32 v37, $0x1;
	v59 =	vmul.f32 v24, v8;
	v60 =	vmul.f32 v43, v43  }
0xb5: {  	v61 =	vmul.f32 v7, v7;
	v63 =	vmul.f32 v6, v6;
	v25 =	vadd.f32 v36, v25  }
0xb6: {  	v44 =	vsub.s32 $0x5F3759DF, v62;
	v57 =	vmul.f32 v5, v5;
	v62 =	vmul.f32 v39, v58  }
0xb7: {  	v36 =	vmul.f32 $5.000000000e-01, v37;
	v58 =	vperm.xlane v25, v0;
	v0 =	vld [tilespmem:$0x1FFF0]  }
0xb8: {  	v60 =	vadd.f32 v61, v60;
	v61 =	vadd.f32 v57, v63;
	v63 =	vmul.f32 v24, v59  }
0xb9: {  	v35 =	vsub.f32 v35, v40;
	v47 =	vsub.f32 $1.500000000e+00, v62;
	v57 =	vmul.f32 v44, v36  }
0xba: {  	v37 =	vadd.f32 v61, v60;
	v48 =	vsub.f32 $1.500000000e+00, v63  }
0xbb: {  	v30 =	vsub.f32 v30, v40;
	v39 =	vmul.f32 v39, v47;
	v49 =	vmul.f32 v44, v57  }
0xbc: {  	v25 =	vadd.f32 v25, v58;
	v24 =	vmul.f32 v24, v48;
	v59 =	vperm.xlane v37, v0  }
0xbd: {  	v28 =	vsub.f32 v28, v40;
	v62 =	vmul.f32 v39, v46;
	v60 =	vsub.f32 $1.500000000e+00, v49  }
0xbe: {  	v61 =	vperm.xlane v25, v1;
	v8 =	vmul.f32 v24, v8;
	v37 =	vadd.f32 v59, v37  }
0xbf: {  	v34 =	vsub.f32 v34, v38;
	v40 =	vmul.f32 v62, v39;
	v63 =	vmul.f32 v44, v60  }
0xc0: {  	v25 =	vadd.f32 v25, v61;
	v8 =	vmul.f32 v8, v24;
	v48 =	vperm.xlane v37, v1  }
0xc1: {  	v27 =	vsub.f32 v27, v38;
	v40 =	vsub.f32 $1.500000000e+00, v40;
	v36 =	vmul.f32 v63, v36  }
0xc2: {  	v49 =	vperm.xlane v25, v2;
	v8 =	vsub.f32 $1.500000000e+00, v8;
	v37 =	vadd.f32 v48, v37  }
0xc3: {  	v26 =	vsub.f32 v26, v38;
	v39 =	vmul.f32 v40, v39;
	v36 =	vmul.f32 v36, v63  }
0xc4: {  	v25 =	vadd.f32 v25, v49;
	v8 =	vmul.f32 v8, v24;
	v44 =	vperm.xlane v37, v2  }
0xc5: {  	v4 =	vsub.f32 v4, v38;
	v40 =	vmul.f32 v39, v10;
	v38 =	vmul.f32 v39, v11  }
0xc6: {  	v50 =	vperm.xlane v25, v3;
	v57 =	vmul.f32 v8, v10;
	v37 =	vadd.f32 v44, v37  }
0xc7: {  	v24 =	vsub.f32 $1.500000000e+00, v36;
	v58 =	vmul.f32 v8, v55;
	v59 =	vmul.f32 v8, v11  }
0xc8: {  	v8 =	vmul.f32 v8, v9;
	v25 =	vadd.f32 v25, v50;
	v51 =	vperm.xlane v37, v3  }
0xc9: {  	v32 =	vsub.f32 v32, v42;
	v40 =	vmul.f32 v40, v45;
	v30 =	vmul.f32 v38, v30  }
0xca: {  	v24 =	vmul.f32 v24, v63;
	v25 =	vmul.f32 $1.562500000e-02, v25;
	v36 =	vadd.f32 v51, v37  }
0xcb: {  	v31 =	vsub.f32 v31, v42;
	v34 =	vmul.f32 v57, v34;
	v27 =	vmul.f32 v58, v27  }
0xcc: {  	v40 =	vadd.f32 v40, v53;
	v60 =	vmul.f32 v25, v25;
	v36 =	vmul.f32 $1.562500000e-02, v36  }
0xcd: {  	v30 =	vadd.f32 v30, v56;
	v26 =	vmul.f32 v59, v26;
	v44 =	vmul.f32 v39, v55  }
0xce: {  	v39 =	vmul.f32 v39, v9;
	[tilespmem:s15+$0xFFFFCD10] =	vst v40;
	v34 =	vadd.f32 v34, v53;
	v36 =	vsub.f32 v36, v60  }
0xcf: {  	v4 =	vmul.f32 v8, v4;
	v62 =	vmul.f32 v24, v55;
	[tilespmem:s15+$0xFFFFCD30] =	vst v30;
	v8 =	vadd.f32 v27, v52  }
0xd0: {  	v26 =	vadd.f32 v26, v56;
	v28 =	vmul.f32 v39, v28;
	[tilespmem:s15+$0xFFFFCD50] =	vst v34;
	v36 =	vmax.f32 v36, $0.0e+00  }
0xd1: {  	v4 =	vadd.f32 v4, v54;
	v35 =	vmul.f32 v44, v35;
	[tilespmem:s15+$0xFFFFCD60] =	vst v8;
	v36 =	vadd.f32 $9.999999960e-13, v36  }
0xd2: {  	v61 =	vmul.f32 v24, v10;
	v31 =	vmul.f32 v62, v31;
	[tilespmem:s15+$0xFFFFCD70] =	vst v26;
	v28 =	vadd.f32 v28, v54  }
0xd3: {  	[tilespmem:s15+$0xFFFFCD80] =	vst v4;
	v35 =	vadd.f32 v35, v52;
	v45 =	vshra.s32 v36, $0x1;
	v47 =	vmul.f32 $5.000000000e-01, v36  }
0xd4: {  	v33 =	vsub.f32 v33, v42;
	[tilespmem:s15+$0xFFFFCD40] =	vst v28;
	v28 =	vmul.f32 v61, v32;
	v30 =	vsub.s32 $0x5F3759DF, v45  }
0xd5: {  	v63 =	vmul.f32 v24, v11;
	v26 =	vadd.f32 v31, v52;
	v31 =	vld [tilespmem:s22+$0xFFFFFF50];
	[tilespmem:s15+$0xFFFFCD20] =	vst v35;
	v27 =	vmul.f32 v30, v47  }
0xd6: {  	v29 =	vsub.f32 v29, v42;
	v24 =	vmul.f32 v24, v9;
	v48 =	vld [tilespmem:s22+$0xFFFFFF10];
	v28 =	vadd.f32 v28, v53  }
0xd7: {  	v0 =	vsub.f32 v7, v25;
	v50 =	vld [tilespmem:s22+$0xFFFFFF20];
	v8 =	vmul.f32 v30, v27;
	v27 =	vmul.f32 v63, v33  }
0xd8: {  	v51 =	vld [tilespmem:s22+$0xFFFFFF30];
	[tilespmem:s15+$0xFFFFCD90] =	vst v28  }
0xd9: {  	v24 =	vmul.f32 v24, v29;
	v29 =	vld [tilespmem:s22+$0xFFFFFF40];
	[tilespmem:$0x1FE60] =	vst v0;
	v8 =	vsub.f32 $1.500000000e+00, v8;
	v27 =	vadd.f32 v27, v56  }
0xda: {  	v0 =	vsub.f32 v6, v25;
	[tilespmem:s15+$0xFFFFCDA0] =	vst v26  }
0xdb: {  	v28 =	vadd.f32 v24, v54;
	v7 =	vld [tilespmem:s22+$0xFFFFFF60];
	v8 =	vmul.f32 v30, v8;
	[tilespmem:s15+$0xFFFFCDB0] =	vst v27  }
0xdc: {  	v26 =	vld [tilespmem:s22+$0xFFFFFF70];
	[tilespmem:$0x1FE70] =	vst v0  }
0xdd: {  	[tilespmem:s15+$0xFFFFCDC0] =	vst v28;
	v28 =	vmul.f32 v8, v47  }
0xde: {  	v24 =	vadd.f32 v48, v23  }
0xdf: {  	v23 =	vadd.f32 v51, v13;
	v13 =	vadd.f32 v29, v12;
	v29 =	vld [tilespmem:s22+$0xFFFFFF90];
	v28 =	vmul.f32 v28, v8  }
0xe0: {  	v37 =	vadd.f32 v31, v18;
	v18 =	vld [tilespmem:s22+$0xFFFFFFA0]  }
0xe1: {  	v38 =	vadd.f32 v7, v16;
	v7 =	vsub.f32 $1.500000000e+00, v28;
	_ =	sdelay $0x1  }
0xe2: {  	v7 =	vmul.f32 v7, v8  }
0xe3: {  	v5 =	vsub.f32 v5, v25  }
0xe4: {  	v27 =	vld [tilespmem:s22+$0xFFFFFF80];
	v0 =	vadd.f32 v29, v20;
	v29 =	vadd.f32 v18, v19;
	v63 =	vmul.f32 v7, v9  }
0xe5: {  	v36 =	vsub.f32 v43, v25;
	v57 =	vld [tilespmem:s22+$0xFFFFFFB0]  }
0xe6: {  	v59 =	vld [tilespmem:s22+$0xFFFFFFC0];
	[tilespmem:$0x1FE80] =	vst v0;
	v43 =	vadd.f32 v29, v0;
	v19 =	vmul.f32 v0, v0;
	v0 =	vmul.f32 v63, v5  }
0xe7: {  	v14 =	vadd.f32 v50, v14  }
0xe8: {  	[tilespmem:$0x1FF30] =	vst v0;
	v0 =	vld [tilespmem:$0x1FFF0]  }
0xe9: {  	v53 =	vadd.f32 v14, v24;
	v56 =	vadd.f32 v13, v23;
	_ =	sdelay $0x1  }
0xea: {  	v20 =	vadd.f32 v56, v53  }
0xeb: {  	v32 =	vadd.f32 v26, v17;
	v31 =	vadd.f32 v27, v15  }
0xec: {  	v46 =	vperm.xlane v20, v0;
	v0 =	vld [tilespmem:$0x1FFF0]  }
0xed: {  	v60 =	vadd.f32 v38, v37;
	v8 =	vadd.f32 v31, v32;
	_ =	sdelay $0x1  }
0xee: {  	v4 =	vadd.f32 v59, v21;
	v21 =	vmul.f32 v29, v29;
	v8 =	vadd.f32 v8, v60  }
0xef: {  	v30 =	vadd.f32 v57, v22  }
0xf0: {  	v47 =	vadd.f32 v21, v19;
	v21 =	vperm.xlane v8, v0;
	v0 =	vld [tilespmem:$0x1FFF0]  }
0xf1: {  	v5 =	vadd.f32 v4, v30  }
0xf2: {  	v52 =	vmul.f32 v24, v24;
	v34 =	vmul.f32 v14, v14  }
0xf3: {  	v44 =	vmul.f32 v30, v30;
	v22 =	vmul.f32 v4, v4;
	v5 =	vadd.f32 v5, v43  }
0xf4: {  	v54 =	vmul.f32 v23, v23;
	v58 =	vmul.f32 v13, v13  }
0xf5: {  	v16 =	vadd.f32 v22, v44;
	v22 =	vperm.xlane v5, v0;
	v0 =	vld [tilespmem:$0x1FFF0]  }
0xf6: {  	v25 =	vadd.f32 v34, v52;
	v45 =	vadd.f32 v58, v54;
	_ =	sdelay $0x1  }
0xf7: {  	v26 =	vmul.f32 v37, v37;
	v61 =	vmul.f32 v38, v38;
	v19 =	vadd.f32 v45, v25  }
0xf8: {  	v62 =	vmul.f32 v32, v32;
	v18 =	vmul.f32 v31, v31  }
0xf9: {  	v25 =	vperm.xlane v19, v0;
	v0 =	vld [tilespmem:$0x1FFF0]  }
0xfa: {  	v26 =	vadd.f32 v61, v26;
	v18 =	vadd.f32 v18, v62;
	_ =	sdelay $0x1  }
0xfb: {  	v18 =	vadd.f32 v18, v26;
	_ =	sdelay $0x1  }
0xfc: {  	v20 =	vadd.f32 v20, v46;
	v48 =	vperm.xlane v18, v0;
	v0 =	vld [tilespmem:$0x1FFF0]  }
0xfd: {  	v8 =	vadd.f32 v8, v21  }
0xfe: {  	s23 =	simm.s32 $0x1AA80;
	[tilespmem:$0x1FE90] =	vst v4;
	v21 =	vperm.xlane v20, v1;
	v5 =	vadd.f32 v5, v22  }
0xff: {  	v16 =	vadd.f32 v16, v47;
	v39 =	vld [tilespmem:s23+$0x40];
	v22 =	vperm.xlane v8, v1  }
0x100: {  	v40 =	vld [tilespmem:s23+$0x50];
	v17 =	vadd.f32 v48, v18;
	v18 =	vadd.f32 v20, v21;
	v20 =	vperm.xlane v5, v1  }
0x101: {  	v41 =	vld [tilespmem:s23+$0x60];
	v19 =	vadd.f32 v25, v19;
	v25 =	vperm.xlane v16, v0  }
0x102: {  	v4 =	vld [tilespmem:s23+$0xFFFFFF90];
	v8 =	vadd.f32 v8, v22;
	v22 =	vperm.xlane v17, v1;
	v5 =	vadd.f32 v5, v20  }
0x103: {  	s16 =	sadd.s32 $0x100, s22;
	v42 =	vld [tilespmem:s23+$0x70];
	v21 =	vperm.xlane v19, v1;
	v16 =	vadd.f32 v25, v16  }
0x104: {  	v26 =	vld [tilespmem:s16+$0xFFFFCDD0];
	v17 =	vadd.f32 v22, v17;
	v22 =	vperm.xlane v5, v2  }
0x105: {  	v54 =	vld [tilespmem:s16+$0xFFFFCE00];
	v19 =	vadd.f32 v21, v19;
	v20 =	vperm.xlane v8, v2;
	v21 =	vperm.xlane v16, v1  }
0x106: {  	v5 =	vadd.f32 v5, v22;
	v22 =	vld [tilespmem:s16+$0xFFFFCDF0]  }
0x107: {  	v8 =	vadd.f32 v8, v20;
	v20 =	vadd.f32 v21, v16;
	v21 =	vld [tilespmem:s16+$0xFFFFCDE0];
	[tilespmem:$0x1FEB0] =	vst v4  }
0x108: {  	v6 =	vld [tilespmem:s23+$0xFFFFFFA0];
	_ =	sdelay $0x4  }
0x109: {  	[tilespmem:$0x1FEC0] =	vst v6  }
0x10a: {  	v12 =	vld [tilespmem:s23+$0xFFFFFFB0];
	_ =	sdelay $0x1  }
0x10b: {  	v61 =	vperm.xlane v5, v3;
	_ =	sdelay $0x1  }
0x10c: {  	v5 =	vadd.f32 v5, v61  }
0x10d: {  	[tilespmem:$0x1FED0] =	vst v12  }
0x10e: {  	v43 =	vmul.f32 $1.562500000e-02, v5;
	v5 =	vld [tilespmem:s23+$0xFFFFFFC0];
	_ =	sdelay $0x1  }
0x10f: {  	v60 =	vld [tilespmem:s16+$0xFFFFCD10]  }
0x110: {  	v59 =	vadd.f32 v26, v39;
	v50 =	vperm.xlane v17, v2;
	v26 =	vld [tilespmem:s16+$0xFFFFCD20]  }
0x111: {  	v25 =	vperm.xlane v18, v2;
	v45 =	vld [tilespmem:s16+$0xFFFFCD30]  }
0x112: {  	v53 =	vadd.f32 v50, v17;
	v50 =	vld [tilespmem:s16+$0xFFFFCD40];
	[tilespmem:$0x1FEE0] =	vst v5  }
0x113: {  	v18 =	vadd.f32 v18, v25;
	v15 =	vld [tilespmem:s23+$0xFFFFFFD0];
	_ =	sdelay $0x1  }
0x114: {  	v51 =	vperm.xlane v18, v3;
	_ =	sdelay $0x1  }
0x115: {  	v25 =	vperm.xlane v19, v2;
	v18 =	vadd.f32 v18, v51  }
0x116: {  	[tilespmem:$0x1FEF0] =	vst v15  }
0x117: {  	v19 =	vadd.f32 v25, v19;
	v25 =	vperm.xlane v8, v3;
	v34 =	vmul.f32 $1.562500000e-02, v18;
	v16 =	vld [tilespmem:s23+$0xFFFFFFF0]  }
0x118: {  	v28 =	vadd.f32 v54, v42;
	v47 =	vmul.f32 v59, v59  }
0x119: {  	v8 =	vadd.f32 v8, v25;
	v25 =	vperm.xlane v53, v3;
	v0 =	vsub.f32 v23, v34  }
0x11a: {  	v57 =	vmul.f32 v28, v28;
	v58 =	vadd.f32 v22, v41;
	v46 =	vadd.f32 v21, v40  }
0x11b: {  	v62 =	vperm.xlane v19, v3;
	v48 =	vmul.f32 $1.562500000e-02, v8;
	v25 =	vadd.f32 v25, v53;
	v33 =	vld [tilespmem:s23+$0xFFFFFFE0];
	[tilespmem:$0x1FEA0] =	vst v0  }
0x11c: {  	v44 =	vsub.f32 v24, v34;
	v24 =	vmul.f32 v58, v58;
	v51 =	vmul.f32 v46, v46;
	[tilespmem:$0x1FF00] =	vst v16  }
0x11d: {  	v19 =	vadd.f32 v62, v19;
	v56 =	vadd.f32 v28, v58;
	v53 =	vmul.f32 v48, v48;
	v18 =	vld [tilespmem:s23+$0x0]  }
0x11e: {  	v25 =	vmul.f32 $1.562500000e-02, v25;
	v24 =	vadd.f32 v57, v24;
	v47 =	vadd.f32 v51, v47;
	v0 =	vld [tilespmem:$0x1FFF0]  }
0x11f: {  	v35 =	vsub.f32 v14, v34;
	v22 =	vadd.f32 v46, v59;
	v14 =	vld [tilespmem:s16+$0xFFFFCD50]  }
0x120: {  	v62 =	vsub.f32 v25, v53;
	v24 =	vadd.f32 v24, v47;
	v25 =	vld [tilespmem:s16+$0xFFFFCD60]  }
0x121: {  	v52 =	vperm.xlane v20, v2;
	v47 =	vadd.f32 v45, v6;
	v45 =	vadd.f32 v50, v12;
	v50 =	vld [tilespmem:s16+$0xFFFFCD70]  }
0x122: {  	v54 =	vadd.f32 v56, v22;
	v53 =	vld [tilespmem:s16+$0xFFFFCD80];
	[tilespmem:$0x1FF10] =	vst v18  }
0x123: {  	v20 =	vadd.f32 v52, v20;
	v21 =	vmul.f32 $1.562500000e-02, v19;
	v19 =	vld [tilespmem:s23+$0x10]  }
0x124: {  	v23 =	vperm.xlane v54, v0;
	v0 =	vld [tilespmem:$0x1FFF0]  }
0x125: {  	v8 =	vperm.xlane v20, v3;
	v63 =	vmul.f32 v34, v34  }
0x126: {  	v34 =	vsub.f32 v13, v34  }
0x127: {  	v49 =	vmul.f32 v7, v10;
	v8 =	vadd.f32 v8, v20;
	v61 =	vsub.f32 v21, v63  }
0x128: {  	v51 =	vmul.f32 v47, v47;
	v63 =	vmul.f32 v45, v45;
	v13 =	vadd.f32 v54, v23;
	[tilespmem:$0x1FF20] =	vst v19  }
0x129: {  	v23 =	vadd.f32 v26, v4;
	v52 =	vperm.xlane v24, v0;
	v0 =	vmul.f32 v49, v36;
	v26 =	vld [tilespmem:s23+$0x20]  }
0x12a: {  	v63 =	vadd.f32 v63, v51;
	v51 =	vadd.f32 v25, v15;
	v25 =	vld [tilespmem:s23+$0x30]  }
0x12b: {  	[tilespmem:$0x1FF40] =	vst v0;
	v0 =	vld [tilespmem:$0x1FE60]  }
0x12c: {  	v57 =	vmul.f32 v43, v43;
	v8 =	vmul.f32 $1.562500000e-02, v8  }
0x12d: {  	v12 =	vperm.xlane v13, v1;
	v49 =	vadd.f32 v53, v16;
	v53 =	vld [tilespmem:s16+$0xFFFFCD90]  }
0x12e: {  	v27 =	vmul.f32 v7, v55;
	v21 =	vsub.f32 v8, v57;
	v57 =	vadd.f32 v52, v24;
	v8 =	vld [tilespmem:s16+$0xFFFFCDA0]  }
0x12f: {  	v52 =	vadd.f32 v14, v5;
	v14 =	vadd.f32 v13, v12;
	v12 =	vld [tilespmem:s16+$0xFFFFCDB0]  }
0x130: {  	v17 =	vmul.f32 v7, v11;
	v7 =	vld [tilespmem:s16+$0xFFFFCDC0];
	v0 =	vmul.f32 v27, v0  }
0x131: {  	v36 =	vld [tilespmem:s23+$0xFFFFFF80]  }
0x132: {  	[tilespmem:$0x1FF50] =	vst v0;
	v0 =	vld [tilespmem:$0x1FE70];
	_ =	sdelay $0x1  }
0x133: {  	v50 =	vadd.f32 v50, v33;
	v15 =	vperm.xlane v57, v1  }
0x134: {  	v4 =	vmul.f32 v51, v51;
	v56 =	vperm.xlane v14, v2  }
0x135: {  	v5 =	vadd.f32 v49, v50;
	v16 =	vmul.f32 v52, v52;
	v54 =	vadd.f32 v15, v57  }
0x136: {  	v57 =	vadd.f32 v51, v52;
	v56 =	vadd.f32 v14, v56;
	v0 =	vmul.f32 v17, v0  }
0x137: {  	v16 =	vadd.f32 v4, v16;
	v14 =	vperm.xlane v54, v2  }
0x138: {  	v15 =	vadd.f32 v5, v57;
	v57 =	vadd.f32 v45, v47;
	v5 =	vperm.xlane v56, v3;
	[tilespmem:$0x1FF60] =	vst v0;
	v0 =	vld [tilespmem:$0x1FFF0]  }
0x139: {  	v4 =	vadd.f32 v14, v54;
	v20 =	vadd.f32 v60, v36  }
0x13a: {  	v5 =	vadd.f32 v56, v5;
	v22 =	vadd.f32 v53, v18  }
0x13b: {  	v24 =	vadd.f32 v8, v19;
	v14 =	vadd.f32 v23, v20  }
0x13c: {  	v13 =	vmul.f32 v50, v50;
	v56 =	vadd.f32 v12, v26;
	v53 =	vadd.f32 v7, v25  }
0x13d: {  	v6 =	vmul.f32 v49, v49;
	v17 =	vadd.f32 v57, v14;
	v14 =	vperm.xlane v15, v0;
	v0 =	vld [tilespmem:$0x1FFF0]  }
0x13e: {  	v12 =	vadd.f32 v24, v22;
	v54 =	vadd.f32 v53, v56  }
0x13f: {  	v6 =	vadd.f32 v6, v13;
	v8 =	vperm.xlane v4, v3  }
0x140: {  	v27 =	vmul.f32 v22, v22;
	v12 =	vadd.f32 v54, v12;
	v54 =	vmul.f32 v24, v24  }
0x141: {  	v6 =	vadd.f32 v6, v16;
	v19 =	vmul.f32 $1.562500000e-02, v5  }
0x142: {  	v7 =	vadd.f32 v8, v4;
	v16 =	vadd.f32 v54, v27;
	v54 =	vperm.xlane v17, v0;
	v0 =	vld [tilespmem:$0x1FFF0];
	_ =	sdelay $0x1  }
0x143: {  	v60 =	vmul.f32 v19, v19;
	v7 =	vmul.f32 $1.562500000e-02, v7;
	_ =	sdelay $0x1  }
0x144: {  	v8 =	vmul.f32 v23, v23;
	v7 =	vsub.f32 v7, v60;
	v60 =	vmul.f32 v20, v20  }
0x145: {  	v15 =	vadd.f32 v15, v14;
	v14 =	vperm.xlane v12, v0;
	v0 =	vld [tilespmem:$0x1FFF0]  }
0x146: {  	v8 =	vadd.f32 v8, v60  }
0x147: {  	v13 =	vmul.f32 v56, v56;
	v4 =	vmul.f32 v53, v53  }
0x148: {  	v27 =	vmax.f32 v61, $0.0e+00;
	v8 =	vadd.f32 v63, v8  }
0x149: {  	v4 =	vadd.f32 v4, v13;
	v27 =	vadd.f32 $9.999999960e-13, v27  }
0x14a: {  	v7 =	vmax.f32 v7, $0.0e+00;
	v14 =	vadd.f32 v12, v14;
	v12 =	vperm.xlane v8, v0;
	v0 =	vld [tilespmem:$0x1FFF0]  }
0x14b: {  	v60 =	vmax.f32 v62, $0.0e+00;
	v7 =	vadd.f32 $9.999999960e-13, v7;
	v57 =	vshra.s32 v27, $0x1  }
0x14c: {  	v13 =	vadd.f32 v4, v16;
	v27 =	vmul.f32 $5.000000000e-01, v27;
	v57 =	vsub.s32 $0x5F3759DF, v57  }
0x14d: {  	v18 =	vmul.f32 $5.000000000e-01, v7;
	v17 =	vadd.f32 v17, v54;
	v54 =	vshra.s32 v7, $0x1  }
0x14e: {  	v60 =	vadd.f32 $9.999999960e-13, v60;
	v16 =	vmul.f32 v57, v27;
	v61 =	vsub.s32 $0x5F3759DF, v54  }
0x14f: {  	v62 =	vmul.f32 v61, v18;
	v4 =	vperm.xlane v6, v0;
	v0 =	vld [tilespmem:$0x1FFF0]  }
0x150: {  	v54 =	vshra.s32 v60, $0x1;
	v60 =	vmul.f32 $5.000000000e-01, v60  }
0x151: {  	v16 =	vmul.f32 v57, v16;
	v63 =	vsub.s32 $0x5F3759DF, v54;
	v62 =	vmul.f32 v61, v62  }
0x152: {  	v12 =	vadd.f32 v12, v8;
	v8 =	vadd.f32 v4, v6;
	v6 =	vmul.f32 v63, v60  }
0x153: {  	v7 =	vperm.xlane v15, v1;
	v54 =	vsub.f32 $1.500000000e+00, v62;
	v62 =	vperm.xlane v14, v1  }
0x154: {  	v16 =	vsub.f32 $1.500000000e+00, v16;
	v6 =	vmul.f32 v63, v6;
	v5 =	vperm.xlane v13, v0  }
0x155: {  	v7 =	vadd.f32 v15, v7;
	v14 =	vadd.f32 v14, v62  }
0x156: {  	v4 =	vperm.xlane v17, v1;
	v6 =	vsub.f32 $1.500000000e+00, v6;
	v5 =	vadd.f32 v5, v13  }
0x157: {  	v13 =	vmul.f32 v61, v54;
	v54 =	vmax.f32 v21, $0.0e+00;
	v21 =	vperm.xlane v12, v1  }
0x158: {  	v4 =	vadd.f32 v17, v4;
	v62 =	vadd.f32 $9.999999960e-13, v54  }
0x159: {  	v6 =	vmul.f32 v63, v6;
	v12 =	vadd.f32 v21, v12;
	v63 =	vmul.f32 v13, v18  }
0x15a: {  	v21 =	vperm.xlane v5, v1;
	v18 =	vshra.s32 v62, $0x1;
	v15 =	vmul.f32 $5.000000000e-01, v62  }
0x15b: {  	v16 =	vmul.f32 v57, v16;
	v57 =	vperm.xlane v4, v2;
	v18 =	vsub.s32 $0x5F3759DF, v18  }
0x15c: {  	v17 =	vmul.f32 v63, v13;
	v5 =	vadd.f32 v21, v5;
	v21 =	vmul.f32 v18, v15  }
0x15d: {  	v59 =	vsub.f32 v59, v19;
	v4 =	vadd.f32 v4, v57;
	v57 =	vperm.xlane v14, v2  }
0x15e: {  	v61 =	vperm.xlane v8, v1;
	v17 =	vsub.f32 $1.500000000e+00, v17;
	v21 =	vmul.f32 v18, v21  }
0x15f: {  	v54 =	vperm.xlane v7, v2;
	v14 =	vadd.f32 v14, v57;
	v57 =	vperm.xlane v4, v3  }
0x160: {  	v8 =	vadd.f32 v61, v8;
	v13 =	vmul.f32 v17, v13;
	v21 =	vsub.f32 $1.500000000e+00, v21  }
0x161: {  	v7 =	vadd.f32 v7, v54;
	v62 =	vperm.xlane v12, v2;
	v4 =	vadd.f32 v4, v57  }
0x162: {  	v57 =	vmul.f32 v13, v55;
	v18 =	vmul.f32 v18, v21;
	v21 =	vsub.f32 v46, v19  }
0x163: {  	v58 =	vsub.f32 v58, v19;
	v54 =	vperm.xlane v8, v2;
	v61 =	vperm.xlane v7, v3  }
0x164: {  	v12 =	vadd.f32 v62, v12;
	v62 =	vperm.xlane v14, v3;
	v21 =	vmul.f32 v57, v21;
	v57 =	vld [tilespmem:$0x1FFB0]  }
0x165: {  	v63 =	vld [tilespmem:$0x1FFC0];
	v8 =	vadd.f32 v54, v8;
	v17 =	vperm.xlane v5, v2;
	v54 =	vmul.f32 v13, v10  }
0x166: {  	v7 =	vadd.f32 v7, v61;
	v61 =	vsub.f32 v38, v48;
	v46 =	vperm.xlane v12, v3  }
0x167: {  	v5 =	vadd.f32 v17, v5;
	v17 =	vmul.f32 v54, v59;
	v59 =	vperm.xlane v8, v3  }
0x168: {  	v14 =	vadd.f32 v14, v62;
	v54 =	vmul.f32 v13, v11;
	v12 =	vadd.f32 v46, v12  }
0x169: {  	v27 =	vmul.f32 v16, v27;
	v8 =	vadd.f32 v59, v8;
	v59 =	vadd.f32 v17, v57  }
0x16a: {  	s17 =	sadd.s32 $0x100, s15;
	v46 =	vmul.f32 v54, v58;
	v54 =	vmul.f32 v6, v60;
	v62 =	vadd.f32 v21, v63  }
0x16b: {  	v4 =	vmul.f32 $1.562500000e-02, v4;
	v38 =	vmul.f32 $1.562500000e-02, v7;
	v19 =	vsub.f32 v28, v19;
	[tilespmem:s17+$0xFFFFCDD0] =	vst v59  }
0x16c: {  	v13 =	vmul.f32 v13, v9;
	v58 =	vsub.f32 v37, v48;
	v37 =	vmul.f32 v54, v6;
	v54 =	vld [tilespmem:$0x1FFD0];
	[tilespmem:s17+$0xFFFFCDE0] =	vst v62  }
0x16d: {  	v7 =	vmul.f32 $1.562500000e-02, v14;
	v28 =	vperm.xlane v5, v3;
	v62 =	vld [tilespmem:$0x1FFE0]  }
0x16e: {  	v15 =	vmul.f32 v18, v15;
	v13 =	vmul.f32 v13, v19  }
0x16f: {  	v32 =	vsub.f32 v32, v48;
	v19 =	vmul.f32 v4, v4;
	v60 =	vmul.f32 v7, v7  }
0x170: {  	v5 =	vadd.f32 v28, v5;
	v12 =	vmul.f32 $1.562500000e-02, v12;
	v21 =	vmul.f32 v38, v38  }
0x171: {  	v15 =	vmul.f32 v15, v18;
	v8 =	vmul.f32 $1.562500000e-02, v8;
	v46 =	vadd.f32 v46, v54  }
0x172: {  	v5 =	vmul.f32 $1.562500000e-02, v5;
	v12 =	vsub.f32 v12, v19;
	v13 =	vadd.f32 v13, v62  }
0x173: {  	v27 =	vmul.f32 v27, v16;
	v15 =	vsub.f32 $1.500000000e+00, v15;
	v8 =	vsub.f32 v8, v21;
	[tilespmem:s17+$0xFFFFCDF0] =	vst v46  }
0x174: {  	v5 =	vsub.f32 v5, v60;
	v12 =	vmax.f32 v12, $0.0e+00;
	v46 =	vsub.f32 $1.500000000e+00, v37;
	[tilespmem:s17+$0xFFFFCE00] =	vst v13  }
0x175: {  	v59 =	vsub.f32 $1.500000000e+00, v27;
	v12 =	vadd.f32 $9.999999960e-13, v12;
	v8 =	vmax.f32 v8, $0.0e+00;
	v19 =	vld [tilespmem:s16+$0xFFFFFFD0]  }
0x176: {  	v5 =	vmax.f32 v5, $0.0e+00;
	v14 =	vld [tilespmem:s16+$0xFFFFFFE0];
	v37 =	vmul.f32 v46, v6;
	v6 =	vadd.f32 $9.999999960e-13, v8  }
0x177: {  	v5 =	vadd.f32 $9.999999960e-13, v5;
	v16 =	vmul.f32 v59, v16;
	v59 =	vshra.s32 v12, $0x1;
	v8 =	vld [tilespmem:s16+$0xFFFFFFF0]  }
0x178: {  	v46 =	vmul.f32 v15, v18;
	v15 =	vld [tilespmem:s16+$0x0];
	v60 =	vshra.s32 v6, $0x1;
	v6 =	vmul.f32 $5.000000000e-01, v6  }
0x179: {  	v12 =	vmul.f32 $5.000000000e-01, v12;
	v21 =	vmul.f32 $5.000000000e-01, v5;
	v17 =	vsub.s32 $0x5F3759DF, v60  }
0x17a: {  	v13 =	vsub.s32 $0x5F3759DF, v59;
	v18 =	vshra.s32 v5, $0x1;
	v0 =	vld [tilespmem:$0x1FE80];
	v28 =	vmul.f32 v17, v6  }
0x17b: {  	v60 =	vadd.f32 v19, v39;
	v59 =	vadd.f32 v14, v40;
	v14 =	vsub.s32 $0x5F3759DF, v18  }
0x17c: {  	v41 =	vadd.f32 v8, v41;
	v8 =	vmul.f32 v14, v21;
	v18 =	vmul.f32 v17, v28  }
0x17d: {  	v5 =	vadd.f32 v15, v42;
	v28 =	vmul.f32 v60, v60;
	v39 =	vmul.f32 v59, v59  }
0x17e: {  	v27 =	vmul.f32 v13, v12;
	v40 =	vsub.f32 v31, v48;
	v48 =	vsub.f32 $1.500000000e+00, v18  }
0x17f: {  	v18 =	vadd.f32 v39, v28;
	v28 =	vmul.f32 v14, v8;
	v8 =	vsub.f32 v0, v43;
	v0 =	vld [tilespmem:$0x1FFF0]  }
0x180: {  	v42 =	vmul.f32 v13, v27;
	v19 =	vadd.f32 v59, v60;
	v27 =	vadd.f32 v5, v41;
	_ =	sdelay $0x1  }
0x181: {  	v19 =	vadd.f32 v27, v19  }
0x182: {  	v15 =	vsub.f32 $1.500000000e+00, v42;
	v31 =	vmul.f32 v41, v41  }
0x183: {  	v42 =	vmul.f32 v5, v5;
	v39 =	vsub.f32 $1.500000000e+00, v28;
	v28 =	vperm.xlane v19, v0;
	v0 =	vld [tilespmem:$0x1FE90]  }
0x184: {  	v13 =	vmul.f32 v13, v15;
	v15 =	vmul.f32 v17, v48  }
0x185: {  	v27 =	vadd.f32 v42, v31  }
0x186: {  	v12 =	vmul.f32 v13, v12;
	v6 =	vmul.f32 v15, v6  }
0x187: {  	v20 =	vsub.f32 v20, v4;
	v18 =	vadd.f32 v27, v18;
	v14 =	vmul.f32 v14, v39  }
0x188: {  	v12 =	vmul.f32 v12, v13;
	v6 =	vmul.f32 v6, v15;
	v27 =	vsub.f32 v0, v43;
	v0 =	vld [tilespmem:$0x1FFF0]  }
0x189: {  	v22 =	vsub.f32 v22, v7;
	v42 =	vsub.f32 v29, v43;
	v21 =	vmul.f32 v14, v21  }
0x18a: {  	v12 =	vsub.f32 $1.500000000e+00, v12;
	v6 =	vsub.f32 $1.500000000e+00, v6  }
0x18b: {  	v29 =	vsub.f32 v30, v43;
	v39 =	vmul.f32 v21, v14;
	v43 =	vmul.f32 v16, v10  }
0x18c: {  	v19 =	vadd.f32 v19, v28;
	v12 =	vmul.f32 v12, v13;
	v6 =	vmul.f32 v6, v15  }
0x18d: {  	v13 =	vsub.f32 $1.500000000e+00, v39;
	v28 =	vmul.f32 v43, v44;
	v30 =	vperm.xlane v18, v0  }
0x18e: {  	v21 =	vsub.f32 v23, v4;
	v43 =	vmul.f32 v12, v10;
	v44 =	vmul.f32 v12, v55  }
0x18f: {  	v13 =	vmul.f32 v13, v14;
	v48 =	vadd.f32 v30, v18;
	v18 =	vperm.xlane v19, v1  }
0x190: {  	v31 =	vsub.f32 v52, v38;
	v15 =	vmul.f32 v43, v20;
	v14 =	vmul.f32 v44, v21  }
0x191: {  	v20 =	vmul.f32 v12, v11;
	v18 =	vadd.f32 v19, v18;
	v19 =	vperm.xlane v48, v1  }
0x192: {  	v12 =	vmul.f32 v12, v9;
	v21 =	vmul.f32 v6, v10;
	v14 =	vadd.f32 v14, v63  }
0x193: {  	v30 =	vsub.f32 v47, v4;
	v17 =	vadd.f32 v19, v48;
	v19 =	vperm.xlane v18, v2  }
0x194: {  	v21 =	vmul.f32 v21, v31;
	v4 =	vsub.f32 v45, v4;
	v47 =	vsub.f32 v51, v38  }
0x195: {  	v20 =	vmul.f32 v20, v30;
	v18 =	vadd.f32 v18, v19;
	v19 =	vperm.xlane v17, v2  }
0x196: {  	v51 =	vsub.f32 v56, v7;
	v30 =	vmul.f32 v6, v55;
	v12 =	vmul.f32 v12, v4  }
0x197: {  	v4 =	vsub.f32 v50, v38;
	v48 =	vmul.f32 v6, v11;
	v17 =	vadd.f32 v19, v17  }
0x198: {  	v38 =	vsub.f32 v49, v38;
	v6 =	vmul.f32 v6, v9;
	v19 =	vperm.xlane v18, v3  }
0x199: {  	v21 =	vadd.f32 v21, v57;
	v49 =	vsub.f32 v24, v7;
	v31 =	vperm.xlane v17, v3  }
0x19a: {  	v6 =	vmul.f32 v6, v38;
	v18 =	vadd.f32 v18, v19;
	v19 =	vmul.f32 v30, v47  }
0x19b: {  	v17 =	vadd.f32 v31, v17;
	v31 =	vmul.f32 v48, v4;
	v4 =	vmul.f32 v13, v55  }
0x19c: {  	v7 =	vsub.f32 v53, v7;
	v30 =	vmul.f32 v13, v10;
	v18 =	vmul.f32 $1.562500000e-02, v18  }
0x19d: {  	[tilespmem:s17+$0xFFFFCD20] =	vst v14;
	v20 =	vadd.f32 v20, v54;
	v44 =	vmul.f32 v4, v49;
	v4 =	vmul.f32 v13, v9  }
0x19e: {  	[tilespmem:s17+$0xFFFFCD50] =	vst v21;
	v12 =	vadd.f32 v12, v62;
	v22 =	vmul.f32 v30, v22;
	v17 =	vmul.f32 $1.562500000e-02, v17  }
0x19f: {  	[tilespmem:s17+$0xFFFFCD30] =	vst v20;
	v30 =	vmul.f32 v18, v18;
	v7 =	vmul.f32 v4, v7;
	v4 =	vadd.f32 v15, v57  }
0x1a0: {  	v50 =	vmul.f32 v13, v11;
	[tilespmem:s17+$0xFFFFCD40] =	vst v12;
	v19 =	vadd.f32 v19, v63  }
0x1a1: {  	v6 =	vadd.f32 v6, v62;
	v52 =	vsub.f32 v17, v30;
	v30 =	vmul.f32 v16, v55;
	[tilespmem:s17+$0xFFFFCD10] =	vst v4  }
0x1a2: {  	v22 =	vadd.f32 v22, v57;
	v17 =	vmul.f32 v50, v51;
	v24 =	vld [tilespmem:$0x1FEA0];
	[tilespmem:s17+$0xFFFFCD60] =	vst v19  }
0x1a3: {  	v4 =	vmul.f32 v30, v35;
	v30 =	vadd.f32 v31, v54;
	[tilespmem:s17+$0xFFFFCD80] =	vst v6  }
0x1a4: {  	v17 =	vadd.f32 v17, v54;
	[tilespmem:s17+$0xFFFFCD90] =	vst v22  }
0x1a5: {  	v13 =	vmax.f32 v52, $0.0e+00;
	v7 =	vadd.f32 v7, v62;
	[tilespmem:s17+$0xFFFFCD70] =	vst v30  }
0x1a6: {  	v13 =	vadd.f32 $9.999999960e-13, v13;
	v6 =	vadd.f32 v44, v63;
	[tilespmem:s17+$0xFFFFCDB0] =	vst v17  }
0x1a7: {  	[tilespmem:s17+$0xFFFFCDC0] =	vst v7  }
0x1a8: {  	v50 =	vld [tilespmem:s16+$0xFFFFFF20];
	v20 =	vshra.s32 v13, $0x1;
	v13 =	vmul.f32 $5.000000000e-01, v13;
	[tilespmem:s17+$0xFFFFCDA0] =	vst v6  }
0x1a9: {  	v20 =	vsub.s32 $0x5F3759DF, v20;
	v7 =	vld [tilespmem:$0x1FEB0]  }
0x1aa: {  	v21 =	vmul.f32 v20, v13  }
0x1ab: {  	v39 =	vmul.f32 v37, v10  }
0x1ac: {  	v43 =	vmul.f32 v37, v55;
	v21 =	vmul.f32 v20, v21  }
0x1ad: {  	v56 =	vmul.f32 v16, v9;
	v53 =	vmul.f32 v16, v11;
	v51 =	vld [tilespmem:s16+$0xFFFFFF30]  }
0x1ae: {  	v38 =	vmul.f32 v39, v58;
	v21 =	vsub.f32 $1.500000000e+00, v21;
	v15 =	vadd.f32 v50, v7;
	v7 =	vld [tilespmem:$0x1FEC0]  }
0x1af: {  	v58 =	vmul.f32 v46, v10;
	v22 =	vld [tilespmem:s16+$0xFFFFFF50];
	v52 =	vmul.f32 v53, v24  }
0x1b0: {  	v53 =	vmul.f32 v56, v34;
	v34 =	vmul.f32 v20, v21;
	v21 =	vld [tilespmem:$0x1FEE0];
	_ =	sdelay $0x1  }
0x1b1: {  	v39 =	vmul.f32 v43, v61;
	v43 =	vsub.f32 v41, v18;
	v35 =	vmul.f32 v58, v8;
	v49 =	vld [tilespmem:s16+$0xFFFFFF10]  }
0x1b2: {  	v8 =	vmul.f32 v46, v11;
	v6 =	vld [tilespmem:s16+$0xFFFFFF60];
	v41 =	vadd.f32 v51, v7;
	v7 =	vmul.f32 v34, v13  }
0x1b3: {  	v30 =	vsub.f32 v60, v18;
	v60 =	vld [tilespmem:s16+$0xFFFFFF70]  }
0x1b4: {  	v44 =	vmul.f32 v8, v29;
	v29 =	vadd.f32 v22, v21;
	v21 =	vmul.f32 v7, v34;
	v7 =	vld [tilespmem:$0x1FEF0]  }
0x1b5: {  	v45 =	vsub.f32 v59, v18;
	v59 =	vld [tilespmem:s16+$0xFFFFFFC0]  }
0x1b6: {  	v56 =	vld [tilespmem:s16+$0xFFFFFF40]  }
0x1b7: {  	v48 =	vmul.f32 v37, v11;
	v51 =	vld [tilespmem:$0x1FED0]  }
0x1b8: {  	v19 =	vmul.f32 v37, v9;
	v61 =	vld [tilespmem:s16+$0xFFFFFF80]  }
0x1b9: {  	v32 =	vmul.f32 v48, v32;
	v36 =	vadd.f32 v49, v36;
	v48 =	vadd.f32 v6, v7;
	v6 =	vld [tilespmem:$0x1FF00]  }
0x1ba: {  	v5 =	vsub.f32 v5, v18;
	v40 =	vmul.f32 v19, v40;
	v19 =	vmul.f32 v46, v55;
	v20 =	vld [tilespmem:s16+$0xFFFFFFB0]  }
0x1bb: {  	v8 =	vmul.f32 v36, v36;
	v47 =	vmul.f32 v15, v15;
	v49 =	vsub.f32 $1.500000000e+00, v21;
	v21 =	vld [tilespmem:$0x1FF20]  }
0x1bc: {  	v23 =	vadd.f32 v59, v25;
	v14 =	vadd.f32 v56, v51;
	v56 =	vld [tilespmem:s16+$0xFFFFFFA0]  }
0x1bd: {  	v42 =	vmul.f32 v19, v42;
	v19 =	vld [tilespmem:s16+$0xFFFFFF90];
	v58 =	vadd.f32 v15, v36;
	v8 =	vadd.f32 v47, v8  }
0x1be: {  	v7 =	vadd.f32 v60, v33;
	v17 =	vadd.f32 v61, v6;
	v6 =	vld [tilespmem:$0x1FF10]  }
0x1bf: {  	v20 =	vadd.f32 v20, v26;
	v22 =	vadd.f32 v14, v41  }
0x1c0: {  	v60 =	vmul.f32 v41, v41;
	v37 =	vadd.f32 v48, v29;
	v18 =	vmul.f32 v7, v7  }
0x1c1: {  	v58 =	vadd.f32 v22, v58;
	v21 =	vadd.f32 v56, v21;
	v61 =	vmul.f32 v14, v14  }
0x1c2: {  	v56 =	vmul.f32 v48, v48;
	v24 =	vadd.f32 v17, v7;
	v59 =	vmul.f32 v17, v17  }
0x1c3: {  	v51 =	vld [tilespmem:$0x1FFF0];
	v26 =	vadd.f32 v61, v60;
	v60 =	vmul.f32 v21, v21;
	v6 =	vadd.f32 v19, v6  }
0x1c4: {  	v61 =	vadd.f32 v23, v20;
	v24 =	vadd.f32 v24, v37;
	v19 =	vmul.f32 v29, v29  }
0x1c5: {  	v16 =	vadd.f32 v59, v18;
	v18 =	vmul.f32 v23, v23;
	v22 =	vadd.f32 v21, v6  }
0x1c6: {  	v25 =	vmul.f32 v6, v6;
	v13 =	vadd.f32 v56, v19;
	v19 =	vmul.f32 v20, v20  }
0x1c7: {  	v8 =	vadd.f32 v26, v8;
	v22 =	vadd.f32 v61, v22  }
0x1c8: {  	v26 =	vperm.xlane v58, v51;
	v25 =	vadd.f32 v60, v25;
	v18 =	vadd.f32 v18, v19  }
0x1c9: {  	v19 =	vperm.xlane v24, v51;
	v13 =	vadd.f32 v16, v13;
	v33 =	vperm.xlane v22, v51  }
0x1ca: {  	v12 =	vadd.f32 v58, v26;
	v26 =	vperm.xlane v8, v51;
	v18 =	vadd.f32 v18, v25  }
0x1cb: {  	v19 =	vadd.f32 v24, v19;
	v24 =	vperm.xlane v13, v51;
	v16 =	vadd.f32 v22, v33  }
0x1cc: {  	v8 =	vadd.f32 v26, v8;
	v22 =	vperm.xlane v12, v1  }
0x1cd: {  	v25 =	vperm.xlane v18, v51;
	v13 =	vadd.f32 v24, v13;
	v24 =	vperm.xlane v16, v1  }
0x1ce: {  	v12 =	vadd.f32 v12, v22;
	v22 =	vperm.xlane v8, v1  }
0x1cf: {  	v18 =	vadd.f32 v25, v18;
	v25 =	vperm.xlane v13, v1;
	v16 =	vadd.f32 v16, v24  }
0x1d0: {  	v8 =	vadd.f32 v22, v8  }
0x1d1: {  	v22 =	vperm.xlane v18, v1;
	v13 =	vadd.f32 v25, v13;
	v25 =	vperm.xlane v16, v2;
	_ =	sdelay $0x1  }
0x1d2: {  	v18 =	vadd.f32 v22, v18;
	v22 =	vperm.xlane v13, v2;
	v16 =	vadd.f32 v16, v25;
	_ =	sdelay $0x1  }
0x1d3: {  	v13 =	vadd.f32 v22, v13;
	v22 =	vperm.xlane v16, v3;
	_ =	sdelay $0x1  }
0x1d4: {  	v34 =	vmul.f32 v49, v34;
	v16 =	vadd.f32 v16, v22;
	v22 =	vperm.xlane v13, v3;
	_ =	sdelay $0x1  }
0x1d5: {  	v13 =	vadd.f32 v22, v13;
	v22 =	vmul.f32 v34, v9  }
0x1d6: {  	v24 =	vperm.xlane v12, v2  }
0x1d7: {  	v26 =	vperm.xlane v19, v1;
	v5 =	vmul.f32 v22, v5;
	v22 =	vld [tilespmem:$0x1FF30]  }
0x1d8: {  	v12 =	vadd.f32 v12, v24  }
0x1d9: {  	v19 =	vadd.f32 v19, v26  }
0x1da: {  	v25 =	vperm.xlane v12, v3  }
0x1db: {  	v26 =	vperm.xlane v19, v2  }
0x1dc: {  	v24 =	vperm.xlane v8, v2;
	v12 =	vadd.f32 v12, v25;
	v25 =	vadd.f32 v22, v62;
	v22 =	vld [tilespmem:$0x1FF40]  }
0x1dd: {  	v19 =	vadd.f32 v19, v26  }
0x1de: {  	v8 =	vadd.f32 v24, v8;
	v24 =	vperm.xlane v18, v2  }
0x1df: {  	v26 =	vperm.xlane v19, v3  }
0x1e0: {  	v18 =	vadd.f32 v24, v18;
	v24 =	vperm.xlane v8, v3  }
0x1e1: {  	v19 =	vadd.f32 v19, v26;
	v26 =	vadd.f32 v22, v57;
	v22 =	vld [tilespmem:$0x1FF50]  }
0x1e2: {  	v12 =	vmul.f32 $1.562500000e-02, v12;
	v8 =	vadd.f32 v24, v8;
	v24 =	vperm.xlane v18, v3  }
0x1e3: {  	v46 =	vmul.f32 v46, v9;
	v19 =	vmul.f32 $1.562500000e-02, v19  }
0x1e4: {  	v18 =	vadd.f32 v24, v18;
	v24 =	vmul.f32 v12, v12;
	v8 =	vmul.f32 $1.562500000e-02, v8  }
0x1e5: {  	v37 =	vmul.f32 v19, v19;
	v58 =	vsub.f32 v36, v12;
	v50 =	vsub.f32 v41, v12  }
0x1e6: {  	v8 =	vsub.f32 v8, v24;
	v24 =	vmul.f32 $1.562500000e-02, v16;
	v47 =	vadd.f32 v22, v63;
	v22 =	vld [tilespmem:$0x1FF60]  }
0x1e7: {  	v0 =	vmovc v57;
	v31 =	vsub.f32 v48, v19;
	v48 =	vsub.f32 v7, v19;
	v13 =	vmul.f32 $1.562500000e-02, v13  }
0x1e8: {  	v61 =	vmul.f32 $1.562500000e-02, v18;
	v18 =	vadd.f32 v28, v0;
	v60 =	vmul.f32 v24, v24  }
0x1e9: {  	v16 =	vadd.f32 v4, v63;
	v33 =	vsub.f32 v13, v37;
	v8 =	vmax.f32 v8, $0.0e+00  }
0x1ea: {  	v46 =	vmul.f32 v46, v27;
	v8 =	vadd.f32 $9.999999960e-13, v8;
	v27 =	vsub.f32 v61, v60  }
0x1eb: {  	v60 =	vmax.f32 v33, $0.0e+00;
	[tilespmem:s15+$0x0] =	vst v25;
	v49 =	vadd.f32 v22, v54;
	v54 =	vmul.f32 v34, v10  }
0x1ec: {  	v27 =	vmax.f32 v27, $0.0e+00;
	v25 =	vadd.f32 $9.999999960e-13, v60;
	[tilespmem:s15+$0xFFFFFFD0] =	vst v26;
	v26 =	vshra.s32 v8, $0x1  }
0x1ed: {  	v28 =	vmul.f32 v54, v30;
	v54 =	vsub.f32 v29, v19;
	v30 =	vadd.f32 $9.999999960e-13, v27  }
0x1ee: {  	v27 =	vsub.s32 $0x5F3759DF, v26;
	v29 =	vshra.s32 v25, $0x1;
	v26 =	vmul.f32 $5.000000000e-01, v25  }
0x1ef: {  	v59 =	vadd.f32 v5, v62;
	v8 =	vmul.f32 $5.000000000e-01, v8;
	[tilespmem:s15+$0xFFFFFF10] =	vst v18;
	v29 =	vsub.s32 $0x5F3759DF, v29  }
0x1f0: {  	v41 =	vsub.f32 v17, v19;
	v4 =	vmul.f32 v34, v11;
	[tilespmem:s15+$0xFFFFFF20] =	vst v16;
	v63 =	vmul.f32 v29, v26  }
0x1f1: {  	s18 =	smul.u32 $0x6400, s13;
	v37 =	vsub.f32 v14, v12;
	v5 =	vmul.f32 v34, v55;
	[tilespmem:s17+$0x0] =	vst v59;
	v62 =	vmul.f32 v27, v8  }
0x1f2: {  	v36 =	vsub.f32 v6, v24;
	[tilespmem:s15+$0xFFFFFFE0] =	vst v47;
	v61 =	vshra.s32 v30, $0x1;
	v25 =	vmul.f32 $5.000000000e-01, v30  }
0x1f3: {  	s19 =	sadd.s32 $0x1900, s18;
	v57 =	vsub.f32 v15, v12;
	[tilespmem:s15+$0xFFFFFFF0] =	vst v49;
	v30 =	vsub.s32 $0x5F3759DF, v61;
	v34 =	vmul.f32 v27, v62  }
0x1f4: {  	s20 =	sadd.s32 $0xE100, s18;
	s22 =	simm.s32 $0x4;
	s23 =	simm.s32 $0x1AB80;
	v7 =	vmul.f32 v30, v25;
	v33 =	vmul.f32 v29, v63;
	v63 =	vmovc v3;
	v3 =	vmovc v2;
	v2 =	vmov v1  }
.LBB2_3:
0x1f5: {  	v49 =	vld [tilespmem:s23+$0x40]  }
0x1f6: {  	[tilespmem:$0x1FD50] =	vst v50;
	v50 =	vld [tilespmem:s23+$0x50]  }
0x1f7: {  	v0 =	vsub.f32 v21, v24;
	v60 =	vld [tilespmem:$0x1FFB0]  }
0x1f8: {  	[tilespmem:$0x1FD70] =	vst v37;
	v21 =	vld [tilespmem:$0x1FFC0]  }
0x1f9: {  	v37 =	vld [tilespmem:$0x1FF80];
	[tilespmem:$0x1FDF0] =	vst v0;
	v0 =	vsub.f32 v20, v24  }
0x1fa: {  	v20 =	vld [tilespmem:$0x1FFD0]  }
0x1fb: {  	v61 =	vld [tilespmem:$0x1FF90];
	v6 =	vmul.f32 v30, v7;
	[tilespmem:$0x1FE10] =	vst v0;
	v0 =	vsub.f32 v23, v24  }
0x1fc: {  	v7 =	vsub.f32 $1.500000000e+00, v34;
	v34 =	vmul.f32 v5, v45;
	v45 =	vld [tilespmem:s23+$0x60]  }
0x1fd: {  	v33 =	vsub.f32 $1.500000000e+00, v33;
	v5 =	vsub.f32 $1.500000000e+00, v6;
	[tilespmem:$0x1FE20] =	vst v0;
	v0 =	vld [tilespmem:$0x1FFE0]  }
0x1fe: {  	s16 =	sadd.s32 $0x100, s16;
	[tilespmem:$0x1FDE0] =	vst v36;
	v36 =	vmul.f32 v4, v43;
	v43 =	vld [tilespmem:s23+$0x70]  }
0x1ff: {  	[tilespmem:$0x1FDA0] =	vst v31;
	v31 =	vld [tilespmem:s16+$0xFFFFCDE0];
	v29 =	vmul.f32 v29, v33;
	v30 =	vmul.f32 v30, v5;
	v4 =	vadd.f32 v52, v20  }
0x200: {  	v62 =	vld [tilespmem:s16+$0xFFFFCDF0];
	v27 =	vmul.f32 v27, v7;
	v7 =	vadd.f32 v38, v60  }
0x201: {  	v13 =	vld [tilespmem:s16+$0xFFFFCE00];
	v24 =	vmul.f32 v29, v26;
	v26 =	vmul.f32 v30, v25;
	[tilespmem:s15+$0xFFFFFF30] =	vst v4;
	v4 =	vadd.f32 v39, v21  }
0x202: {  	v6 =	vld [tilespmem:s16+$0xFFFFCDD0];
	v8 =	vmul.f32 v27, v8;
	[tilespmem:s15+$0xFFFFFF50] =	vst v7;
	v5 =	vadd.f32 v53, v0  }
0x203: {  	v7 =	vmul.f32 v26, v30;
	v26 =	vld [tilespmem:$0x1FF70];
	[tilespmem:s15+$0xFFFFFF60] =	vst v4  }
0x204: {  	v35 =	vadd.f32 v35, v60;
	v8 =	vmul.f32 v8, v27;
	v4 =	vadd.f32 v31, v50;
	v31 =	vld [tilespmem:$0x1FFA0];
	[tilespmem:s15+$0xFFFFFF40] =	vst v5  }
0x205: {  	v14 =	vadd.f32 v42, v21;
	v34 =	vadd.f32 v34, v21;
	v24 =	vmul.f32 v24, v29;
	v9 =	vld [tilespmem:s23+$0xFFFFFF90]  }
0x206: {  	v15 =	vadd.f32 v44, v20;
	v8 =	vsub.f32 $1.500000000e+00, v8;
	v10 =	vld [tilespmem:s23+$0xFFFFFFA0]  }
0x207: {  	[tilespmem:$0x1FDB0] =	vst v48;
	v6 =	vadd.f32 v6, v49;
	v16 =	vsub.f32 $1.500000000e+00, v24;
	v1 =	vld [tilespmem:s23+$0xFFFFFFB0]  }
0x208: {  	v38 =	vmovc v58;
	[tilespmem:s15+$0xFFFFFF90] =	vst v35;
	v12 =	vadd.f32 v40, v0;
	v17 =	vsub.f32 $1.500000000e+00, v7;
	v8 =	vmul.f32 v8, v27;
	v7 =	vld [tilespmem:s16+$0xFFFFCD10]  }
0x209: {  	[tilespmem:s15+$0xFFFFFFA0] =	vst v14;
	v55 =	vmul.f32 v6, v6;
	v47 =	vadd.f32 v46, v0;
	v5 =	vadd.f32 v32, v20;
	v48 =	vld [tilespmem:s16+$0xFFFFCD20]  }
0x20a: {  	v42 =	vmul.f32 v16, v29;
	[tilespmem:s15+$0xFFFFFF80] =	vst v12;
	v29 =	vadd.f32 v4, v6;
	v52 =	vld [tilespmem:s16+$0xFFFFCD30];
	v11 =	vmul.f32 v8, v26  }
0x20b: {  	v58 =	vmul.f32 v17, v30;
	v53 =	vld [tilespmem:s16+$0xFFFFCD40];
	[tilespmem:s15+$0xFFFFFF70] =	vst v5;
	v5 =	vadd.f32 v62, v45;
	v62 =	vadd.f32 v13, v43  }
0x20c: {  	v56 =	vmul.f32 v4, v4;
	v13 =	vadd.f32 v28, v60;
	[tilespmem:$0x1FD30] =	vst v11;
	v0 =	vld [tilespmem:s23+$0xFFFFFFC0];
	v11 =	vmul.f32 v8, v37  }
0x20d: {  	[tilespmem:s17+$0xFFFFFFE0] =	vst v34;
	v28 =	vld [tilespmem:s23+$0xFFFFFFD0];
	v30 =	vadd.f32 v62, v5;
	v59 =	vmul.f32 v5, v5;
	v12 =	vmul.f32 v62, v62  }
0x20e: {  	v40 =	vadd.f32 v56, v55;
	v17 =	vld [tilespmem:s16+$0xFFFFCD60];
	[tilespmem:$0x1FD40] =	vst v11;
	v11 =	vmul.f32 v8, v61;
	v8 =	vmul.f32 v8, v31  }
0x20f: {  	[tilespmem:s15+$0xFFFFFFC0] =	vst v47;
	v47 =	vadd.f32 v30, v29;
	v29 =	vld [tilespmem:s23+$0xFFFFFFE0];
	v14 =	vadd.f32 v12, v59  }
0x210: {  	v30 =	vld [tilespmem:s23+$0xFFFFFFF0];
	[tilespmem:$0x1FD80] =	vst v8;
	v8 =	vmul.f32 v42, v26  }
0x211: {  	v36 =	vadd.f32 v36, v20;
	[tilespmem:s15+$0xFFFFFFB0] =	vst v15;
	v59 =	vld [tilespmem:s16+$0xFFFFCD70];
	v40 =	vadd.f32 v14, v40;
	v15 =	vperm.xlane v47, v51  }
0x212: {  	v25 =	vadd.f32 v52, v10;
	v24 =	vadd.f32 v53, v1;
	[tilespmem:$0x1FD90] =	vst v8;
	v8 =	vld [tilespmem:s16+$0xFFFFCD50]  }
0x213: {  	[tilespmem:s17+$0xFFFFFFF0] =	vst v36;
	v35 =	vmov v54;
	v14 =	vld [tilespmem:s16+$0xFFFFCD80];
	v47 =	vadd.f32 v47, v15;
	v12 =	vperm.xlane v40, v51  }
0x214: {  	v33 =	vld [tilespmem:s23+$0x0];
	[tilespmem:s17+$0xFFFFFFD0] =	vst v13;
	v23 =	vadd.f32 v48, v9;
	v16 =	vmul.f32 v25, v25;
	v13 =	vmul.f32 v24, v24  }
0x215: {  	v34 =	vld [tilespmem:s23+$0x10];
	[tilespmem:$0x1FE30] =	vst v10;
	v10 =	vadd.f32 v24, v25;
	v15 =	vperm.xlane v47, v2;
	v48 =	vadd.f32 v12, v40  }
0x216: {  	v39 =	vmul.f32 v42, v37;
	v36 =	vld [tilespmem:s23+$0x20];
	[tilespmem:$0x1FD60] =	vst v11;
	v54 =	vadd.f32 v17, v28;
	v11 =	vadd.f32 v13, v16  }
0x217: {  	[tilespmem:$0x1FDC0] =	vst v41;
	v41 =	vld [tilespmem:s23+$0x30];
	v55 =	vadd.f32 v8, v0;
	v8 =	vadd.f32 v47, v15;
	v16 =	vperm.xlane v48, v2  }
0x218: {  	v46 =	vmul.f32 v58, v37;
	v53 =	vld [tilespmem:s16+$0xFFFFCD90];
	v52 =	vadd.f32 v59, v29;
	v51 =	vadd.f32 v14, v30  }
0x219: {  	v44 =	vmul.f32 v54, v54;
	v56 =	vperm.xlane v8, v3;
	v47 =	vadd.f32 v16, v48;
	v48 =	vld [tilespmem:s23+$0xFFFFFF80]  }
0x21a: {  	v32 =	vmovc v57;
	v12 =	vld [tilespmem:s16+$0xFFFFCDA0];
	v13 =	vadd.f32 v51, v52;
	v17 =	vmul.f32 v55, v55;
	v57 =	vadd.f32 v54, v55  }
0x21b: {  	v59 =	vmul.f32 v52, v52;
	v14 =	vld [tilespmem:s16+$0xFFFFCDB0];
	v16 =	vmul.f32 v51, v51;
	v8 =	vadd.f32 v8, v56  }
0x21c: {  	v56 =	vperm.xlane v47, v3;
	v15 =	vadd.f32 v44, v17;
	v17 =	vld [tilespmem:s16+$0xFFFFCDC0];
	v13 =	vadd.f32 v13, v57  }
0x21d: {  	[tilespmem:$0x1FE50] =	vst v0;
	v0 =	vmul.f32 v42, v31;
	v16 =	vadd.f32 v16, v59;
	v59 =	vadd.f32 v53, v33  }
0x21e: {  	v18 =	vperm.xlane v8, v63;
	v47 =	vadd.f32 v56, v47;
	v7 =	vadd.f32 v7, v48  }
0x21f: {  	[tilespmem:$0x1FE00] =	vst v9;
	v9 =	vmul.f32 v23, v23;
	v57 =	vadd.f32 v12, v34;
	v15 =	vadd.f32 v16, v15  }
0x220: {  	[tilespmem:$0x1FDD0] =	vst v0;
	v8 =	vadd.f32 v8, v18;
	v12 =	vperm.xlane v47, v63;
	v0 =	vmul.f32 v7, v7  }
0x221: {  	v56 =	vadd.f32 v14, v36;
	v14 =	vmul.f32 v59, v59;
	v53 =	vadd.f32 v17, v41  }
0x222: {  	v17 =	vmul.f32 $1.562500000e-02, v8;
	v8 =	vadd.f32 v12, v47;
	v0 =	vadd.f32 v9, v0  }
0x223: {  	[tilespmem:$0x1FE40] =	vst v1;
	v1 =	vmul.f32 v56, v56;
	v22 =	vadd.f32 v23, v7;
	v16 =	vmul.f32 v53, v53;
	v9 =	vld [tilespmem:$0x1FFF0]  }
0x224: {  	v8 =	vmul.f32 $1.562500000e-02, v8;
	v19 =	vmul.f32 v17, v17;
	v0 =	vadd.f32 v11, v0;
	v11 =	vld [tilespmem:$0x1FFF0]  }
0x225: {  	v18 =	vmul.f32 v57, v57;
	v12 =	vadd.f32 v57, v59;
	v1 =	vadd.f32 v16, v1;
	v16 =	vld [tilespmem:$0x1FFF0]  }
0x226: {  	v27 =	vmul.f32 v58, v31;
	v47 =	vadd.f32 v53, v56;
	v8 =	vsub.f32 v8, v19  }
0x227: {  	v40 =	vmul.f32 v42, v61;
	v14 =	vadd.f32 v18, v14;
	v18 =	vld [tilespmem:$0x1FFF0];
	v10 =	vadd.f32 v10, v22  }
0x228: {  	v12 =	vadd.f32 v47, v12;
	v47 =	vld [tilespmem:$0x1FFF0];
	v9 =	vperm.xlane v13, v9;
	v8 =	vmax.f32 v8, $0.0e+00  }
0x229: {  	v42 =	vmul.f32 v58, v26;
	v8 =	vadd.f32 $9.999999960e-13, v8;
	v11 =	vperm.xlane v10, v11  }
0x22a: {  	v6 =	vsub.f32 v6, v17;
	v9 =	vadd.f32 v13, v9;
	v13 =	vperm.xlane v12, v16  }
0x22b: {  	v16 =	vld [tilespmem:$0x1FFF0];
	v10 =	vadd.f32 v10, v11;
	v11 =	vshra.s32 v8, $0x1;
	v8 =	vmul.f32 $5.000000000e-01, v8  }
0x22c: {  	v1 =	vadd.f32 v1, v14;
	v18 =	vperm.xlane v15, v18;
	v11 =	vsub.s32 $0x5F3759DF, v11  }
0x22d: {  	v14 =	vperm.xlane v0, v47;
	v12 =	vadd.f32 v12, v13;
	v19 =	vmul.f32 v11, v8  }
0x22e: {  	v15 =	vadd.f32 v18, v15;
	v47 =	vperm.xlane v9, v2;
	v22 =	vperm.xlane v10, v2  }
0x22f: {  	v0 =	vadd.f32 v14, v0;
	v18 =	vperm.xlane v12, v2;
	v19 =	vmul.f32 v11, v19  }
0x230: {  	v9 =	vadd.f32 v9, v47;
	v13 =	vperm.xlane v1, v16;
	v10 =	vadd.f32 v10, v22  }
0x231: {  	v22 =	vperm.xlane v0, v2;
	v12 =	vadd.f32 v12, v18;
	v47 =	vsub.f32 $1.500000000e+00, v19  }
0x232: {  	v1 =	vadd.f32 v13, v1;
	v13 =	vperm.xlane v15, v2;
	v19 =	vperm.xlane v10, v3  }
0x233: {  	v0 =	vadd.f32 v22, v0;
	v22 =	vperm.xlane v9, v3;
	v11 =	vmul.f32 v11, v47  }
0x234: {  	v4 =	vsub.f32 v4, v17;
	v14 =	vperm.xlane v12, v3;
	v18 =	vperm.xlane v1, v2  }
0x235: {  	v13 =	vadd.f32 v13, v15;
	v10 =	vadd.f32 v10, v19;
	v8 =	vmul.f32 v11, v8  }
0x236: {  	v47 =	vperm.xlane v0, v3;
	v9 =	vadd.f32 v9, v22;
	v12 =	vadd.f32 v12, v14  }
0x237: {  	v1 =	vadd.f32 v18, v1;
	v18 =	vperm.xlane v13, v3;
	v8 =	vmul.f32 v8, v11  }
0x238: {  	v0 =	vadd.f32 v47, v0;
	v47 =	vperm.xlane v10, v63;
	v19 =	vperm.xlane v9, v63  }
0x239: {  	v14 =	vperm.xlane v1, v3;
	v13 =	vadd.f32 v18, v13;
	v8 =	vsub.f32 $1.500000000e+00, v8  }
0x23a: {  	v18 =	vperm.xlane v12, v63;
	v10 =	vadd.f32 v10, v47;
	v9 =	vadd.f32 v9, v19  }
0x23b: {  	v1 =	vadd.f32 v14, v1;
	v14 =	vperm.xlane v0, v63;
	v11 =	vmul.f32 v8, v11  }
0x23c: {  	v5 =	vsub.f32 v5, v17;
	v47 =	vperm.xlane v13, v63;
	v10 =	vmul.f32 $1.562500000e-02, v10  }
0x23d: {  	v0 =	vadd.f32 v14, v0;
	v8 =	vmul.f32 $1.562500000e-02, v9;
	v9 =	vmul.f32 v11, v26  }
0x23e: {  	v14 =	vperm.xlane v1, v63;
	v13 =	vadd.f32 v47, v13;
	v47 =	vmul.f32 v11, v37  }
0x23f: {  	v16 =	vld [tilespmem:$0x1FFE0];
	v12 =	vadd.f32 v12, v18;
	v6 =	vmul.f32 v9, v6;
	v9 =	vmul.f32 v11, v61  }
0x240: {  	v4 =	vmul.f32 v47, v4;
	v47 =	vsub.f32 v62, v17;
	v11 =	vmul.f32 v11, v31  }
0x241: {  	v1 =	vadd.f32 v14, v1;
	v6 =	vadd.f32 v6, v60;
	v5 =	vmul.f32 v9, v5  }
0x242: {  	s15 =	smov.u32 s17;
	s17 =	sadd.s32 $0x100, s17;
	v0 =	vmul.f32 $1.562500000e-02, v0;
	v4 =	vadd.f32 v4, v21;
	v9 =	vmul.f32 v11, v47  }
0x243: {  	v62 =	vmul.f32 $1.562500000e-02, v12;
	v11 =	vmul.f32 v10, v10;
	[tilespmem:s17+$0xFFFFCDD0] =	vst v6;
	v5 =	vadd.f32 v5, v20  }
0x244: {  	v1 =	vmul.f32 $1.562500000e-02, v1;
	v47 =	vmul.f32 v8, v8;
	[tilespmem:s17+$0xFFFFCDE0] =	vst v4;
	v4 =	vadd.f32 v9, v16  }
0x245: {  	v6 =	vmul.f32 $1.562500000e-02, v13;
	v0 =	vsub.f32 v0, v11;
	v9 =	vmul.f32 v62, v62;
	[tilespmem:s17+$0xFFFFCDF0] =	vst v5  }
0x246: {  	v44 =	vmul.f32 v58, v61;
	v7 =	vsub.f32 v7, v10;
	v58 =	vsub.f32 v25, v10;
	[tilespmem:s17+$0xFFFFCE00] =	vst v4  }
0x247: {  	v6 =	vsub.f32 v6, v47;
	v0 =	vmax.f32 v0, $0.0e+00;
	v1 =	vsub.f32 v1, v9;
	v4 =	vld [tilespmem:s16+$0xFFFFFFD0]  }
0x248: {  	v5 =	vsub.f32 v23, v10;
	v0 =	vadd.f32 $9.999999960e-13, v0;
	v9 =	vld [tilespmem:s16+$0xFFFFFFE0]  }
0x249: {  	v23 =	vsub.f32 v24, v10;
	v10 =	vld [tilespmem:s16+$0xFFFFFFF0];
	v6 =	vmax.f32 v6, $0.0e+00;
	v1 =	vmax.f32 v1, $0.0e+00  }
0x24a: {  	v12 =	vld [tilespmem:s16+$0x0];
	v6 =	vadd.f32 $9.999999960e-13, v6;
	v11 =	vshra.s32 v0, $0x1;
	v1 =	vadd.f32 $9.999999960e-13, v1  }
0x24b: {  	v0 =	vmul.f32 $5.000000000e-01, v0;
	v11 =	vsub.s32 $0x5F3759DF, v11  }
0x24c: {  	v47 =	vshra.s32 v6, $0x1;
	v14 =	vmul.f32 $5.000000000e-01, v6;
	v6 =	vshra.s32 v1, $0x1  }
0x24d: {  	v1 =	vmul.f32 $5.000000000e-01, v1;
	v15 =	vmul.f32 v11, v0;
	v13 =	vsub.s32 $0x5F3759DF, v47  }
0x24e: {  	v18 =	vsub.s32 $0x5F3759DF, v6;
	v47 =	vadd.f32 v4, v49;
	v50 =	vadd.f32 v9, v50  }
0x24f: {  	v6 =	vadd.f32 v10, v45;
	v4 =	vadd.f32 v12, v43;
	v19 =	vmul.f32 v18, v1  }
0x250: {  	v9 =	vmul.f32 v11, v15;
	v22 =	vmul.f32 v50, v50  }
0x251: {  	v43 =	vmul.f32 v6, v6;
	v45 =	vmul.f32 v4, v4  }
0x252: {  	v12 =	vmul.f32 v18, v19;
	v19 =	vmul.f32 v47, v47;
	v9 =	vsub.f32 $1.500000000e+00, v9;
	_ =	sdelay $0x1  }
0x253: {  	v9 =	vmul.f32 v11, v9;
	v11 =	vadd.f32 v22, v19;
	v19 =	vadd.f32 v45, v43;
	_ =	sdelay $0x1  }
0x254: {  	v17 =	vmul.f32 v13, v14;
	v12 =	vsub.f32 $1.500000000e+00, v12;
	v11 =	vadd.f32 v19, v11;
	v19 =	vld [tilespmem:$0x1FFF0]  }
0x255: {  	v15 =	vadd.f32 v50, v47;
	v49 =	vadd.f32 v4, v6  }
0x256: {  	v10 =	vmul.f32 v13, v17;
	v12 =	vmul.f32 v18, v12;
	v18 =	vld [tilespmem:$0x1FFF0]  }
0x257: {  	v15 =	vadd.f32 v49, v15  }
0x258: {  	v10 =	vsub.f32 $1.500000000e+00, v10  }
0x259: {  	v0 =	vmul.f32 v9, v0;
	v19 =	vperm.xlane v15, v19  }
0x25a: {  	v10 =	vmul.f32 v13, v10  }
0x25b: {  	v49 =	vld [tilespmem:$0x1FD30];
	v0 =	vmul.f32 v0, v9;
	v18 =	vperm.xlane v11, v18;
	v15 =	vadd.f32 v15, v19  }
0x25c: {  	v53 =	vsub.f32 v53, v62;
	v14 =	vmul.f32 v10, v14  }
0x25d: {  	v0 =	vsub.f32 $1.500000000e+00, v0;
	v11 =	vadd.f32 v18, v11;
	v22 =	vperm.xlane v15, v2  }
0x25e: {  	v13 =	vsub.f32 v55, v8;
	v1 =	vmul.f32 v12, v1;
	v14 =	vmul.f32 v14, v10  }
0x25f: {  	v0 =	vmul.f32 v0, v9;
	v55 =	vperm.xlane v11, v2;
	v9 =	vadd.f32 v15, v22  }
0x260: {  	v17 =	vmul.f32 v49, v38;
	v38 =	vsub.f32 v54, v8;
	v1 =	vmul.f32 v1, v12  }
0x261: {  	v14 =	vsub.f32 $1.500000000e+00, v14;
	v11 =	vadd.f32 v55, v11;
	v22 =	vperm.xlane v9, v3  }
0x262: {  	v1 =	vsub.f32 $1.500000000e+00, v1;
	v19 =	vsub.f32 v52, v8  }
0x263: {  	v8 =	vsub.f32 v51, v8;
	v9 =	vadd.f32 v9, v22;
	v22 =	vperm.xlane v11, v3  }
0x264: {  	v51 =	vsub.f32 v56, v62;
	v18 =	vmul.f32 v0, v26;
	v1 =	vmul.f32 v1, v12  }
0x265: {  	v12 =	vsub.f32 v57, v62;
	v57 =	vperm.xlane v9, v63;
	v11 =	vadd.f32 v22, v11  }
0x266: {  	v10 =	vmul.f32 v14, v10;
	v14 =	vsub.f32 v59, v62;
	v7 =	vmul.f32 v18, v7  }
0x267: {  	v15 =	vmul.f32 v0, v37;
	v9 =	vadd.f32 v9, v57;
	v62 =	vperm.xlane v11, v63  }
0x268: {  	v7 =	vadd.f32 v7, v60  }
0x269: {  	v22 =	vmul.f32 $1.562500000e-02, v9;
	v9 =	vadd.f32 v62, v11;
	v11 =	vmul.f32 v15, v5;
	_ =	sdelay $0x1  }
0x26a: {  	v52 =	vmul.f32 v10, v37;
	[tilespmem:s17+$0xFFFFCD10] =	vst v7;
	v57 =	vmul.f32 v1, v61;
	v7 =	vadd.f32 v11, v21  }
0x26b: {  	v43 =	vmul.f32 v0, v61;
	v5 =	vld [tilespmem:$0x1FD50]  }
0x26c: {  	v18 =	vmul.f32 v52, v38;
	[tilespmem:s17+$0xFFFFCD20] =	vst v7;
	v7 =	vmul.f32 v57, v51;
	v57 =	vld [tilespmem:$0x1FD60];
	_ =	sdelay $0x1  }
0x26d: {  	v49 =	vsub.f32 v47, v22;
	v47 =	vmul.f32 v43, v58;
	v43 =	vadd.f32 v18, v21;
	_ =	sdelay $0x1  }
0x26e: {  	[tilespmem:s17+$0xFFFFCD60] =	vst v43;
	v43 =	vsub.f32 v6, v22;
	v6 =	vld [tilespmem:$0x1FD80]  }
0x26f: {  	v52 =	vmul.f32 v57, v5;
	v5 =	vld [tilespmem:$0x1FD70]  }
0x270: {  	v56 =	vmul.f32 v1, v37  }
0x271: {  	v9 =	vmul.f32 $1.562500000e-02, v9;
	v62 =	vmul.f32 v22, v22  }
0x272: {  	v55 =	vmul.f32 v1, v26;
	v1 =	vmul.f32 v1, v31  }
0x273: {  	v9 =	vsub.f32 v9, v62  }
0x274: {  	v1 =	vmul.f32 v1, v53;
	v53 =	vmul.f32 v6, v5;
	v5 =	vld [tilespmem:$0x1FD90]  }
0x275: {  	v9 =	vmax.f32 v9, $0.0e+00  }
0x276: {  	v9 =	vadd.f32 $9.999999960e-13, v9  }
0x277: {  	v17 =	vadd.f32 v17, v60  }
0x278: {  	v38 =	vshra.s32 v9, $0x1  }
0x279: {  	[tilespmem:s15+$0xFFFFFF10] =	vst v17;
	v17 =	vsub.s32 $0x5F3759DF, v38;
	v38 =	vmul.f32 v5, v35;
	v5 =	vld [tilespmem:$0x1FDA0];
	_ =	sdelay $0x2  }
0x27a: {  	v54 =	vmul.f32 v10, v61  }
0x27b: {  	v62 =	vld [tilespmem:$0x1FD40]  }
0x27c: {  	v11 =	vmul.f32 v54, v19;
	v39 =	vmul.f32 v39, v5;
	v5 =	vld [tilespmem:$0x1FDB0];
	_ =	sdelay $0x1  }
0x27d: {  	v0 =	vmul.f32 v0, v31;
	v11 =	vadd.f32 v11, v20  }
0x27e: {  	v45 =	vmul.f32 v10, v26  }
0x27f: {  	v10 =	vmul.f32 v10, v31;
	v0 =	vmul.f32 v0, v23;
	[tilespmem:s17+$0xFFFFCD70] =	vst v11;
	v11 =	vld [tilespmem:$0x1FDD0]  }
0x280: {  	v15 =	vmul.f32 v62, v32;
	v32 =	vmul.f32 v40, v5;
	v5 =	vld [tilespmem:$0x1FDC0];
	_ =	sdelay $0x1  }
0x281: {  	v8 =	vmul.f32 v10, v8;
	v0 =	vadd.f32 v0, v16  }
0x282: {  	v10 =	vmul.f32 v55, v14;
	v9 =	vmul.f32 $5.000000000e-01, v9  }
0x283: {  	[tilespmem:s17+$0xFFFFCD40] =	vst v0;
	v0 =	vadd.f32 v8, v16  }
0x284: {  	v8 =	vadd.f32 v10, v60;
	v10 =	vmul.f32 v17, v9;
	v40 =	vmul.f32 v11, v5;
	v5 =	vld [tilespmem:$0x1FDE0];
	_ =	sdelay $0x1  }
0x285: {  	v10 =	vmul.f32 v17, v10;
	_ =	sdelay $0x1  }
0x286: {  	[tilespmem:s17+$0xFFFFCD80] =	vst v0;
	v58 =	vadd.f32 v47, v20;
	v0 =	vsub.f32 $1.500000000e+00, v10  }
0x287: {  	v35 =	vmul.f32 v42, v5;
	v5 =	vld [tilespmem:$0x1FDF0]  }
0x288: {  	v1 =	vadd.f32 v1, v16;
	[tilespmem:s17+$0xFFFFCD30] =	vst v58;
	v0 =	vmul.f32 v17, v0  }
0x289: {  	v13 =	vmul.f32 v45, v13;
	v6 =	vld [tilespmem:s16+$0xFFFFFF40]  }
0x28a: {  	[tilespmem:s17+$0xFFFFCDC0] =	vst v1;
	v1 =	vmul.f32 v0, v9;
	v9 =	vld [tilespmem:$0x1FE40]  }
0x28b: {  	v13 =	vadd.f32 v13, v60;
	v19 =	vld [tilespmem:s16+$0xFFFFFF20]  }
0x28c: {  	v42 =	vmul.f32 v46, v5;
	v5 =	vld [tilespmem:$0x1FE00]  }
0x28d: {  	[tilespmem:s17+$0xFFFFCD50] =	vst v13;
	v18 =	vld [tilespmem:s16+$0xFFFFFF10]  }
0x28e: {  	v12 =	vmul.f32 v56, v12;
	v10 =	vld [tilespmem:s16+$0xFFFFFF50]  }
0x28f: {  	[tilespmem:s17+$0xFFFFCD90] =	vst v8;
	v8 =	vadd.f32 v15, v21;
	v15 =	vadd.f32 v6, v9;
	v6 =	vld [tilespmem:$0x1FE50]  }
0x290: {  	v56 =	vadd.f32 v12, v21;
	v60 =	vld [tilespmem:s16+$0xFFFFFF70]  }
0x291: {  	v7 =	vadd.f32 v7, v20;
	v13 =	vadd.f32 v19, v5;
	v5 =	vld [tilespmem:$0x1FE10]  }
0x292: {  	[tilespmem:s17+$0xFFFFCDA0] =	vst v56;
	v11 =	vld [tilespmem:s16+$0xFFFFFF60]  }
0x293: {  	[tilespmem:s17+$0xFFFFCDB0] =	vst v7;
	v7 =	vld [tilespmem:s16+$0xFFFFFF80];
	v1 =	vmul.f32 v1, v0  }
0x294: {  	v12 =	vadd.f32 v18, v48;
	v18 =	vadd.f32 v10, v6;
	v10 =	vld [tilespmem:s16+$0xFFFFFFA0]  }
0x295: {  	v23 =	vld [tilespmem:s16+$0xFFFFFFC0];
	v1 =	vsub.f32 $1.500000000e+00, v1  }
0x296: {  	v44 =	vmul.f32 v44, v5;
	v5 =	vld [tilespmem:$0x1FE20]  }
0x297: {  	v0 =	vmul.f32 v1, v0;
	v25 =	vadd.f32 v11, v28;
	v11 =	vld [tilespmem:s16+$0xFFFFFFB0]  }
0x298: {  	v4 =	vsub.f32 v4, v22;
	v17 =	vadd.f32 v7, v30  }
0x299: {  	v58 =	vld [tilespmem:s16+$0xFFFFFF30];
	v6 =	vadd.f32 v60, v29;
	v21 =	vadd.f32 v10, v34;
	v10 =	vmul.f32 v0, v31  }
0x29a: {  	v45 =	vsub.f32 v50, v22;
	v23 =	vadd.f32 v23, v41;
	v19 =	vld [tilespmem:s16+$0xFFFFFF90]  }
0x29b: {  	v1 =	vadd.f32 v17, v6;
	v4 =	vmul.f32 v10, v4;
	v46 =	vmul.f32 v27, v5;
	v5 =	vld [tilespmem:$0x1FE30]  }
0x29c: {  	v47 =	vmovc v16;
	v50 =	vmul.f32 v23, v23;
	v7 =	vadd.f32 v25, v18;
	v20 =	vadd.f32 v11, v36  }
0x29d: {  	v59 =	vmovc v26;
	v30 =	vmul.f32 v17, v17;
	v26 =	vmul.f32 v15, v15;
	v4 =	vadd.f32 v4, v47  }
0x29e: {  	v29 =	vmul.f32 v6, v6;
	v1 =	vadd.f32 v1, v7;
	v48 =	vmul.f32 v20, v20  }
0x29f: {  	[tilespmem:s17+$0x0] =	vst v4;
	v4 =	vmul.f32 v0, v61;
	v10 =	vadd.f32 v23, v20;
	v19 =	vadd.f32 v19, v33  }
0x2a0: {  	v28 =	vmul.f32 v25, v25;
	v55 =	vadd.f32 v50, v48;
	v14 =	vadd.f32 v58, v5  }
0x2a1: {  	v51 =	vld [tilespmem:$0x1FFF0];
	v7 =	vmul.f32 v0, v59;
	v9 =	vadd.f32 v13, v12;
	v11 =	vadd.f32 v21, v19  }
0x2a2: {  	v62 =	vmul.f32 v13, v13;
	v5 =	vmul.f32 v12, v12;
	v24 =	vadd.f32 v15, v14  }
0x2a3: {  	[tilespmem:s15+$0xFFFFFF20] =	vst v8;
	v22 =	vmul.f32 v19, v19;
	v10 =	vadd.f32 v10, v11;
	v8 =	vmul.f32 v14, v14  }
0x2a4: {  	v27 =	vmul.f32 v18, v18;
	v16 =	vadd.f32 v62, v5;
	v9 =	vadd.f32 v24, v9  }
0x2a5: {  	v5 =	vmul.f32 v0, v37;
	v24 =	vmul.f32 v21, v21;
	v8 =	vadd.f32 v26, v8  }
0x2a6: {  	v26 =	vadd.f32 v28, v27;
	v27 =	vadd.f32 v30, v29;
	v54 =	vperm.xlane v9, v51  }
0x2a7: {  	v28 =	vperm.xlane v1, v51;
	v11 =	vadd.f32 v24, v22;
	v8 =	vadd.f32 v8, v16  }
0x2a8: {  	v22 =	vperm.xlane v10, v51;
	v0 =	vadd.f32 v9, v54;
	v9 =	vadd.f32 v27, v26  }
0x2a9: {  	v1 =	vadd.f32 v1, v28;
	v24 =	vperm.xlane v8, v51;
	v11 =	vadd.f32 v55, v11  }
0x2aa: {  	v10 =	vadd.f32 v10, v22;
	v56 =	vperm.xlane v0, v2;
	v26 =	vperm.xlane v9, v51  }
0x2ab: {  	v22 =	vperm.xlane v1, v2;
	v8 =	vadd.f32 v24, v8;
	v24 =	vperm.xlane v11, v51  }
0x2ac: {  	v57 =	vperm.xlane v10, v2;
	v0 =	vadd.f32 v0, v56;
	v9 =	vadd.f32 v26, v9  }
0x2ad: {  	v1 =	vadd.f32 v1, v22;
	v26 =	vperm.xlane v8, v2;
	v11 =	vadd.f32 v24, v11  }
0x2ae: {  	v10 =	vadd.f32 v10, v57;
	v22 =	vperm.xlane v0, v3;
	v24 =	vperm.xlane v9, v2  }
0x2af: {  	v58 =	vperm.xlane v1, v3;
	v8 =	vadd.f32 v26, v8;
	v26 =	vperm.xlane v11, v2  }
0x2b0: {  	v0 =	vadd.f32 v0, v22;
	v9 =	vadd.f32 v24, v9;
	v22 =	vperm.xlane v10, v3  }
0x2b1: {  	v1 =	vadd.f32 v1, v58;
	v24 =	vperm.xlane v8, v3;
	v11 =	vadd.f32 v26, v11  }
0x2b2: {  	v59 =	vperm.xlane v0, v63;
	v26 =	vperm.xlane v9, v3;
	v10 =	vadd.f32 v10, v22  }
0x2b3: {  	v8 =	vadd.f32 v24, v8;
	v22 =	vperm.xlane v1, v63;
	v24 =	vperm.xlane v11, v3  }
0x2b4: {  	v0 =	vadd.f32 v0, v59;
	v9 =	vadd.f32 v26, v9;
	v60 =	vperm.xlane v10, v63  }
0x2b5: {  	v26 =	vperm.xlane v8, v63;
	v1 =	vadd.f32 v1, v22;
	v11 =	vadd.f32 v24, v11  }
0x2b6: {  	v0 =	vmul.f32 $1.562500000e-02, v0;
	v22 =	vperm.xlane v9, v63;
	v10 =	vadd.f32 v10, v60  }
0x2b7: {  	v8 =	vadd.f32 v26, v8;
	v1 =	vmul.f32 $1.562500000e-02, v1;
	v61 =	vperm.xlane v11, v63  }
0x2b8: {  	v26 =	vmul.f32 v0, v0;
	v9 =	vadd.f32 v22, v9;
	v24 =	vmul.f32 $1.562500000e-02, v10  }
0x2b9: {  	v8 =	vmul.f32 $1.562500000e-02, v8;
	v10 =	vmul.f32 v1, v1;
	v11 =	vadd.f32 v61, v11  }
0x2ba: {  	v58 =	vsub.f32 v12, v0;
	v57 =	vsub.f32 v13, v0;
	v9 =	vmul.f32 $1.562500000e-02, v9  }
0x2bb: {  	v62 =	vmul.f32 v24, v24;
	v8 =	vsub.f32 v8, v26;
	v11 =	vmul.f32 $1.562500000e-02, v11  }
0x2bc: {  	v28 =	vmul.f32 v7, v49;
	v50 =	vsub.f32 v14, v0;
	v9 =	vsub.f32 v9, v10  }
0x2bd: {  	v37 =	vsub.f32 v15, v0;
	v7 =	vmax.f32 v8, $0.0e+00;
	v0 =	vsub.f32 v11, v62  }
0x2be: {  	v54 =	vsub.f32 v18, v1;
	v7 =	vadd.f32 $9.999999960e-13, v7;
	v8 =	vmax.f32 v9, $0.0e+00  }
0x2bf: {  	s22 =	sadd.s32 $0x4, s22;
	v31 =	vsub.f32 v25, v1;
	v0 =	vmax.f32 v0, $0.0e+00;
	v9 =	vadd.f32 $9.999999960e-13, v8  }
0x2c0: {  	p1 =	slt.u32 s22, $0xC4;
	v10 =	vshra.s32 v7, $0x1;
	v8 =	vmul.f32 $5.000000000e-01, v7;
	v0 =	vadd.f32 $9.999999960e-13, v0  }
.Ltmp0:
0x2c1: {  	v27 =	vsub.s32 $0x5F3759DF, v10;
	v7 =	vshra.s32 v9, $0x1;
	v26 =	vmul.f32 $5.000000000e-01, v9;
	(pc) =	sbr.rel @p1 .LBB2_3-.Ltmp0, $4  }
0x2c2: {  	v25 =	vmul.f32 $5.000000000e-01, v0;
	v29 =	vsub.s32 $0x5F3759DF, v7;
	v7 =	vshra.s32 v0, $0x1  }
0x2c3: {  	v0 =	vmul.f32 v27, v8;
	v9 =	vmul.f32 v29, v26;
	v30 =	vsub.s32 $0x5F3759DF, v7  }
0x2c4: {  	v48 =	vsub.f32 v6, v1;
	v41 =	vsub.f32 v17, v1;
	v7 =	vmul.f32 v30, v25  }
0x2c5: {  	s23 =	sadd.s32 $0x100, s23;
	v36 =	vsub.f32 v19, v24;
	v34 =	vmul.f32 v27, v0;
	v33 =	vmul.f32 v29, v9  }
0x2c6: {  	_ = 	snop  }
0x2c7: {  	v19 =	vsub.f32 $1.500000000e+00, v33;
	v33 =	vld [tilespmem:$0x1FFD0];
	_ =	sdelay $0x3  }
0x2c8: {  	v22 =	vld [tilespmem:$0x1FFE0]  }
0x2c9: {  	v18 =	vld [tilespmem:$0x1FFB0];
	v9 =	vadd.f32 v52, v33;
	_ =	sdelay $0x1  }
0x2ca: {  	[tilespmem:s15+$0xFFFFFF30] =	vst v9  }
0x2cb: {  	v1 =	vmul.f32 v30, v7;
	v7 =	vmul.f32 v29, v19;
	v19 =	vld [tilespmem:$0x1FFC0]  }
0x2cc: {  	v10 =	vadd.f32 v53, v22  }
0x2cd: {  	v12 =	vadd.f32 v38, v18  }
0x2ce: {  	v0 =	vsub.f32 $1.500000000e+00, v34;
	v14 =	vadd.f32 v32, v33;
	[tilespmem:s15+$0xFFFFFF40] =	vst v10  }
0x2cf: {  	v15 =	vadd.f32 v35, v18;
	[tilespmem:s15+$0xFFFFFF50] =	vst v12  }
0x2d0: {  	v0 =	vmul.f32 v27, v0;
	[tilespmem:s15+$0xFFFFFF70] =	vst v14;
	v13 =	vadd.f32 v39, v19  }
0x2d1: {  	v1 =	vsub.f32 $1.500000000e+00, v1;
	[tilespmem:s15+$0xFFFFFF90] =	vst v15;
	v39 =	vadd.f32 v40, v22  }
0x2d2: {  	v8 =	vmul.f32 v0, v8;
	v42 =	vadd.f32 v42, v19;
	[tilespmem:s15+$0xFFFFFF60] =	vst v13  }
0x2d3: {  	v5 =	vmul.f32 v5, v45;
	v1 =	vmul.f32 v30, v1;
	v45 =	vadd.f32 v44, v33;
	[tilespmem:s15+$0xFFFFFF80] =	vst v39  }
0x2d4: {  	v34 =	vmul.f32 v7, v26;
	v46 =	vadd.f32 v46, v22;
	v8 =	vmul.f32 v8, v0;
	[tilespmem:s15+$0xFFFFFFA0] =	vst v42  }
0x2d5: {  	v38 =	vmul.f32 v1, v25;
	v14 =	vld [tilespmem:$0x1FF70];
	[tilespmem:s15+$0xFFFFFFB0] =	vst v45  }
0x2d6: {  	v9 =	vmul.f32 v34, v7;
	v8 =	vsub.f32 $1.500000000e+00, v8;
	v15 =	vld [tilespmem:$0x1FF80];
	[tilespmem:s15+$0xFFFFFFC0] =	vst v46  }
0x2d7: {  	v10 =	vmul.f32 v38, v1;
	v16 =	vld [tilespmem:$0x1FF90]  }
0x2d8: {  	v6 =	vsub.f32 v21, v24;
	v9 =	vsub.f32 $1.500000000e+00, v9;
	v0 =	vmul.f32 v8, v0;
	v17 =	vld [tilespmem:$0x1FFA0]  }
0x2d9: {  	v11 =	vsub.f32 v20, v24;
	v4 =	vmul.f32 v4, v43;
	v10 =	vsub.f32 $1.500000000e+00, v10  }
0x2da: {  	v49 =	vadd.f32 v28, v18;
	v7 =	vmul.f32 v9, v7;
	v47 =	vmul.f32 v0, v14  }
0x2db: {  	v4 =	vadd.f32 v4, v33;
	v1 =	vmul.f32 v10, v1;
	v52 =	vmul.f32 v0, v15  }
0x2dc: {  	v5 =	vadd.f32 v5, v19;
	v53 =	vmul.f32 v0, v16;
	v9 =	vmul.f32 v47, v58  }
0x2dd: {  	v40 =	vsub.f32 v23, v24;
	[tilespmem:s17+$0xFFFFFFD0] =	vst v49;
	v0 =	vmul.f32 v0, v17;
	v55 =	vmul.f32 v52, v57  }
0x2de: {  	[tilespmem:s17+$0xFFFFFFE0] =	vst v5;
	v58 =	vmul.f32 v7, v15;
	v5 =	vadd.f32 v9, v18;
	v57 =	vmul.f32 v53, v50  }
0x2df: {  	[tilespmem:s17+$0xFFFFFFF0] =	vst v4;
	v56 =	vmul.f32 v7, v14;
	v0 =	vmul.f32 v0, v37;
	v4 =	vadd.f32 v55, v19  }
0x2e0: {  	v59 =	vmul.f32 v7, v16;
	v60 =	vmul.f32 v58, v31;
	[tilespmem:s17+$0xFFFFFF10] =	vst v5;
	v9 =	vadd.f32 v57, v33  }
0x2e1: {  	v7 =	vmul.f32 v7, v17;
	v5 =	vmul.f32 v56, v54;
	v0 =	vadd.f32 v0, v22;
	[tilespmem:s17+$0xFFFFFF20] =	vst v4  }
0x2e2: {  	v8 =	vmul.f32 v59, v48;
	v10 =	vadd.f32 v60, v19;
	v4 =	vmul.f32 v1, v14;
	[tilespmem:s17+$0xFFFFFF30] =	vst v9  }
0x2e3: {  	v61 =	vmul.f32 v1, v15;
	v7 =	vmul.f32 v7, v41;
	v5 =	vadd.f32 v5, v18;
	[tilespmem:s17+$0xFFFFFF40] =	vst v0  }
0x2e4: {  	v8 =	vadd.f32 v8, v33;
	v0 =	vmul.f32 v1, v16;
	[tilespmem:s17+$0xFFFFFF60] =	vst v10;
	v4 =	vmul.f32 v4, v36  }
0x2e5: {  	v62 =	vadd.f32 v7, v22;
	v1 =	vmul.f32 v1, v17;
	[tilespmem:s17+$0xFFFFFF50] =	vst v5;
	v5 =	vmul.f32 v61, v6  }
0x2e6: {  	[tilespmem:s17+$0xFFFFFF70] =	vst v8;
	v0 =	vmul.f32 v0, v11;
	v4 =	vadd.f32 v4, v18  }
0x2e7: {  	s23 =	sshll.u32 s11, $0x1;
	[tilespmem:s17+$0xFFFFFF80] =	vst v62;
	v1 =	vmul.f32 v1, v40;
	v5 =	vadd.f32 v5, v19  }
0x2e8: {  	s15 =	sadd.s32 s5, s23;
	v0 =	vadd.f32 v0, v33;
	[tilespmem:s17+$0xFFFFFF90] =	vst v4  }
0x2e9: {  	s15 =	smul.u32 $0x640, s15;
	v1 =	vadd.f32 v1, v22;
	[tilespmem:s17+$0xFFFFFFA0] =	vst v5  }
0x2ea: {  	p1 =	sgt.u32 s11, $0xD;
	[tilespmem:s17+$0xFFFFFFB0] =	vst v0  }
0x2eb: {  	s13 =	sadd.s32 $0x3, s13;
	s16 =	smul.u32 @!p1 $0x640, s11;
	s15 =	sadd.s32 s4, s15;
	[tilespmem:s17+$0xFFFFFFC0] =	vst v1  }
0x2ec: {  	[hbm4b:s15+s6] =	stream.linear.scatter [tilespmem:s20], [sflag:s13], $0x6400, $0x38;
	[tilespmem:$0x1DB80] =	vst v63  }
0x2ed: {  	s13 =	sshra.s32 @!p1 s16, $0x2  }
0x2ee: {  	s16 =	simm.s32 @!p1 $0x28;
	s15 =	sadd.s32 @!p1 $0x320, s13  }
0x2ef: {  	[tilespmem:s19], [sflag:s12] =	stream.indirect.gather @!p1 [hbm4b:s7+s16], $0x40, s15, s16, $0xb8;
	[tilespmem:$0x1DB80] =	vst v63  }
0x2f0: {  	s17 =	sadd.s32 @!p1 $0x348, s13;
	s15 =	sadd.s32 @!p1 $0x2300, s18  }
0x2f1: {  	[tilespmem:s15], [sflag:s12] =	stream.indirect.gather @!p1 [hbm4b:s7+s16], $0x40, s17, s16, $0xb8;
	[tilespmem:$0x1DB80] =	vst v63  }
0x2f2: {  	s15 =	sadd.s32 @!p1 $0x2D00, s18;
	s17 =	sadd.s32 @!p1 $0x370, s13  }
0x2f3: {  	[tilespmem:s15], [sflag:s12] =	stream.indirect.gather @!p1 [hbm4b:s7+s16], $0x40, s17, s16, $0xb8;
	[tilespmem:$0x1DB80] =	vst v63  }
0x2f4: {  	s15 =	sadd.s32 @!p1 $0x3700, s18;
	s17 =	sadd.s32 @!p1 $0x398, s13  }
0x2f5: {  	[tilespmem:s15], [sflag:s12] =	stream.indirect.gather @!p1 [hbm4b:s7+s16], $0x40, s17, s16, $0xb8;
	[tilespmem:$0x1DB80] =	vst v63  }
0x2f6: {  	s15 =	sadd.s32 @!p1 $0x4100, s18;
	s17 =	sadd.s32 @!p1 $0x3C0, s13  }
0x2f7: {  	[tilespmem:s15], [sflag:s12] =	stream.indirect.gather @!p1 [hbm4b:s7+s16], $0x40, s17, s16, $0xb8;
	[tilespmem:$0x1DB80] =	vst v63  }
0x2f8: {  	s15 =	sadd.s32 @!p1 $0x4B00, s18;
	s17 =	sadd.s32 @!p1 $0x3E8, s13  }
0x2f9: {  	[tilespmem:s15], [sflag:s12] =	stream.indirect.gather @!p1 [hbm4b:s7+s16], $0x40, s17, s16, $0xb8;
	[tilespmem:$0x1DB80] =	vst v63  }
0x2fa: {  	s15 =	sadd.s32 @!p1 $0x5500, s18;
	s17 =	sadd.s32 @!p1 $0x410, s13  }
0x2fb: {  	[tilespmem:s15], [sflag:s12] =	stream.indirect.gather @!p1 [hbm4b:s7+s16], $0x40, s17, s16, $0xb8;
	[tilespmem:$0x1DB80] =	vst v63  }
0x2fc: {  	s15 =	sadd.s32 @!p1 $0x5F00, s18;
	s17 =	sadd.s32 @!p1 $0x438, s13  }
0x2fd: {  	[tilespmem:s15], [sflag:s12] =	stream.indirect.gather @!p1 [hbm4b:s7+s16], $0x40, s17, s16, $0xb8;
	[tilespmem:$0x1DB80] =	vst v63  }
0x2fe: {  	s15 =	sadd.s32 @!p1 $0x6900, s18;
	s17 =	sadd.s32 @!p1 $0x460, s13  }
0x2ff: {  	[tilespmem:s15], [sflag:s12] =	stream.indirect.gather @!p1 [hbm4b:s7+s16], $0x40, s17, s16, $0xb8;
	[tilespmem:$0x1DB80] =	vst v63  }
0x300: {  	s11 =	sadd.s32 $0x1, s11;
	s13 =	sadd.s32 @!p1 $0x488, s13;
	s15 =	sadd.s32 @!p1 $0x7300, s18  }
0x301: {  	[tilespmem:s15], [sflag:s12] =	stream.indirect.gather @!p1 [hbm4b:s7+s16], $0x40, s13, s16, $0xb8;
	[tilespmem:$0x1DB80] =	vst v63  }
0x302: {  	p1 =	sne.s32 s11, $0x10  }
.Ltmp1:
0x303: {  	_ = 	snop;
	(pc) =	sbr.rel @p1 .LBB2_2-.Ltmp1, $2  }
0x304: {  	_ =	sdelay $0x2  }
0x305: {  	p0 =	por !p0, !p0;
	v1 =	vmov v2;
	v2 =	vmov v3;
	v3 =	vmov v63  }
0x306: {  	s3 =	sadd.s32 $0x1, s3  }
0x307: {  	_ =	swait.ge [sflag:s0], $0x6400;
	p0 =	sne.s32 s3, s10  }
.Ltmp2:
0x308: {  	[sflag:s0] =	ssyncset.done $0x0;
	(pc) =	sbr.rel @p0 .LBB2_1-.Ltmp2, $4  }
0x309: {  	[sflag:s0] =	ssyncadd.s32 $0xFFFF9C00  }
0x30a: {  	_ =	swait.ge [sflag:s1], $0x6400  }
0x30b: {  	[sflag:s1] =	ssyncset.done $0x0  }
0x30c: {  	[sflag:s1] =	ssyncadd.s32 $0xFFFF9C00  }
0x30d: {  	_ =	sfence.sel $0x180000  }
0x30e: {  	[bflag:$0x0] =	sbarrier.arrive $0xFFFF  }
0x30f: {  	_ =	strace $0x90000047  }
0x310: {  	s0 =	stileid.u32;
	[bflag:$0x2] =	sbarrier.arrive $0xFFFF  }
0x311: {  	p0 =	sne.s32 s0, $0x0;
	s0 =	rddreg [dreg:$0x4]  }
0x312: {  	s0 =	sadd.s32 @!p0 $0x100000, s0  }
0x313: {  	[sflag:s0] =	ssyncadd.tile.s32 @!p0 $0x1;
	_ =	shalt  }
.Lfunc_end2:
_tile_overlayer_lowered:
.L_overlay_start_2:
0x314: {  	(tag) =	ssettag $0x2  }
0x315: {  	s0 =	rddreg [dreg:$0x0];
	s2 =	stileid.u32  }
0x316: {  	s1 =	rddreg [dreg:$0x1];
	p0 =	sne.s32 s2, $0x0  }
0x317: {  	s3 =	rddreg [dreg:$0x2];
	[bflag:$0x3] =	sbarrier.arrive $0xFFFF;
	s2 =	simm.s32 @!p0 $0x1C05  }
0x318: {  	[timem:s3], [sflag:s2] =	dma.local @!p0 [hbm:s0], s1  }
0x319: {  	s0 =	simm.s32 @!p0 $0x5  }
0x31a: {  	_ =	swait.ge @!p0 [sflag:s0], s1  }
0x31b: {  	s1 =	ssub.s32 @!p0 $0x0, s1;
	[sflag:s0] =	ssyncset.done @!p0 $0x0  }
0x31c: {  	[sflag:s0] =	ssyncadd.s32 @!p0 s1  }
0x31d: {  	[bflag:$0x3] =	sbarrier.arrive $0xFFFF  }
0x31e: {  	_ =	shalt  }

// kernel: sparse-core-data-format-call.cloned.1.call-start
scs
called_computation_lowered:
.L_overlay_start_0:
0x0: {  	s2 =	sld [smem:$0x3FD9]  }
0x1: {  	s3 =	sld [smem:$0x3FFE];
	_ =	sdelay $0x1  }
0x2: {  	s1 =	srdreg.scid  }
0x3: {  	s0 =	sand.u32 $0x1, s1  }
0x4: {  	s18 =	sshll.u32 s0, $0xA;
	s2 =	sadd.s32 s3, s2  }
0x5: {  	s2 =	sadd.s32 s2, s18  }
0x6: {  	[smem:$0x3FC3] =	sst s2  }
0x7: {  	_ = 	snop  }
0x8: {  	s2 =	sld [smem:$0x3FD0];
	(tm) =	ssettm $0x1  }
0x9: {  	s19 =	sld [smem:$0x3FFB];
	_ =	sdelay $0x3  }
0xa: {  	_ =	strace s19  }
0xb: {  	s3 =	sld [smem:$0x3FFC];
	_ =	sdelay $0x3  }
0xc: {  	_ =	strace s3  }
0xd: {  	s3 =	sld [smem:$0x3FFD];
	_ =	sdelay $0x3  }
0xe: {  	_ =	strace s3  }
0xf: {  	_ =	strace $0x8FFFFFFF  }
0x10: {  	s20 =	sld [smem:$0x3FDB];
	_ =	sdelay $0x1  }
0x11: {  	s4 =	simm.s32 $_scs_section_size  }
0x12: {  	s5 =	simm.s32 $_size__tile_overlayer_lowered;
	s6 =	simm.s32 $_tile_overlayer_lowered  }
0x13: {  	s23 =	simm.s32 $0x1BFF;
	s22 =	sshll.u32 s6, $0x1;
	s3 =	sadd.s32 s4, s20  }
0x14: {  	s7 =	simm.s32 $0x0;
	s21 =	sshll.u32 s5, $0x1;
	s5 =	sadd.s32 s22, s3  }
0x15: {  	[timem:s7], [sflag:s23] =	dma.local [hbm:s5], s21  }
0x16: {  	_ =	swait.ge [sflag:s23], s21  }
0x17: {  	s4 =	ssub.s32 $0x0, s21;
	[sflag:s23] =	ssyncset.done $0x0  }
0x18: {  	[sflag:s23] =	ssyncadd.s32 s4;
	_ =	sdelay $0x1  }
0x19: {  	s24 =	simm.s32 $0x1B8B  }
0x1a: {  	_ =	swait.ge [sflag:s24], $0x1  }
0x1b: {  	[sflag:s24] =	ssyncset.done $0x0  }
0x1c: {  	s26 =	simm.s32 $0x1B8E;
	s25 =	sld [smem:$0x3FFE];
	[sflag:s24] =	ssyncadd.s32 $0xFFFFFFFF  }
0x1d: {  	s27 =	simm.s32 $execute0_lowered;
	[smem:$0x3FD2] =	sst s26  }
0x1e: {  	s5 =	sshll.u32 s27, $0x1;
	_ =	strace $0x80000049;
	[dreg:$0x1] =	wrdreg $0xFFFFFFFF  }
0x1f: {  	s28 =	simm.s32 $_size_execute0_lowered;
	s3 =	sadd.s32 s3, s5;
	[dreg:$0x0] =	wrdreg $0x0  }
0x20: {  	s5 =	sshll.u32 s28, $0x1;
	[dreg:$0x2] =	wrdreg s3  }
0x21: {  	[dreg:$0x3] =	wrdreg s5  }
0x22: {  	[dreg:$0x4] =	wrdreg $0xC0  }
0x23: {  	_ =	task [dreg:s7], $0x5FFFF  }
0x24: {  	[dreg:$0x1] =	wrdreg $0xFFFFFFFF  }
0x25: {  	[dreg:$0x0] =	wrdreg $0x60  }
0x26: {  	[dreg:$0x2] =	wrdreg s25  }
0x27: {  	[dreg:$0x3] =	wrdreg s2  }
0x28: {  	[dreg:$0x4] =	wrdreg $0x9  }
0x29: {  	_ =	task.clear_ibuf [dreg:s7], $0x5FFFF;
	_ =	strace $0x90000049  }
0x2a: {  	s29 =	simm.s32 $0x9;
	_ =	strace $0x8000004B  }
0x2b: {  	_ =	swait.ge [sflag:s29], $0x1  }
0x2c: {  	[sflag:s29] =	ssyncadd.s32 $0xFFFFFFFF  }
0x2d: {  	_ =	strace $0x9000004B  }
0x2e: {  	_ =	sfence  }
0x2f: {  	s30 =	sld [smem:$0x0];
	_ =	sdelay $0x2  }
0x30: {  	s31 =	sshll.u32 s1, $0xD;
	s1 =	sshrl.u32 s1, $0x2  }
0x31: {  	s3 =	sand.u32 $0x4000, s31;
	s1 =	sadd.s32 s1, s30  }
0x32: {  	s0 =	sor.u32 s3, s0;
	s1 =	sshll.u32 s1, $0x11  }
0x33: {  	s0 =	sor.u32 s1, s0  }
0x34: {  	s0 =	sadd.s32 $0x8F2B, s0  }
0x35: {  	[sflag:s0] =	ssyncadd.remote.s32 $0x1  }
0x36: {  	_ =	sfence.sel $0xFFFF  }
0x37: {  	[dreg:$0x0] =	wrdreg $0xFFFFFFFF;
	(pc) =	sbr.abs _section_cstart, $3  }
0x38: {  	[dreg:$0x1] =	wrdreg $0xFFFFFFFF  }
0x39: {  	_ =	task.clear_ibuf [dreg:s7], $0x2FFFF;
	_ =	strace $0x9FFFFFFF  }
0x3a: {  	(tm) =	ssettm $0x7FFFFFFF  }
0x3b: {  	_ =	shalt  }
tec
execute0_lowered:
.L_overlay_start_1:
0x0: {  	(tag) =	ssettag $0x1  }
0x1: {  	s0 =	stileid.u32;
	s6 =	rddreg [dreg:$0x0]  }
0x2: {  	s2 =	rddreg [dreg:$0x1];
	s5 =	srdreg.scid  }
0x3: {  	s31 =	simm.s32 $0x2;
	s13 =	simm.s32 $0x0;
	s1 =	sshll.u32 s0, $0x7  }
0x4: {  	s14 =	simm.s32 $0x0;
	s12 =	simm.s32 $0x0;
	s3 =	sand.u32 $0x380, s1  }
0x5: {  	s5 =	sshll.u32 s5, $0x4;
	s6 =	sadd.s32 $0x800, s6;
	s4 =	ssub.s32 $0x400, s3  }
0x6: {  	s1 =	rddreg [dreg:$0x2];
	_ =	strace $0x8000004A;
	s7 =	sand.u32 $0x380, s4  }
0x7: {  	s5 =	sand.u32 $0x10, s5;
	p0 =	sne.s32 s7, $0x0;
	s7 =	simm.s32 $0x1  }
.Ltmp0:
0x8: {  	s8 =	sshrl.u32 s4, $0xA;
	s7 =	simm.s32 @!p0 $0x0;
	(pc) =	sbr.rel .LBB1_1-.Ltmp0, $4  }
0x9: {  	s9 =	sor.u32 s0, s5;
	s4 =	simm.s32 $0x1;
	s30 =	sadd.s32 s7, s8  }
0xa: {  	s11 =	smov.u32 s3;
	[sflag:s4] =	ssyncpa.u1 $0x0;
	s5 =	smul.u32 $0x32, s30  }
0xb: {  	[sflag:s31] =	ssyncpa.u1 $0x0;
	p0 =	por $0x0, $0x0;
	s7 =	sshrl.u32 s9, $0x3  }
0xc: {  	s9 =	simm.s32 $0x2000;
	s10 =	smov.u32 s7;
	s8 =	sor.u32 $0x1, s5  }
.LBB1_4:
0xd: {  	s17 =	sand.u32 $0x1F80, s14;
	s13 =	sshll.u32 s13, $0xD  }
0xe: {  	[tilespmem:s16+$0x810 ss:$0x81] =	vst.msk $0xffff, v2;
	s18 =	sshrl.u32 s14, $0x3;
	s31 =	sand.u32 $0x7, s14;
	s17 =	sadd.s32 s2, s17  }
0xf: {  	[tilespmem:s16+$0x1020 ss:$0x81] =	vst.msk $0xffff, v0;
	s18 =	sand.u32 $0xF, s18;
	s14 =	sshll.u32 s31, $0x12;
	s13 =	sadd.s32 s13, s17  }
0x10: {  	[tilespmem:s16+$0x0 ss:$0x81] =	vst.msk $0xffff, v1;
	s14 =	sor.u32 $0x400, s14;
	s13 =	sadd.s32 s18, s13  }
0x11: {  	[hbm4b:s13+s14] =	stream.strided.scatter [tilespmem:s15], [sflag:$0x2], $0x2000, s9, s14, $0x20;
	[tilespmem:$0x8080] =	vst v63  }
.LBB1_5:
0x12: {  	s15 =	sadd.s32 $0x4, s10  }
0x13: {  	s13 =	sadd.s32 $0x400, s11;
	s17 =	smov.u32 s11;
	p2 =	sgt.s32 s15, $0xC7  }
0x14: {  	s17 =	smov.u32 @p2 s13  }
0x15: {  	s15 =	smov.u32 @p2 s7;
	p2 =	sgt.s32 s17, $0x3FF  }
0x16: {  	s17 =	smov.u32 @p2 s3;
	p2 =	sne.s32 s12, s8  }
.Ltmp1:
0x17: {  	p1 =	slt.u32 s12, $0x2;
	(pc) =	sbr.rel @!p2 .LBB1_6-.Ltmp1, $4  }
0x18: {  	s16 =	simm.s32 @!p1 $0x2  }
0x19: {  	s14 =	smov.u32 s11;
	p0 =	por !p0, !p0;
	_ =	swait.ge @!p1 [sflag:s16], $0x2000  }
0x1a: {  	s13 =	smov.u32 s10;
	[sflag:s16] =	ssyncset.done @!p1 $0x0;
	s10 =	smov.u32 s15  }
0x1b: {  	s12 =	sadd.s32 $0x1, s12;
	[sflag:s16] =	ssyncadd.s32 @!p1 $0xFFFFE000;
	s11 =	smov.u32 s17  }
.LBB1_1:
0x1c: {  	p1 =	sge.u32 s12, s5  }
0x1d: {  	s15 =	sand.u32 @!p1 $0x1FFFFFF, s10  }
0x1e: {  	s16 =	smulhi.u32 @!p1 $0x147AE15, s15;
	_ =	sdelay $0x1  }
0x1f: {  	s16 =	smul.u32 @!p1 $0xC8, s16  }
0x20: {  	s17 =	sxor.u32 @!p1 $0xFFFFFFFF, s12;
	s18 =	smul.u32 @!p1 $0xC80, s11  }
0x21: {  	s31 =	sadd.s32 $0xFFFFFFFF, s12;
	s17 =	sshll.u32 @!p1 s17, $0xD;
	s15 =	ssub.s32 @!p1 s15, s16  }
0x22: {  	s16 =	sand.u32 @!p1 $0x2000, s17;
	s17 =	sadd.s32 @!p1 s6, s18;
	s15 =	sshll.u32 @!p1 s15, $0x4  }
0x23: {  	s18 =	simm.s32 @!p1 $0x6400;
	s15 =	sadd.s32 @!p1 s15, s17;
	s17 =	simm.s32 @!p1 $0x40  }
0x24: {  	[tilespmem:s16], [sflag:$0x1] =	stream.strided.gather @!p1 [hbm4b:s15+s17], $0x2000, s18, s17, $0x38;
	[tilespmem:$0x8080] =	vst v63  }
0x25: {  	p1 =	sge.u32 s31, s5  }
.Ltmp2:
0x26: {  	_ = 	snop;
	(pc) =	sbr.rel @p1 .LBB1_5-.Ltmp2, $1  }
0x27: {  	_ =	sdelay $0x3  }
0x28: {  	s15 =	simm.s32 $0x1  }
0x29: {  	_ =	swait.ge [sflag:s4], $0x2000;
	s15 =	simm.s32 @!p0 $0x0  }
0x2a: {  	[sflag:s4] =	ssyncset.done $0x0;
	s16 =	sshll.u32 s15, $0xD  }
0x2b: {  	[sflag:s4] =	ssyncadd.s32 $0xFFFFE000;
	s19 =	sor.u32 $0x20, s16  }
0x2c: {  	s15 =	smul.u32 $0x8100, s15;
	v3 =	vld [tilespmem:s19+$0x10]  }
0x2d: {  	s30 =	sand.u32 $0x1, s12;
	v2 =	vld [tilespmem:s19+$0xFFFFFFF0]  }
0x2e: {  	s16 =	smul.u32 $0x8100, s30;
	s15 =	sshrl.u32 s15, $0x2;
	v0 =	vld [tilespmem:s19+$0x0]  }
0x2f: {  	v1 =	vld [tilespmem:s19+$0xFFFFFFE0];
	s17 =	sor.u32 $0x4000, s15  }
0x30: {  	s31 =	sshrl.u32 s16, $0x2;
	s16 =	sadd.s32 $0x0, s17  }
0x31: {  	s18 =	simm.s32 $0x4;
	s19 =	sadd.s32 $0x40, s19;
	s15 =	sor.u32 $0x4000, s31;
	[tilespmem:s16+$0x1830 ss:$0x81] =	vst.msk $0xffff, v3  }
.LBB1_3:
0x32: {  	v3 =	vld [tilespmem:s19+$0x10];
	p1 =	sne.s32 s18, $0x1FC;
	[tilespmem:s16+$0x810 ss:$0x81] =	vst.msk $0xffff, v2;
	s20 =	smov.u32 s18;
	s18 =	sadd.s32 $0x4, s18  }
.Ltmp3:
0x33: {  	v2 =	vld [tilespmem:s19+$0xFFFFFFF0];
	[tilespmem:s16+$0x1020 ss:$0x81] =	vst.msk $0xffff, v0;
	(pc) =	sbr.rel @p1 .LBB1_3-.Ltmp3, $4  }
0x34: {  	v0 =	vld [tilespmem:s19+$0x0];
	[tilespmem:s16+$0x0 ss:$0x81] =	vst.msk $0xffff, v1  }
0x35: {  	s16 =	sshra.s32 s20, $0x2;
	v1 =	vld [tilespmem:s19+$0xFFFFFFE0]  }
0x36: {  	s16 =	sadd.s32 s16, s17  }
0x37: {  	s19 =	sadd.s32 $0x40, s19;
	[tilespmem:s16+$0x1830 ss:$0x81] =	vst.msk $0xffff, v3  }
.Ltmp4:
0x38: {  	_ = 	snop;
	(pc) =	sbr.rel .LBB1_4-.Ltmp4, $1  }
0x39: {  	_ =	sdelay $0x3  }
.LBB1_6:
0x3a: {  	_ =	sfence.sel $0x180000  }
0x3b: {  	s2 =	simm.s32 $0x1;
	[bflag:$0x0] =	sbarrier.arrive $0xFFFF  }
0x3c: {  	s31 =	simm.s32 $0x2;
	[sflag:s2] =	ssyncpa.u1 $0x1  }
0x3d: {  	[sflag:s31] =	ssyncpa.u1 $0x1  }
0x3e: {  	p0 =	sne.s32 s0, $0x0;
	_ =	strace $0x9000004A  }
0x3f: {  	s0 =	sadd.s32 @!p0 $0x100000, s1;
	[bflag:$0x2] =	sbarrier.arrive $0xFFFF  }
0x40: {  	[sflag:s0] =	ssyncadd.tile.s32 @!p0 $0x1;
	_ =	shalt  }
.Lfunc_end1:
_tile_overlayer_lowered:
.L_overlay_start_2:
0x41: {  	(tag) =	ssettag $0x2  }
0x42: {  	s0 =	rddreg [dreg:$0x0];
	s2 =	stileid.u32  }
0x43: {  	s1 =	rddreg [dreg:$0x1];
	p0 =	sne.s32 s2, $0x0  }
0x44: {  	s3 =	rddreg [dreg:$0x2];
	[bflag:$0x3] =	sbarrier.arrive $0xFFFF;
	s2 =	simm.s32 @!p0 $0x1C01  }
0x45: {  	[timem:s3], [sflag:s2] =	dma.local @!p0 [hbm:s0], s1  }
0x46: {  	s0 =	simm.s32 @!p0 $0x1  }
0x47: {  	_ =	swait.ge @!p0 [sflag:s0], s1  }
0x48: {  	s1 =	ssub.s32 @!p0 $0x0, s1;
	[sflag:s0] =	ssyncset.done @!p0 $0x0  }
0x49: {  	[sflag:s0] =	ssyncadd.s32 @!p0 s1  }
0x4a: {  	[bflag:$0x3] =	sbarrier.arrive $0xFFFF  }
0x4b: {  	_ =	shalt  }

</sc_bundles>
